<compile_context>
chip_gen: v7x
topology: tpu7x:2x2x1
jax: 0.10.2.dev20260603
libtpu: 0.0.44.dev20260713+nightly
codegen_flags: <defaults>
</compile_context>

<pallas_src>
import functools

import jax
import jax.numpy as jnp
from jax import lax
from jax.experimental import pallas as pl
from jax.experimental.pallas import tpu as pltpu
from jax.experimental.pallas import tpu_sc as plsc

N = 10000
D = 128
E = 320000

NC = 2
NS = 16
NW = NC * NS
CHUNK = 128
NCHUNK = 80
E_PER_W = NCHUNK * CHUNK
E_PAD = NW * E_PER_W
TOT_CHUNKS = NW * NCHUNK
N_ACC = 10112
R_PER_TILE = N_ACC // NS
N_CNT = 10240
C_PER_TILE = N_CNT // NS
NBUF = 2
NPHASE = 2
CH_PH = NCHUNK // NPHASE
E_PH = CH_PH * CHUNK
NGROUP = CH_PH // NBUF
DEG_WIN = 8

_sc_mesh = plsc.VectorSubcoreMesh(core_axis_name="c", subcore_axis_name="s")


@functools.partial(
    pl.kernel,
    out_type=jax.ShapeDtypeStruct((NC * N_CNT,), jnp.float32),
    mesh=_sc_mesh,
    scratch_types=[
        pltpu.VMEM((NCHUNK, CHUNK), jnp.int32),
        pltpu.VMEM((CHUNK,), jnp.float32),
        pltpu.VMEM((C_PER_TILE,), jnp.float32),
        pltpu.VMEM_SHARED((N_CNT,), jnp.float32),
        pltpu.SemaphoreType.DMA,
    ],
)
def _sc_degree(dst2d_hbm, out_hbm, didx, ones_v, zbuf, acc, sem):
    cid = lax.axis_index("c")
    sid = lax.axis_index("s")
    wid = sid * NC + cid
    for i in range(CHUNK // 16):
        ones_v[pl.ds(i * 16, 16)] = jnp.ones((16,), jnp.float32)
    for i in range(C_PER_TILE // 16):
        zbuf[pl.ds(i * 16, 16)] = jnp.zeros((16,), jnp.float32)
    cbase = pl.multiple_of(wid * NCHUNK, 8)
    pltpu.sync_copy(dst2d_hbm.at[pl.ds(cbase, NCHUNK)], didx)
    tbase = pl.multiple_of(sid * C_PER_TILE, 8)
    pltpu.sync_copy(zbuf, acc.at[pl.ds(tbase, C_PER_TILE)])
    plsc.subcore_barrier()

    def body(j, carry):
        @pl.when(j >= DEG_WIN)
        def _():
            pltpu.make_async_copy(ones_v, acc.at[didx.at[0]], sem).wait()
        pltpu.async_copy(ones_v, acc.at[didx.at[j]], sem, add=True)
        return carry

    lax.fori_loop(0, NCHUNK, body, 0)
    for _ in range(DEG_WIN):
        pltpu.make_async_copy(ones_v, acc.at[didx.at[0]], sem).wait()
    plsc.subcore_barrier()
    obase = pl.multiple_of(cid * N_CNT + tbase, 8)
    pltpu.sync_copy(acc.at[pl.ds(tbase, C_PER_TILE)],
                    out_hbm.at[pl.ds(obase, C_PER_TILE)])


@functools.partial(
    pl.kernel,
    out_type=jax.ShapeDtypeStruct((NC, N_ACC, D), jnp.float32),
    mesh=_sc_mesh,
    scratch_types=[
        pltpu.VMEM((E_PH,), jnp.int32),
        pltpu.VMEM((CH_PH, CHUNK), jnp.int32),
        pltpu.VMEM((NBUF, CHUNK, D), jnp.float32),
        pltpu.VMEM_SHARED((N_ACC, D), jnp.float32),
        pltpu.SemaphoreType.DMA((NBUF,)),
        pltpu.SemaphoreType.DMA((NBUF,)),
    ],
)
def _sc_propagate(h2_hbm, src_hbm, dst2d_hbm, zrows_hbm, out_hbm,
                  sidx, didx, rows, acc, semg, sems):
    cid = lax.axis_index("c")
    sid = lax.axis_index("s")
    wid = sid * NC + cid
    rbase = pl.multiple_of(sid * R_PER_TILE, 8)

    @pl.when(cid == 0)
    def _():
        pltpu.sync_copy(h2_hbm.at[pl.ds(rbase, R_PER_TILE)],
                        acc.at[pl.ds(rbase, R_PER_TILE)])

    @pl.when(cid == 1)
    def _():
        pltpu.sync_copy(zrows_hbm.at[pl.ds(rbase, R_PER_TILE)],
                        acc.at[pl.ds(rbase, R_PER_TILE)])

    plsc.subcore_barrier()

    for p in range(NPHASE):
        ebase = pl.multiple_of(wid * E_PER_W + p * E_PH, 8)
        pltpu.sync_copy(src_hbm.at[pl.ds(ebase, E_PH)], sidx)
        cbase = pl.multiple_of(wid * NCHUNK + p * CH_PH, 8)
        pltpu.sync_copy(dst2d_hbm.at[pl.ds(cbase, CH_PH)], didx)

        for b in range(NBUF):
            pltpu.async_copy(h2_hbm.at[sidx.at[pl.ds(b * CHUNK, CHUNK)]],
                             rows.at[b], semg.at[b])

        def group(g, carry):
            for b in range(NBUF):
                j = g * NBUF + b
                pltpu.make_async_copy(h2_hbm.at[sidx.at[pl.ds(0, CHUNK)]],
                                      rows.at[b], semg.at[b]).wait()
                pltpu.async_copy(rows.at[b], acc.at[didx.at[j]], sems.at[b],
                                 add=True)

            @pl.when(g < NGROUP - 1)
            def _():
                for b in range(NBUF):
                    j = (g + 1) * NBUF + b
                    pltpu.make_async_copy(rows.at[b], acc.at[didx.at[0]],
                                          sems.at[b]).wait()
                    pltpu.async_copy(
                        h2_hbm.at[sidx.at[pl.ds(j * CHUNK, CHUNK)]],
                        rows.at[b], semg.at[b])
            return carry

        lax.fori_loop(0, NGROUP, group, 0)
        for b in range(NBUF):
            pltpu.make_async_copy(rows.at[b], acc.at[didx.at[0]],
                                  sems.at[b]).wait()
    plsc.subcore_barrier()
    pltpu.sync_copy(acc.at[pl.ds(rbase, R_PER_TILE)],
                    out_hbm.at[cid, pl.ds(rbase, R_PER_TILE)])


def _tc_in_body(c0, c1, x, w, h2):
    dis = lax.rsqrt(c0[...] + c1[...] + 1.0)
    h2[...] = jnp.dot(x[...], w[...], preferred_element_type=jnp.float32) * dis


_tc_in = pl.pallas_call(
    _tc_in_body,
    out_shape=jax.ShapeDtypeStruct((N_ACC, D), jnp.float32),
)


def _tc_mid_body(a0, a1, c0, c1, b, w, h2):
    dis = lax.rsqrt(c0[...] + c1[...] + 1.0)
    x2 = jnp.maximum(dis * (a0[...] + a1[...]) + b[...], 0.0)
    h2[...] = jnp.dot(x2, w[...], preferred_element_type=jnp.float32) * dis


_tc_mid = pl.pallas_call(
    _tc_mid_body,
    out_shape=jax.ShapeDtypeStruct((N_ACC, D), jnp.float32),
)


def _tc_out_body(a0, a1, c0, c1, b, out):
    dis = lax.rsqrt(c0[...] + c1[...] + 1.0)
    out[...] = jnp.maximum(dis * (a0[...] + a1[...]) + b[...], 0.0)


_tc_out = pl.pallas_call(
    _tc_out_body,
    out_shape=jax.ShapeDtypeStruct((N_ACC, D), jnp.float32),
)


def kernel(x, edge_index, W1, b1, W2, b2):
    src = edge_index[0].astype(jnp.int32)
    dst = edge_index[1].astype(jnp.int32)
    pad = E_PAD - E
    pad_idx = jnp.arange(pad, dtype=jnp.int32)
    srcp = jnp.concatenate([src, pad_idx % N])
    dstp = jnp.concatenate([dst, N + pad_idx % (N_ACC - N)])
    dst2d = dstp.reshape(TOT_CHUNKS, CHUNK)

    counts = _sc_degree(dst2d)
    c0 = counts[:N_ACC].reshape(N_ACC, 1)
    c1 = counts[N_CNT:N_CNT + N_ACC].reshape(N_ACC, 1)
    xp = jnp.pad(x, ((0, N_ACC - N), (0, 0)))
    zrows = jnp.zeros((N_ACC, D), jnp.float32)
    b1r = b1.reshape(1, D)
    b2r = b2.reshape(1, D)

    h2 = _tc_in(c0, c1, xp, W1)
    a = _sc_propagate(h2, srcp, dst2d, zrows)
    h2b = _tc_mid(a[0], a[1], c0, c1, b1r, W2)
    a2 = _sc_propagate(h2b, srcp, dst2d, zrows)
    return _tc_out(a2[0], a2[1], c0, c1, b2r)[:N]

# --- scband reference (transcript-rebuilt; emitter-appended) ---
"""Pipeline reference for scband-roster-gnn-9560597201316 (READ-ONLY COPY).

The authoritative reference and input builder live on the scoring server;
editing this copy changes nothing except your own understanding.
"""

import jax, jax.numpy as jnp
import numpy as np

N_NODES = 10000
D_IN = 128
D_HID = 128
N_EDGES = 320000


def gcn_conv(x, edge_index, W, b):
    num_nodes = x.shape[0]
    src = edge_index[0]
    dst = edge_index[1]
    # add self loops (PyG GCNConv default add_self_loops=True)
    loop = jnp.arange(num_nodes, dtype=src.dtype)
    src = jnp.concatenate([src, loop])
    dst = jnp.concatenate([dst, loop])
    edge_weight = jnp.ones(src.shape[0], dtype=x.dtype)
    # symmetric normalization deg^{-1/2}[src] * deg^{-1/2}[dst]
    deg = jax.ops.segment_sum(edge_weight, dst, num_segments=num_nodes)
    deg_inv_sqrt = jnp.where(deg > 0, 1.0 / jnp.sqrt(deg), 0.0)
    norm = deg_inv_sqrt[src] * deg_inv_sqrt[dst]
    # linear transform then propagate (gather from src, scatter-add to dst)
    h = x @ W
    msg = h[src] * norm[:, None]
    out = jax.ops.segment_sum(msg, dst, num_segments=num_nodes)
    return out + b


def setup_inputs(seed: int = 0) -> dict:
    key = jax.random.key(seed)
    k1, k2, k3, k4 = jax.random.split(key, 4)
    x = jax.random.normal(k1, (N_NODES, D_IN), dtype=jnp.float32)
    edge_index = jax.random.randint(k2, (2, N_EDGES), 0, N_NODES, dtype=jnp.int64)
    # glorot-like init for GCN weights
    s1 = float(np.sqrt(6.0 / (D_IN + D_HID)))
    W1 = jax.random.uniform(k3, (D_IN, D_HID), dtype=jnp.float32, minval=-s1, maxval=s1)
    b1 = jnp.zeros((D_HID,), dtype=jnp.float32)
    s2 = float(np.sqrt(6.0 / (D_HID + D_HID)))
    W2 = jax.random.uniform(k4, (D_HID, D_HID), dtype=jnp.float32, minval=-s2, maxval=s2)
    b2 = jnp.zeros((D_HID,), dtype=jnp.float32)
    return {"x": x, "edge_index": edge_index, "W1": W1, "b1": b1, "W2": W2, "b2": b2}


def reference(x, edge_index, W1, b1, W2, b2):
    h = gcn_conv(x, edge_index, W1, b1)
    h = jax.nn.relu(h)
    h = gcn_conv(h, edge_index, W2, b2)
    h = jax.nn.relu(h)
    return h

if __name__ == "__main__":
    import jax
    _d = setup_inputs()
    print(jax.jit(kernel)(*tuple(_d.values())))

</pallas_src>

<mosaic_0001>
#map = affine_map<(d0, d1) -> (0, 0)>
#map1 = affine_map<(d0, d1) -> (0)>
module attributes {stable_mosaic.version = 14 : i64} {
  func.func @_sc_degree(%arg0: i32, %arg1: i32, %arg2: memref<2560x128xi32, #tpu.memory_space<hbm>>, %arg3: memref<20480xf32, #tpu.memory_space<hbm>>, %arg4: memref<80x128xi32, #tpu.memory_space<vmem>>, %arg5: memref<128xf32, #tpu.memory_space<vmem>>, %arg6: memref<640xf32, #tpu.memory_space<vmem>>, %arg7: memref<10240xf32, #tpu.memory_space<vmem_shared>>, %arg8: memref<!tpu.dma_semaphore, #tpu.memory_space<semaphore_mem>>) attributes {dimension_semantics = [#tpu.dimension_semantics<core_parallel>, #tpu.dimension_semantics<subcore_parallel>], iteration_bounds = array<i64: 2, 16>, scalar_prefetch = 0 : i64, scratch_operands = 5 : i64, tpu.core_type = #tpu.core_type<sc_vector_subcore>, window_params = [{transform_indices = #map}, {transform_indices = #map1}]} {
    %mul3A = arith.constant 2 : i32
    %mul3A_0 = arith.muli %arg1, %mul3A : i32
    %add3A = arith.addi %mul3A_0, %arg0 : i32
    %broadcast_in_dim3A = arith.constant 1.000000e+00 : f32
    %broadcast_in_dim3A_1 = vector.broadcast %broadcast_in_dim3A : f32 to vector<16xf32>
    %swap3A = arith.constant 0 : index
    %swap3A_2 = tpu.vector_load %arg5[%swap3A] {strides = array<i32>} : memref<128xf32, #tpu.memory_space<vmem>>, vector<16xf32>,
    %swap3A_3 = vector.shape_cast %swap3A_2 : vector<16xf32> to vector<16xf32>
    %swap3A_4 = vector.shape_cast %broadcast_in_dim3A_1 : vector<16xf32> to vector<16xf32>
    tpu.vector_store %arg5[%swap3A], %swap3A_4 {strides = array<i32>} : memref<128xf32, #tpu.memory_space<vmem>>, vector<16xf32>,
    %broadcast_in_dim3A_5 = arith.constant 1.000000e+00 : f32
    %broadcast_in_dim3A_6 = vector.broadcast %broadcast_in_dim3A_5 : f32 to vector<16xf32>
    %swap3A_7 = arith.constant 16 : index
    %swap3A_8 = tpu.vector_load %arg5[%swap3A_7] {strides = array<i32>} : memref<128xf32, #tpu.memory_space<vmem>>, vector<16xf32>,
    %swap3A_9 = vector.shape_cast %swap3A_8 : vector<16xf32> to vector<16xf32>
    %swap3A_10 = vector.shape_cast %broadcast_in_dim3A_6 : vector<16xf32> to vector<16xf32>
    tpu.vector_store %arg5[%swap3A_7], %swap3A_10 {strides = array<i32>} : memref<128xf32, #tpu.memory_space<vmem>>, vector<16xf32>,
    %broadcast_in_dim3A_11 = arith.constant 1.000000e+00 : f32
    %broadcast_in_dim3A_12 = vector.broadcast %broadcast_in_dim3A_11 : f32 to vector<16xf32>
    %swap3A_13 = arith.constant 32 : index
    %swap3A_14 = tpu.vector_load %arg5[%swap3A_13] {strides = array<i32>} : memref<128xf32, #tpu.memory_space<vmem>>, vector<16xf32>,
    %swap3A_15 = vector.shape_cast %swap3A_14 : vector<16xf32> to vector<16xf32>
    %swap3A_16 = vector.shape_cast %broadcast_in_dim3A_12 : vector<16xf32> to vector<16xf32>
    tpu.vector_store %arg5[%swap3A_13], %swap3A_16 {strides = array<i32>} : memref<128xf32, #tpu.memory_space<vmem>>, vector<16xf32>,
    %broadcast_in_dim3A_17 = arith.constant 1.000000e+00 : f32
    %broadcast_in_dim3A_18 = vector.broadcast %broadcast_in_dim3A_17 : f32 to vector<16xf32>
    %swap3A_19 = arith.constant 48 : index
    %swap3A_20 = tpu.vector_load %arg5[%swap3A_19] {strides = array<i32>} : memref<128xf32, #tpu.memory_space<vmem>>, vector<16xf32>,
    %swap3A_21 = vector.shape_cast %swap3A_20 : vector<16xf32> to vector<16xf32>
    %swap3A_22 = vector.shape_cast %broadcast_in_dim3A_18 : vector<16xf32> to vector<16xf32>
    tpu.vector_store %arg5[%swap3A_19], %swap3A_22 {strides = array<i32>} : memref<128xf32, #tpu.memory_space<vmem>>, vector<16xf32>,
    %broadcast_in_dim3A_23 = arith.constant 1.000000e+00 : f32
    %broadcast_in_dim3A_24 = vector.broadcast %broadcast_in_dim3A_23 : f32 to vector<16xf32>
    %swap3A_25 = arith.constant 64 : index
    %swap3A_26 = tpu.vector_load %arg5[%swap3A_25] {strides = array<i32>} : memref<128xf32, #tpu.memory_space<vmem>>, vector<16xf32>,
    %swap3A_27 = vector.shape_cast %swap3A_26 : vector<16xf32> to vector<16xf32>
    %swap3A_28 = vector.shape_cast %broadcast_in_dim3A_24 : vector<16xf32> to vector<16xf32>
    tpu.vector_store %arg5[%swap3A_25], %swap3A_28 {strides = array<i32>} : memref<128xf32, #tpu.memory_space<vmem>>, vector<16xf32>,
    %broadcast_in_dim3A_29 = arith.constant 1.000000e+00 : f32
    %broadcast_in_dim3A_30 = vector.broadcast %broadcast_in_dim3A_29 : f32 to vector<16xf32>
    %swap3A_31 = arith.constant 80 : index
    %swap3A_32 = tpu.vector_load %arg5[%swap3A_31] {strides = array<i32>} : memref<128xf32, #tpu.memory_space<vmem>>, vector<16xf32>,
    %swap3A_33 = vector.shape_cast %swap3A_32 : vector<16xf32> to vector<16xf32>
    %swap3A_34 = vector.shape_cast %broadcast_in_dim3A_30 : vector<16xf32> to vector<16xf32>
    tpu.vector_store %arg5[%swap3A_31], %swap3A_34 {strides = array<i32>} : memref<128xf32, #tpu.memory_space<vmem>>, vector<16xf32>,
    %broadcast_in_dim3A_35 = arith.constant 1.000000e+00 : f32
    %broadcast_in_dim3A_36 = vector.broadcast %broadcast_in_dim3A_35 : f32 to vector<16xf32>
    %swap3A_37 = arith.constant 96 : index
    %swap3A_38 = tpu.vector_load %arg5[%swap3A_37] {strides = array<i32>} : memref<128xf32, #tpu.memory_space<vmem>>, vector<16xf32>,
    %swap3A_39 = vector.shape_cast %swap3A_38 : vector<16xf32> to vector<16xf32>
    %swap3A_40 = vector.shape_cast %broadcast_in_dim3A_36 : vector<16xf32> to vector<16xf32>
    tpu.vector_store %arg5[%swap3A_37], %swap3A_40 {strides = array<i32>} : memref<128xf32, #tpu.memory_space<vmem>>, vector<16xf32>,
    %broadcast_in_dim3A_41 = arith.constant 1.000000e+00 : f32
    %broadcast_in_dim3A_42 = vector.broadcast %broadcast_in_dim3A_41 : f32 to vector<16xf32>
    %swap3A_43 = arith.constant 112 : index
    %swap3A_44 = tpu.vector_load %arg5[%swap3A_43] {strides = array<i32>} : memref<128xf32, #tpu.memory_space<vmem>>, vector<16xf32>,
    %swap3A_45 = vector.shape_cast %swap3A_44 : vector<16xf32> to vector<16xf32>
    %swap3A_46 = vector.shape_cast %broadcast_in_dim3A_42 : vector<16xf32> to vector<16xf32>
    tpu.vector_store %arg5[%swap3A_43], %swap3A_46 {strides = array<i32>} : memref<128xf32, #tpu.memory_space<vmem>>, vector<16xf32>,
    %broadcast_in_dim3A_47 = arith.constant 0.000000e+00 : f32
    %broadcast_in_dim3A_48 = vector.broadcast %broadcast_in_dim3A_47 : f32 to vector<16xf32>
    %swap3A_49 = arith.constant 0 : index
    %swap3A_50 = tpu.vector_load %arg6[%swap3A_49] {strides = array<i32>} : memref<640xf32, #tpu.memory_space<vmem>>, vector<16xf32>,
    %swap3A_51 = vector.shape_cast %swap3A_50 : vector<16xf32> to vector<16xf32>
    %swap3A_52 = vector.shape_cast %broadcast_in_dim3A_48 : vector<16xf32> to vector<16xf32>
    tpu.vector_store %arg6[%swap3A_49], %swap3A_52 {strides = array<i32>} : memref<640xf32, #tpu.memory_space<vmem>>, vector<16xf32>,
    %broadcast_in_dim3A_53 = arith.constant 0.000000e+00 : f32
    %broadcast_in_dim3A_54 = vector.broadcast %broadcast_in_dim3A_53 : f32 to vector<16xf32>
    %swap3A_55 = arith.constant 16 : index
    %swap3A_56 = tpu.vector_load %arg6[%swap3A_55] {strides = array<i32>} : memref<640xf32, #tpu.memory_space<vmem>>, vector<16xf32>,
    %swap3A_57 = vector.shape_cast %swap3A_56 : vector<16xf32> to vector<16xf32>
    %swap3A_58 = vector.shape_cast %broadcast_in_dim3A_54 : vector<16xf32> to vector<16xf32>
    tpu.vector_store %arg6[%swap3A_55], %swap3A_58 {strides = array<i32>} : memref<640xf32, #tpu.memory_space<vmem>>, vector<16xf32>,
    %broadcast_in_dim3A_59 = arith.constant 0.000000e+00 : f32
    %broadcast_in_dim3A_60 = vector.broadcast %broadcast_in_dim3A_59 : f32 to vector<16xf32>
    %swap3A_61 = arith.constant 32 : index
    %swap3A_62 = tpu.vector_load %arg6[%swap3A_61] {strides = array<i32>} : memref<640xf32, #tpu.memory_space<vmem>>, vector<16xf32>,
    %swap3A_63 = vector.shape_cast %swap3A_62 : vector<16xf32> to vector<16xf32>
    %swap3A_64 = vector.shape_cast %broadcast_in_dim3A_60 : vector<16xf32> to vector<16xf32>
    tpu.vector_store %arg6[%swap3A_61], %swap3A_64 {strides = array<i32>} : memref<640xf32, #tpu.memory_space<vmem>>, vector<16xf32>,
    %broadcast_in_dim3A_65 = arith.constant 0.000000e+00 : f32
    %broadcast_in_dim3A_66 = vector.broadcast %broadcast_in_dim3A_65 : f32 to vector<16xf32>
    %swap3A_67 = arith.constant 48 : index
    %swap3A_68 = tpu.vector_load %arg6[%swap3A_67] {strides = array<i32>} : memref<640xf32, #tpu.memory_space<vmem>>, vector<16xf32>,
    %swap3A_69 = vector.shape_cast %swap3A_68 : vector<16xf32> to vector<16xf32>
    %swap3A_70 = vector.shape_cast %broadcast_in_dim3A_66 : vector<16xf32> to vector<16xf32>
    tpu.vector_store %arg6[%swap3A_67], %swap3A_70 {strides = array<i32>} : memref<640xf32, #tpu.memory_space<vmem>>, vector<16xf32>,
    %broadcast_in_dim3A_71 = arith.constant 0.000000e+00 : f32
    %broadcast_in_dim3A_72 = vector.broadcast %broadcast_in_dim3A_71 : f32 to vector<16xf32>
    %swap3A_73 = arith.constant 64 : index
    %swap3A_74 = tpu.vector_load %arg6[%swap3A_73] {strides = array<i32>} : memref<640xf32, #tpu.memory_space<vmem>>, vector<16xf32>,
    %swap3A_75 = vector.shape_cast %swap3A_74 : vector<16xf32> to vector<16xf32>
    %swap3A_76 = vector.shape_cast %broadcast_in_dim3A_72 : vector<16xf32> to vector<16xf32>
    tpu.vector_store %arg6[%swap3A_73], %swap3A_76 {strides = array<i32>} : memref<640xf32, #tpu.memory_space<vmem>>, vector<16xf32>,
    %broadcast_in_dim3A_77 = arith.constant 0.000000e+00 : f32
    %broadcast_in_dim3A_78 = vector.broadcast %broadcast_in_dim3A_77 : f32 to vector<16xf32>
    %swap3A_79 = arith.constant 80 : index
    %swap3A_80 = tpu.vector_load %arg6[%swap3A_79] {strides = array<i32>} : memref<640xf32, #tpu.memory_space<vmem>>, vector<16xf32>,
    %swap3A_81 = vector.shape_cast %swap3A_80 : vector<16xf32> to vector<16xf32>
    %swap3A_82 = vector.shape_cast %broadcast_in_dim3A_78 : vector<16xf32> to vector<16xf32>
    tpu.vector_store %arg6[%swap3A_79], %swap3A_82 {strides = array<i32>} : memref<640xf32, #tpu.memory_space<vmem>>, vector<16xf32>,
    %broadcast_in_dim3A_83 = arith.constant 0.000000e+00 : f32
    %broadcast_in_dim3A_84 = vector.broadcast %broadcast_in_dim3A_83 : f32 to vector<16xf32>
    %swap3A_85 = arith.constant 96 : index
    %swap3A_86 = tpu.vector_load %arg6[%swap3A_85] {strides = array<i32>} : memref<640xf32, #tpu.memory_space<vmem>>, vector<16xf32>,
    %swap3A_87 = vector.shape_cast %swap3A_86 : vector<16xf32> to vector<16xf32>
    %swap3A_88 = vector.shape_cast %broadcast_in_dim3A_84 : vector<16xf32> to vector<16xf32>
    tpu.vector_store %arg6[%swap3A_85], %swap3A_88 {strides = array<i32>} : memref<640xf32, #tpu.memory_space<vmem>>, vector<16xf32>,
    %broadcast_in_dim3A_89 = arith.constant 0.000000e+00 : f32
    %broadcast_in_dim3A_90 = vector.broadcast %broadcast_in_dim3A_89 : f32 to vector<16xf32>
    %swap3A_91 = arith.constant 112 : index
    %swap3A_92 = tpu.vector_load %arg6[%swap3A_91] {strides = array<i32>} : memref<640xf32, #tpu.memory_space<vmem>>, vector<16xf32>,
    %swap3A_93 = vector.shape_cast %swap3A_92 : vector<16xf32> to vector<16xf32>
    %swap3A_94 = vector.shape_cast %broadcast_in_dim3A_90 : vector<16xf32> to vector<16xf32>
    tpu.vector_store %arg6[%swap3A_91], %swap3A_94 {strides = array<i32>} : memref<640xf32, #tpu.memory_space<vmem>>, vector<16xf32>,
    %broadcast_in_dim3A_95 = arith.constant 0.000000e+00 : f32
    %broadcast_in_dim3A_96 = vector.broadcast %broadcast_in_dim3A_95 : f32 to vector<16xf32>
    %swap3A_97 = arith.constant 128 : index
    %swap3A_98 = tpu.vector_load %arg6[%swap3A_97] {strides = array<i32>} : memref<640xf32, #tpu.memory_space<vmem>>, vector<16xf32>,
    %swap3A_99 = vector.shape_cast %swap3A_98 : vector<16xf32> to vector<16xf32>
    %swap3A_100 = vector.shape_cast %broadcast_in_dim3A_96 : vector<16xf32> to vector<16xf32>
    tpu.vector_store %arg6[%swap3A_97], %swap3A_100 {strides = array<i32>} : memref<640xf32, #tpu.memory_space<vmem>>, vector<16xf32>,
    %broadcast_in_dim3A_101 = arith.constant 0.000000e+00 : f32
    %broadcast_in_dim3A_102 = vector.broadcast %broadcast_in_dim3A_101 : f32 to vector<16xf32>
    %swap3A_103 = arith.constant 144 : index
    %swap3A_104 = tpu.vector_load %arg6[%swap3A_103] {strides = array<i32>} : memref<640xf32, #tpu.memory_space<vmem>>, vector<16xf32>,
    %swap3A_105 = vector.shape_cast %swap3A_104 : vector<16xf32> to vector<16xf32>
    %swap3A_106 = vector.shape_cast %broadcast_in_dim3A_102 : vector<16xf32> to vector<16xf32>
    tpu.vector_store %arg6[%swap3A_103], %swap3A_106 {strides = array<i32>} : memref<640xf32, #tpu.memory_space<vmem>>, vector<16xf32>,
    %broadcast_in_dim3A_107 = arith.constant 0.000000e+00 : f32
    %broadcast_in_dim3A_108 = vector.broadcast %broadcast_in_dim3A_107 : f32 to vector<16xf32>
    %swap3A_109 = arith.constant 160 : index
    %swap3A_110 = tpu.vector_load %arg6[%swap3A_109] {strides = array<i32>} : memref<640xf32, #tpu.memory_space<vmem>>, vector<16xf32>,
    %swap3A_111 = vector.shape_cast %swap3A_110 : vector<16xf32> to vector<16xf32>
    %swap3A_112 = vector.shape_cast %broadcast_in_dim3A_108 : vector<16xf32> to vector<16xf32>
    tpu.vector_store %arg6[%swap3A_109], %swap3A_112 {strides = array<i32>} : memref<640xf32, #tpu.memory_space<vmem>>, vector<16xf32>,
    %broadcast_in_dim3A_113 = arith.constant 0.000000e+00 : f32
    %broadcast_in_dim3A_114 = vector.broadcast %broadcast_in_dim3A_113 : f32 to vector<16xf32>
    %swap3A_115 = arith.constant 176 : index
    %swap3A_116 = tpu.vector_load %arg6[%swap3A_115] {strides = array<i32>} : memref<640xf32, #tpu.memory_space<vmem>>, vector<16xf32>,
    %swap3A_117 = vector.shape_cast %swap3A_116 : vector<16xf32> to vector<16xf32>
    %swap3A_118 = vector.shape_cast %broadcast_in_dim3A_114 : vector<16xf32> to vector<16xf32>
    tpu.vector_store %arg6[%swap3A_115], %swap3A_118 {strides = array<i32>} : memref<640xf32, #tpu.memory_space<vmem>>, vector<16xf32>,
    %broadcast_in_dim3A_119 = arith.constant 0.000000e+00 : f32
    %broadcast_in_dim3A_120 = vector.broadcast %broadcast_in_dim3A_119 : f32 to vector<16xf32>
    %swap3A_121 = arith.constant 192 : index
    %swap3A_122 = tpu.vector_load %arg6[%swap3A_121] {strides = array<i32>} : memref<640xf32, #tpu.memory_space<vmem>>, vector<16xf32>,
    %swap3A_123 = vector.shape_cast %swap3A_122 : vector<16xf32> to vector<16xf32>
    %swap3A_124 = vector.shape_cast %broadcast_in_dim3A_120 : vector<16xf32> to vector<16xf32>
    tpu.vector_store %arg6[%swap3A_121], %swap3A_124 {strides = array<i32>} : memref<640xf32, #tpu.memory_space<vmem>>, vector<16xf32>,
    %broadcast_in_dim3A_125 = arith.constant 0.000000e+00 : f32
    %broadcast_in_dim3A_126 = vector.broadcast %broadcast_in_dim3A_125 : f32 to vector<16xf32>
    %swap3A_127 = arith.constant 208 : index
    %swap3A_128 = tpu.vector_load %arg6[%swap3A_127] {strides = array<i32>} : memref<640xf32, #tpu.memory_space<vmem>>, vector<16xf32>,
    %swap3A_129 = vector.shape_cast %swap3A_128 : vector<16xf32> to vector<16xf32>
    %swap3A_130 = vector.shape_cast %broadcast_in_dim3A_126 : vector<16xf32> to vector<16xf32>
    tpu.vector_store %arg6[%swap3A_127], %swap3A_130 {strides = array<i32>} : memref<640xf32, #tpu.memory_space<vmem>>, vector<16xf32>,
    %broadcast_in_dim3A_131 = arith.constant 0.000000e+00 : f32
    %broadcast_in_dim3A_132 = vector.broadcast %broadcast_in_dim3A_131 : f32 to vector<16xf32>
    %swap3A_133 = arith.constant 224 : index
    %swap3A_134 = tpu.vector_load %arg6[%swap3A_133] {strides = array<i32>} : memref<640xf32, #tpu.memory_space<vmem>>, vector<16xf32>,
    %swap3A_135 = vector.shape_cast %swap3A_134 : vector<16xf32> to vector<16xf32>
    %swap3A_136 = vector.shape_cast %broadcast_in_dim3A_132 : vector<16xf32> to vector<16xf32>
    tpu.vector_store %arg6[%swap3A_133], %swap3A_136 {strides = array<i32>} : memref<640xf32, #tpu.memory_space<vmem>>, vector<16xf32>,
    %broadcast_in_dim3A_137 = arith.constant 0.000000e+00 : f32
    %broadcast_in_dim3A_138 = vector.broadcast %broadcast_in_dim3A_137 : f32 to vector<16xf32>
    %swap3A_139 = arith.constant 240 : index
    %swap3A_140 = tpu.vector_load %arg6[%swap3A_139] {strides = array<i32>} : memref<640xf32, #tpu.memory_space<vmem>>, vector<16xf32>,
    %swap3A_141 = vector.shape_cast %swap3A_140 : vector<16xf32> to vector<16xf32>
    %swap3A_142 = vector.shape_cast %broadcast_in_dim3A_138 : vector<16xf32> to vector<16xf32>
    tpu.vector_store %arg6[%swap3A_139], %swap3A_142 {strides = array<i32>} : memref<640xf32, #tpu.memory_space<vmem>>, vector<16xf32>,
    %broadcast_in_dim3A_143 = arith.constant 0.000000e+00 : f32
    %broadcast_in_dim3A_144 = vector.broadcast %broadcast_in_dim3A_143 : f32 to vector<16xf32>
    %swap3A_145 = arith.constant 256 : index
    %swap3A_146 = tpu.vector_load %arg6[%swap3A_145] {strides = array<i32>} : memref<640xf32, #tpu.memory_space<vmem>>, vector<16xf32>,
    %swap3A_147 = vector.shape_cast %swap3A_146 : vector<16xf32> to vector<16xf32>
    %swap3A_148 = vector.shape_cast %broadcast_in_dim3A_144 : vector<16xf32> to vector<16xf32>
    tpu.vector_store %arg6[%swap3A_145], %swap3A_148 {strides = array<i32>} : memref<640xf32, #tpu.memory_space<vmem>>, vector<16xf32>,
    %broadcast_in_dim3A_149 = arith.constant 0.000000e+00 : f32
    %broadcast_in_dim3A_150 = vector.broadcast %broadcast_in_dim3A_149 : f32 to vector<16xf32>
    %swap3A_151 = arith.constant 272 : index
    %swap3A_152 = tpu.vector_load %arg6[%swap3A_151] {strides = array<i32>} : memref<640xf32, #tpu.memory_space<vmem>>, vector<16xf32>,
    %swap3A_153 = vector.shape_cast %swap3A_152 : vector<16xf32> to vector<16xf32>
    %swap3A_154 = vector.shape_cast %broadcast_in_dim3A_150 : vector<16xf32> to vector<16xf32>
    tpu.vector_store %arg6[%swap3A_151], %swap3A_154 {strides = array<i32>} : memref<640xf32, #tpu.memory_space<vmem>>, vector<16xf32>,
    %broadcast_in_dim3A_155 = arith.constant 0.000000e+00 : f32
    %broadcast_in_dim3A_156 = vector.broadcast %broadcast_in_dim3A_155 : f32 to vector<16xf32>
    %swap3A_157 = arith.constant 288 : index
    %swap3A_158 = tpu.vector_load %arg6[%swap3A_157] {strides = array<i32>} : memref<640xf32, #tpu.memory_space<vmem>>, vector<16xf32>,
    %swap3A_159 = vector.shape_cast %swap3A_158 : vector<16xf32> to vector<16xf32>
    %swap3A_160 = vector.shape_cast %broadcast_in_dim3A_156 : vector<16xf32> to vector<16xf32>
    tpu.vector_store %arg6[%swap3A_157], %swap3A_160 {strides = array<i32>} : memref<640xf32, #tpu.memory_space<vmem>>, vector<16xf32>,
    %broadcast_in_dim3A_161 = arith.constant 0.000000e+00 : f32
    %broadcast_in_dim3A_162 = vector.broadcast %broadcast_in_dim3A_161 : f32 to vector<16xf32>
    %swap3A_163 = arith.constant 304 : index
    %swap3A_164 = tpu.vector_load %arg6[%swap3A_163] {strides = array<i32>} : memref<640xf32, #tpu.memory_space<vmem>>, vector<16xf32>,
    %swap3A_165 = vector.shape_cast %swap3A_164 : vector<16xf32> to vector<16xf32>
    %swap3A_166 = vector.shape_cast %broadcast_in_dim3A_162 : vector<16xf32> to vector<16xf32>
    tpu.vector_store %arg6[%swap3A_163], %swap3A_166 {strides = array<i32>} : memref<640xf32, #tpu.memory_space<vmem>>, vector<16xf32>,
    %broadcast_in_dim3A_167 = arith.constant 0.000000e+00 : f32
    %broadcast_in_dim3A_168 = vector.broadcast %broadcast_in_dim3A_167 : f32 to vector<16xf32>
    %swap3A_169 = arith.constant 320 : index
    %swap3A_170 = tpu.vector_load %arg6[%swap3A_169] {strides = array<i32>} : memref<640xf32, #tpu.memory_space<vmem>>, vector<16xf32>,
    %swap3A_171 = vector.shape_cast %swap3A_170 : vector<16xf32> to vector<16xf32>
    %swap3A_172 = vector.shape_cast %broadcast_in_dim3A_168 : vector<16xf32> to vector<16xf32>
    tpu.vector_store %arg6[%swap3A_169], %swap3A_172 {strides = array<i32>} : memref<640xf32, #tpu.memory_space<vmem>>, vector<16xf32>,
    %broadcast_in_dim3A_173 = arith.constant 0.000000e+00 : f32
    %broadcast_in_dim3A_174 = vector.broadcast %broadcast_in_dim3A_173 : f32 to vector<16xf32>
    %swap3A_175 = arith.constant 336 : index
    %swap3A_176 = tpu.vector_load %arg6[%swap3A_175] {strides = array<i32>} : memref<640xf32, #tpu.memory_space<vmem>>, vector<16xf32>,
    %swap3A_177 = vector.shape_cast %swap3A_176 : vector<16xf32> to vector<16xf32>
    %swap3A_178 = vector.shape_cast %broadcast_in_dim3A_174 : vector<16xf32> to vector<16xf32>
    tpu.vector_store %arg6[%swap3A_175], %swap3A_178 {strides = array<i32>} : memref<640xf32, #tpu.memory_space<vmem>>, vector<16xf32>,
    %broadcast_in_dim3A_179 = arith.constant 0.000000e+00 : f32
    %broadcast_in_dim3A_180 = vector.broadcast %broadcast_in_dim3A_179 : f32 to vector<16xf32>
    %swap3A_181 = arith.constant 352 : index
    %swap3A_182 = tpu.vector_load %arg6[%swap3A_181] {strides = array<i32>} : memref<640xf32, #tpu.memory_space<vmem>>, vector<16xf32>,
    %swap3A_183 = vector.shape_cast %swap3A_182 : vector<16xf32> to vector<16xf32>
    %swap3A_184 = vector.shape_cast %broadcast_in_dim3A_180 : vector<16xf32> to vector<16xf32>
    tpu.vector_store %arg6[%swap3A_181], %swap3A_184 {strides = array<i32>} : memref<640xf32, #tpu.memory_space<vmem>>, vector<16xf32>,
    %broadcast_in_dim3A_185 = arith.constant 0.000000e+00 : f32
    %broadcast_in_dim3A_186 = vector.broadcast %broadcast_in_dim3A_185 : f32 to vector<16xf32>
    %swap3A_187 = arith.constant 368 : index
    %swap3A_188 = tpu.vector_load %arg6[%swap3A_187] {strides = array<i32>} : memref<640xf32, #tpu.memory_space<vmem>>, vector<16xf32>,
    %swap3A_189 = vector.shape_cast %swap3A_188 : vector<16xf32> to vector<16xf32>
    %swap3A_190 = vector.shape_cast %broadcast_in_dim3A_186 : vector<16xf32> to vector<16xf32>
    tpu.vector_store %arg6[%swap3A_187], %swap3A_190 {strides = array<i32>} : memref<640xf32, #tpu.memory_space<vmem>>, vector<16xf32>,
    %broadcast_in_dim3A_191 = arith.constant 0.000000e+00 : f32
    %broadcast_in_dim3A_192 = vector.broadcast %broadcast_in_dim3A_191 : f32 to vector<16xf32>
    %swap3A_193 = arith.constant 384 : index
    %swap3A_194 = tpu.vector_load %arg6[%swap3A_193] {strides = array<i32>} : memref<640xf32, #tpu.memory_space<vmem>>, vector<16xf32>,
    %swap3A_195 = vector.shape_cast %swap3A_194 : vector<16xf32> to vector<16xf32>
    %swap3A_196 = vector.shape_cast %broadcast_in_dim3A_192 : vector<16xf32> to vector<16xf32>
    tpu.vector_store %arg6[%swap3A_193], %swap3A_196 {strides = array<i32>} : memref<640xf32, #tpu.memory_space<vmem>>, vector<16xf32>,
    %broadcast_in_dim3A_197 = arith.constant 0.000000e+00 : f32
    %broadcast_in_dim3A_198 = vector.broadcast %broadcast_in_dim3A_197 : f32 to vector<16xf32>
    %swap3A_199 = arith.constant 400 : index
    %swap3A_200 = tpu.vector_load %arg6[%swap3A_199] {strides = array<i32>} : memref<640xf32, #tpu.memory_space<vmem>>, vector<16xf32>,
    %swap3A_201 = vector.shape_cast %swap3A_200 : vector<16xf32> to vector<16xf32>
    %swap3A_202 = vector.shape_cast %broadcast_in_dim3A_198 : vector<16xf32> to vector<16xf32>
    tpu.vector_store %arg6[%swap3A_199], %swap3A_202 {strides = array<i32>} : memref<640xf32, #tpu.memory_space<vmem>>, vector<16xf32>,
    %broadcast_in_dim3A_203 = arith.constant 0.000000e+00 : f32
    %broadcast_in_dim3A_204 = vector.broadcast %broadcast_in_dim3A_203 : f32 to vector<16xf32>
    %swap3A_205 = arith.constant 416 : index
    %swap3A_206 = tpu.vector_load %arg6[%swap3A_205] {strides = array<i32>} : memref<640xf32, #tpu.memory_space<vmem>>, vector<16xf32>,
    %swap3A_207 = vector.shape_cast %swap3A_206 : vector<16xf32> to vector<16xf32>
    %swap3A_208 = vector.shape_cast %broadcast_in_dim3A_204 : vector<16xf32> to vector<16xf32>
    tpu.vector_store %arg6[%swap3A_205], %swap3A_208 {strides = array<i32>} : memref<640xf32, #tpu.memory_space<vmem>>, vector<16xf32>,
    %broadcast_in_dim3A_209 = arith.constant 0.000000e+00 : f32
    %broadcast_in_dim3A_210 = vector.broadcast %broadcast_in_dim3A_209 : f32 to vector<16xf32>
    %swap3A_211 = arith.constant 432 : index
    %swap3A_212 = tpu.vector_load %arg6[%swap3A_211] {strides = array<i32>} : memref<640xf32, #tpu.memory_space<vmem>>, vector<16xf32>,
    %swap3A_213 = vector.shape_cast %swap3A_212 : vector<16xf32> to vector<16xf32>
    %swap3A_214 = vector.shape_cast %broadcast_in_dim3A_210 : vector<16xf32> to vector<16xf32>
    tpu.vector_store %arg6[%swap3A_211], %swap3A_214 {strides = array<i32>} : memref<640xf32, #tpu.memory_space<vmem>>, vector<16xf32>,
    %broadcast_in_dim3A_215 = arith.constant 0.000000e+00 : f32
    %broadcast_in_dim3A_216 = vector.broadcast %broadcast_in_dim3A_215 : f32 to vector<16xf32>
    %swap3A_217 = arith.constant 448 : index
    %swap3A_218 = tpu.vector_load %arg6[%swap3A_217] {strides = array<i32>} : memref<640xf32, #tpu.memory_space<vmem>>, vector<16xf32>,
    %swap3A_219 = vector.shape_cast %swap3A_218 : vector<16xf32> to vector<16xf32>
    %swap3A_220 = vector.shape_cast %broadcast_in_dim3A_216 : vector<16xf32> to vector<16xf32>
    tpu.vector_store %arg6[%swap3A_217], %swap3A_220 {strides = array<i32>} : memref<640xf32, #tpu.memory_space<vmem>>, vector<16xf32>,
    %broadcast_in_dim3A_221 = arith.constant 0.000000e+00 : f32
    %broadcast_in_dim3A_222 = vector.broadcast %broadcast_in_dim3A_221 : f32 to vector<16xf32>
    %swap3A_223 = arith.constant 464 : index
    %swap3A_224 = tpu.vector_load %arg6[%swap3A_223] {strides = array<i32>} : memref<640xf32, #tpu.memory_space<vmem>>, vector<16xf32>,
    %swap3A_225 = vector.shape_cast %swap3A_224 : vector<16xf32> to vector<16xf32>
    %swap3A_226 = vector.shape_cast %broadcast_in_dim3A_222 : vector<16xf32> to vector<16xf32>
    tpu.vector_store %arg6[%swap3A_223], %swap3A_226 {strides = array<i32>} : memref<640xf32, #tpu.memory_space<vmem>>, vector<16xf32>,
    %broadcast_in_dim3A_227 = arith.constant 0.000000e+00 : f32
    %broadcast_in_dim3A_228 = vector.broadcast %broadcast_in_dim3A_227 : f32 to vector<16xf32>
    %swap3A_229 = arith.constant 480 : index
    %swap3A_230 = tpu.vector_load %arg6[%swap3A_229] {strides = array<i32>} : memref<640xf32, #tpu.memory_space<vmem>>, vector<16xf32>,
    %swap3A_231 = vector.shape_cast %swap3A_230 : vector<16xf32> to vector<16xf32>
    %swap3A_232 = vector.shape_cast %broadcast_in_dim3A_228 : vector<16xf32> to vector<16xf32>
    tpu.vector_store %arg6[%swap3A_229], %swap3A_232 {strides = array<i32>} : memref<640xf32, #tpu.memory_space<vmem>>, vector<16xf32>,
    %broadcast_in_dim3A_233 = arith.constant 0.000000e+00 : f32
    %broadcast_in_dim3A_234 = vector.broadcast %broadcast_in_dim3A_233 : f32 to vector<16xf32>
    %swap3A_235 = arith.constant 496 : index
    %swap3A_236 = tpu.vector_load %arg6[%swap3A_235] {strides = array<i32>} : memref<640xf32, #tpu.memory_space<vmem>>, vector<16xf32>,
    %swap3A_237 = vector.shape_cast %swap3A_236 : vector<16xf32> to vector<16xf32>
    %swap3A_238 = vector.shape_cast %broadcast_in_dim3A_234 : vector<16xf32> to vector<16xf32>
    tpu.vector_store %arg6[%swap3A_235], %swap3A_238 {strides = array<i32>} : memref<640xf32, #tpu.memory_space<vmem>>, vector<16xf32>,
    %broadcast_in_dim3A_239 = arith.constant 0.000000e+00 : f32
    %broadcast_in_dim3A_240 = vector.broadcast %broadcast_in_dim3A_239 : f32 to vector<16xf32>
    %swap3A_241 = arith.constant 512 : index
    %swap3A_242 = tpu.vector_load %arg6[%swap3A_241] {strides = array<i32>} : memref<640xf32, #tpu.memory_space<vmem>>, vector<16xf32>,
    %swap3A_243 = vector.shape_cast %swap3A_242 : vector<16xf32> to vector<16xf32>
    %swap3A_244 = vector.shape_cast %broadcast_in_dim3A_240 : vector<16xf32> to vector<16xf32>
    tpu.vector_store %arg6[%swap3A_241], %swap3A_244 {strides = array<i32>} : memref<640xf32, #tpu.memory_space<vmem>>, vector<16xf32>,
    %broadcast_in_dim3A_245 = arith.constant 0.000000e+00 : f32
    %broadcast_in_dim3A_246 = vector.broadcast %broadcast_in_dim3A_245 : f32 to vector<16xf32>
    %swap3A_247 = arith.constant 528 : index
    %swap3A_248 = tpu.vector_load %arg6[%swap3A_247] {strides = array<i32>} : memref<640xf32, #tpu.memory_space<vmem>>, vector<16xf32>,
    %swap3A_249 = vector.shape_cast %swap3A_248 : vector<16xf32> to vector<16xf32>
    %swap3A_250 = vector.shape_cast %broadcast_in_dim3A_246 : vector<16xf32> to vector<16xf32>
    tpu.vector_store %arg6[%swap3A_247], %swap3A_250 {strides = array<i32>} : memref<640xf32, #tpu.memory_space<vmem>>, vector<16xf32>,
    %broadcast_in_dim3A_251 = arith.constant 0.000000e+00 : f32
    %broadcast_in_dim3A_252 = vector.broadcast %broadcast_in_dim3A_251 : f32 to vector<16xf32>
    %swap3A_253 = arith.constant 544 : index
    %swap3A_254 = tpu.vector_load %arg6[%swap3A_253] {strides = array<i32>} : memref<640xf32, #tpu.memory_space<vmem>>, vector<16xf32>,
    %swap3A_255 = vector.shape_cast %swap3A_254 : vector<16xf32> to vector<16xf32>
    %swap3A_256 = vector.shape_cast %broadcast_in_dim3A_252 : vector<16xf32> to vector<16xf32>
    tpu.vector_store %arg6[%swap3A_253], %swap3A_256 {strides = array<i32>} : memref<640xf32, #tpu.memory_space<vmem>>, vector<16xf32>,
    %broadcast_in_dim3A_257 = arith.constant 0.000000e+00 : f32
    %broadcast_in_dim3A_258 = vector.broadcast %broadcast_in_dim3A_257 : f32 to vector<16xf32>
    %swap3A_259 = arith.constant 560 : index
    %swap3A_260 = tpu.vector_load %arg6[%swap3A_259] {strides = array<i32>} : memref<640xf32, #tpu.memory_space<vmem>>, vector<16xf32>,
    %swap3A_261 = vector.shape_cast %swap3A_260 : vector<16xf32> to vector<16xf32>
    %swap3A_262 = vector.shape_cast %broadcast_in_dim3A_258 : vector<16xf32> to vector<16xf32>
    tpu.vector_store %arg6[%swap3A_259], %swap3A_262 {strides = array<i32>} : memref<640xf32, #tpu.memory_space<vmem>>, vector<16xf32>,
    %broadcast_in_dim3A_263 = arith.constant 0.000000e+00 : f32
    %broadcast_in_dim3A_264 = vector.broadcast %broadcast_in_dim3A_263 : f32 to vector<16xf32>
    %swap3A_265 = arith.constant 576 : index
    %swap3A_266 = tpu.vector_load %arg6[%swap3A_265] {strides = array<i32>} : memref<640xf32, #tpu.memory_space<vmem>>, vector<16xf32>,
    %swap3A_267 = vector.shape_cast %swap3A_266 : vector<16xf32> to vector<16xf32>
    %swap3A_268 = vector.shape_cast %broadcast_in_dim3A_264 : vector<16xf32> to vector<16xf32>
    tpu.vector_store %arg6[%swap3A_265], %swap3A_268 {strides = array<i32>} : memref<640xf32, #tpu.memory_space<vmem>>, vector<16xf32>,
    %broadcast_in_dim3A_269 = arith.constant 0.000000e+00 : f32
    %broadcast_in_dim3A_270 = vector.broadcast %broadcast_in_dim3A_269 : f32 to vector<16xf32>
    %swap3A_271 = arith.constant 592 : index
    %swap3A_272 = tpu.vector_load %arg6[%swap3A_271] {strides = array<i32>} : memref<640xf32, #tpu.memory_space<vmem>>, vector<16xf32>,
    %swap3A_273 = vector.shape_cast %swap3A_272 : vector<16xf32> to vector<16xf32>
    %swap3A_274 = vector.shape_cast %broadcast_in_dim3A_270 : vector<16xf32> to vector<16xf32>
    tpu.vector_store %arg6[%swap3A_271], %swap3A_274 {strides = array<i32>} : memref<640xf32, #tpu.memory_space<vmem>>, vector<16xf32>,
    %broadcast_in_dim3A_275 = arith.constant 0.000000e+00 : f32
    %broadcast_in_dim3A_276 = vector.broadcast %broadcast_in_dim3A_275 : f32 to vector<16xf32>
    %swap3A_277 = arith.constant 608 : index
    %swap3A_278 = tpu.vector_load %arg6[%swap3A_277] {strides = array<i32>} : memref<640xf32, #tpu.memory_space<vmem>>, vector<16xf32>,
    %swap3A_279 = vector.shape_cast %swap3A_278 : vector<16xf32> to vector<16xf32>
    %swap3A_280 = vector.shape_cast %broadcast_in_dim3A_276 : vector<16xf32> to vector<16xf32>
    tpu.vector_store %arg6[%swap3A_277], %swap3A_280 {strides = array<i32>} : memref<640xf32, #tpu.memory_space<vmem>>, vector<16xf32>,
    %broadcast_in_dim3A_281 = arith.constant 0.000000e+00 : f32
    %broadcast_in_dim3A_282 = vector.broadcast %broadcast_in_dim3A_281 : f32 to vector<16xf32>
    %swap3A_283 = arith.constant 624 : index
    %swap3A_284 = tpu.vector_load %arg6[%swap3A_283] {strides = array<i32>} : memref<640xf32, #tpu.memory_space<vmem>>, vector<16xf32>,
    %swap3A_285 = vector.shape_cast %swap3A_284 : vector<16xf32> to vector<16xf32>
    %swap3A_286 = vector.shape_cast %broadcast_in_dim3A_282 : vector<16xf32> to vector<16xf32>
    tpu.vector_store %arg6[%swap3A_283], %swap3A_286 {strides = array<i32>} : memref<640xf32, #tpu.memory_space<vmem>>, vector<16xf32>,
    %mul3A_287 = arith.constant 80 : i32
    %mul3A_288 = arith.muli %add3A, %mul3A_287 : i32
    %multiple_of3A = tpu.assume_multiple %mul3A_288, 8 : i32
    "tpu.region"() ({
      %run_scoped3A = tpu.sem_alloc : memref<!tpu.dma_semaphore, #tpu.memory_space<semaphore_mem>>
      %dma_start3A = arith.constant 0 : i32
      %dma_start3A_349 = tpu.memref_slice %arg2[%multiple_of3A, %dma_start3A] : memref<2560x128xi32, #tpu.memory_space<hbm>> -> memref<80x128xi32, #tpu.memory_space<hbm>>
      %dma_start3A_350 = arith.constant 0 : i32
      %dma_start3A_351 = tpu.memref_slice %arg2[%multiple_of3A, %dma_start3A_350] : memref<2560x128xi32, #tpu.memory_space<hbm>> -> memref<80x128xi32, #tpu.memory_space<hbm>>
      tpu.enqueue_dma source(%dma_start3A_351 : memref<80x128xi32, #tpu.memory_space<hbm>>) target(%arg4 : memref<80x128xi32, #tpu.memory_space<vmem>>) target_semaphore(%run_scoped3A : memref<!tpu.dma_semaphore, #tpu.memory_space<semaphore_mem>>)
      %dma_wait3A_352 = arith.constant 0 : i32
      %dma_wait3A_353 = tpu.memref_slice %arg2[%multiple_of3A, %dma_wait3A_352] : memref<2560x128xi32, #tpu.memory_space<hbm>> -> memref<80x128xi32, #tpu.memory_space<hbm>>
      %dma_wait3A_354 = arith.constant 0 : i32
      %dma_wait3A_355 = tpu.memref_slice %arg2[%multiple_of3A, %dma_wait3A_354] : memref<2560x128xi32, #tpu.memory_space<hbm>> -> memref<80x128xi32, #tpu.memory_space<hbm>>
      tpu.wait_dma2 semaphore(%run_scoped3A : memref<!tpu.dma_semaphore, #tpu.memory_space<semaphore_mem>>) src(%dma_wait3A_355 : memref<80x128xi32, #tpu.memory_space<hbm>>) dst(%arg4 : memref<80x128xi32, #tpu.memory_space<vmem>>)
      tpu.yield
    }) : () -> ()
    %mul3A_289 = arith.constant 640 : i32
    %mul3A_290 = arith.muli %arg1, %mul3A_289 : i32
    %multiple_of3A_291 = tpu.assume_multiple %mul3A_290, 8 : i32
    "tpu.region"() ({
      %run_scoped3A = tpu.sem_alloc : memref<!tpu.dma_semaphore, #tpu.memory_space<semaphore_mem>>
      %dma_start3A = tpu.memref_slice %arg7[%multiple_of3A_291] : memref<10240xf32, #tpu.memory_space<vmem_shared>> -> memref<640xf32, #tpu.memory_space<vmem_shared>>
      %dma_start3A_349 = tpu.memref_slice %arg7[%multiple_of3A_291] : memref<10240xf32, #tpu.memory_space<vmem_shared>> -> memref<640xf32, #tpu.memory_space<vmem_shared>>
      tpu.enqueue_dma source(%arg6 : memref<640xf32, #tpu.memory_space<vmem>>) target(%dma_start3A_349 : memref<640xf32, #tpu.memory_space<vmem_shared>>) target_semaphore(%run_scoped3A : memref<!tpu.dma_semaphore, #tpu.memory_space<semaphore_mem>>)
      %dma_wait3A_350 = tpu.memref_slice %arg7[%multiple_of3A_291] : memref<10240xf32, #tpu.memory_space<vmem_shared>> -> memref<640xf32, #tpu.memory_space<vmem_shared>>
      %dma_wait3A_351 = tpu.memref_slice %arg7[%multiple_of3A_291] : memref<10240xf32, #tpu.memory_space<vmem_shared>> -> memref<640xf32, #tpu.memory_space<vmem_shared>>
      tpu.wait_dma2 semaphore(%run_scoped3A : memref<!tpu.dma_semaphore, #tpu.memory_space<semaphore_mem>>) src(%arg6 : memref<640xf32, #tpu.memory_space<vmem>>) dst(%dma_wait3A_351 : memref<640xf32, #tpu.memory_space<vmem_shared>>)
      tpu.yield
    }) : () -> ()
    %barrier3A = arith.constant 0 : index
    tpu.barrier barrier_id(%barrier3A)
    %scan3A = arith.constant 0 : i32
    %scan3A_292 = arith.constant 0 : i32
    %scan3A_293 = arith.constant 80 : i32
    %scan3A_294 = arith.addi %scan3A_292, %scan3A_293 : i32
    %scan3A_295 = arith.constant 1 : i32
    scf.for %scan3A_349 = %scan3A_292 to %scan3A_294 step %scan3A_295  : i32 {
      %ge3A = arith.constant 8 : i32
      %ge3A_350 = arith.cmpi sge, %scan3A_349, %ge3A : i32
      %convert_element_type3A = arith.extui %ge3A_350 : i1 to i32
      %cond3A = arith.constant 0 : i32
      %cond3A_351 = arith.cmpi ne, %convert_element_type3A, %cond3A : i32
      scf.if %cond3A_351 {
        %dma_wait3A_356 = arith.constant 0 : i32
        %dma_wait3A_357 = arith.constant 0 : i32
        %dma_wait3A_358 = tpu.memref_slice %arg4[%dma_wait3A_356, %dma_wait3A_357] : memref<80x128xi32, #tpu.memory_space<vmem>> -> memref<1x128xi32, #tpu.memory_space<vmem>>
        %dma_wait3A_359 = tpu.memref_squeeze %dma_wait3A_358 : memref<1x128xi32, #tpu.memory_space<vmem>> -> memref<128xi32, #tpu.memory_space<vmem>>
        %dma_wait3A_360 = arith.constant 0 : i32
        %dma_wait3A_361 = tpu.memref_slice %arg7[%dma_wait3A_360] : memref<10240xf32, #tpu.memory_space<vmem_shared>> -> memref<10240xf32, #tpu.memory_space<vmem_shared>>
        tpu.wait_indirect_dma semaphore(%arg8 : memref<!tpu.dma_semaphore, #tpu.memory_space<semaphore_mem>>) src(%arg5 : memref<128xf32, #tpu.memory_space<vmem>>) dst(%dma_wait3A_361 : memref<10240xf32, #tpu.memory_space<vmem_shared>>)
      } else {
      }
      %dma_start3A = arith.constant 0 : i32
      %dma_start3A_352 = tpu.memref_slice %arg4[%scan3A_349, %dma_start3A] : memref<80x128xi32, #tpu.memory_space<vmem>> -> memref<1x128xi32, #tpu.memory_space<vmem>>
      %dma_start3A_353 = tpu.memref_squeeze %dma_start3A_352 : memref<1x128xi32, #tpu.memory_space<vmem>> -> memref<128xi32, #tpu.memory_space<vmem>>
      %dma_start3A_354 = arith.constant 0 : i32
      %dma_start3A_355 = tpu.memref_slice %arg7[%dma_start3A_354] : memref<10240xf32, #tpu.memory_space<vmem_shared>> -> memref<10240xf32, #tpu.memory_space<vmem_shared>>
      tpu.enqueue_indirect_dma source(%arg5 : memref<128xf32, #tpu.memory_space<vmem>>) target(%dma_start3A_355 : memref<10240xf32, #tpu.memory_space<vmem_shared>>) offsets(%dma_start3A_353 : memref<128xi32, #tpu.memory_space<vmem>>) semaphore(%arg8 : memref<!tpu.dma_semaphore, #tpu.memory_space<semaphore_mem>>) {add = true}
    }
    %scan3A_296 = arith.constant 80 : i32
    %dma_wait3A = arith.constant 0 : i32
    %dma_wait3A_297 = arith.constant 0 : i32
    %dma_wait3A_298 = tpu.memref_slice %arg4[%dma_wait3A, %dma_wait3A_297] : memref<80x128xi32, #tpu.memory_space<vmem>> -> memref<1x128xi32, #tpu.memory_space<vmem>>
    %dma_wait3A_299 = tpu.memref_squeeze %dma_wait3A_298 : memref<1x128xi32, #tpu.memory_space<vmem>> -> memref<128xi32, #tpu.memory_space<vmem>>
    %dma_wait3A_300 = arith.constant 0 : i32
    %dma_wait3A_301 = tpu.memref_slice %arg7[%dma_wait3A_300] : memref<10240xf32, #tpu.memory_space<vmem_shared>> -> memref<10240xf32, #tpu.memory_space<vmem_shared>>
    tpu.wait_indirect_dma semaphore(%arg8 : memref<!tpu.dma_semaphore, #tpu.memory_space<semaphore_mem>>) src(%arg5 : memref<128xf32, #tpu.memory_space<vmem>>) dst(%dma_wait3A_301 : memref<10240xf32, #tpu.memory_space<vmem_shared>>)
    %dma_wait3A_302 = arith.constant 0 : i32
    %dma_wait3A_303 = arith.constant 0 : i32
    %dma_wait3A_304 = tpu.memref_slice %arg4[%dma_wait3A_302, %dma_wait3A_303] : memref<80x128xi32, #tpu.memory_space<vmem>> -> memref<1x128xi32, #tpu.memory_space<vmem>>
    %dma_wait3A_305 = tpu.memref_squeeze %dma_wait3A_304 : memref<1x128xi32, #tpu.memory_space<vmem>> -> memref<128xi32, #tpu.memory_space<vmem>>
    %dma_wait3A_306 = arith.constant 0 : i32
    %dma_wait3A_307 = tpu.memref_slice %arg7[%dma_wait3A_306] : memref<10240xf32, #tpu.memory_space<vmem_shared>> -> memref<10240xf32, #tpu.memory_space<vmem_shared>>
    tpu.wait_indirect_dma semaphore(%arg8 : memref<!tpu.dma_semaphore, #tpu.memory_space<semaphore_mem>>) src(%arg5 : memref<128xf32, #tpu.memory_space<vmem>>) dst(%dma_wait3A_307 : memref<10240xf32, #tpu.memory_space<vmem_shared>>)
    %dma_wait3A_308 = arith.constant 0 : i32
    %dma_wait3A_309 = arith.constant 0 : i32
    %dma_wait3A_310 = tpu.memref_slice %arg4[%dma_wait3A_308, %dma_wait3A_309] : memref<80x128xi32, #tpu.memory_space<vmem>> -> memref<1x128xi32, #tpu.memory_space<vmem>>
    %dma_wait3A_311 = tpu.memref_squeeze %dma_wait3A_310 : memref<1x128xi32, #tpu.memory_space<vmem>> -> memref<128xi32, #tpu.memory_space<vmem>>
    %dma_wait3A_312 = arith.constant 0 : i32
    %dma_wait3A_313 = tpu.memref_slice %arg7[%dma_wait3A_312] : memref<10240xf32, #tpu.memory_space<vmem_shared>> -> memref<10240xf32, #tpu.memory_space<vmem_shared>>
    tpu.wait_indirect_dma semaphore(%arg8 : memref<!tpu.dma_semaphore, #tpu.memory_space<semaphore_mem>>) src(%arg5 : memref<128xf32, #tpu.memory_space<vmem>>) dst(%dma_wait3A_313 : memref<10240xf32, #tpu.memory_space<vmem_shared>>)
    %dma_wait3A_314 = arith.constant 0 : i32
    %dma_wait3A_315 = arith.constant 0 : i32
    %dma_wait3A_316 = tpu.memref_slice %arg4[%dma_wait3A_314, %dma_wait3A_315] : memref<80x128xi32, #tpu.memory_space<vmem>> -> memref<1x128xi32, #tpu.memory_space<vmem>>
    %dma_wait3A_317 = tpu.memref_squeeze %dma_wait3A_316 : memref<1x128xi32, #tpu.memory_space<vmem>> -> memref<128xi32, #tpu.memory_space<vmem>>
    %dma_wait3A_318 = arith.constant 0 : i32
    %dma_wait3A_319 = tpu.memref_slice %arg7[%dma_wait3A_318] : memref<10240xf32, #tpu.memory_space<vmem_shared>> -> memref<10240xf32, #tpu.memory_space<vmem_shared>>
    tpu.wait_indirect_dma semaphore(%arg8 : memref<!tpu.dma_semaphore, #tpu.memory_space<semaphore_mem>>) src(%arg5 : memref<128xf32, #tpu.memory_space<vmem>>) dst(%dma_wait3A_319 : memref<10240xf32, #tpu.memory_space<vmem_shared>>)
    %dma_wait3A_320 = arith.constant 0 : i32
    %dma_wait3A_321 = arith.constant 0 : i32
    %dma_wait3A_322 = tpu.memref_slice %arg4[%dma_wait3A_320, %dma_wait3A_321] : memref<80x128xi32, #tpu.memory_space<vmem>> -> memref<1x128xi32, #tpu.memory_space<vmem>>
    %dma_wait3A_323 = tpu.memref_squeeze %dma_wait3A_322 : memref<1x128xi32, #tpu.memory_space<vmem>> -> memref<128xi32, #tpu.memory_space<vmem>>
    %dma_wait3A_324 = arith.constant 0 : i32
    %dma_wait3A_325 = tpu.memref_slice %arg7[%dma_wait3A_324] : memref<10240xf32, #tpu.memory_space<vmem_shared>> -> memref<10240xf32, #tpu.memory_space<vmem_shared>>
    tpu.wait_indirect_dma semaphore(%arg8 : memref<!tpu.dma_semaphore, #tpu.memory_space<semaphore_mem>>) src(%arg5 : memref<128xf32, #tpu.memory_space<vmem>>) dst(%dma_wait3A_325 : memref<10240xf32, #tpu.memory_space<vmem_shared>>)
    %dma_wait3A_326 = arith.constant 0 : i32
    %dma_wait3A_327 = arith.constant 0 : i32
    %dma_wait3A_328 = tpu.memref_slice %arg4[%dma_wait3A_326, %dma_wait3A_327] : memref<80x128xi32, #tpu.memory_space<vmem>> -> memref<1x128xi32, #tpu.memory_space<vmem>>
    %dma_wait3A_329 = tpu.memref_squeeze %dma_wait3A_328 : memref<1x128xi32, #tpu.memory_space<vmem>> -> memref<128xi32, #tpu.memory_space<vmem>>
    %dma_wait3A_330 = arith.constant 0 : i32
    %dma_wait3A_331 = tpu.memref_slice %arg7[%dma_wait3A_330] : memref<10240xf32, #tpu.memory_space<vmem_shared>> -> memref<10240xf32, #tpu.memory_space<vmem_shared>>
    tpu.wait_indirect_dma semaphore(%arg8 : memref<!tpu.dma_semaphore, #tpu.memory_space<semaphore_mem>>) src(%arg5 : memref<128xf32, #tpu.memory_space<vmem>>) dst(%dma_wait3A_331 : memref<10240xf32, #tpu.memory_space<vmem_shared>>)
    %dma_wait3A_332 = arith.constant 0 : i32
    %dma_wait3A_333 = arith.constant 0 : i32
    %dma_wait3A_334 = tpu.memref_slice %arg4[%dma_wait3A_332, %dma_wait3A_333] : memref<80x128xi32, #tpu.memory_space<vmem>> -> memref<1x128xi32, #tpu.memory_space<vmem>>
    %dma_wait3A_335 = tpu.memref_squeeze %dma_wait3A_334 : memref<1x128xi32, #tpu.memory_space<vmem>> -> memref<128xi32, #tpu.memory_space<vmem>>
    %dma_wait3A_336 = arith.constant 0 : i32
    %dma_wait3A_337 = tpu.memref_slice %arg7[%dma_wait3A_336] : memref<10240xf32, #tpu.memory_space<vmem_shared>> -> memref<10240xf32, #tpu.memory_space<vmem_shared>>
    tpu.wait_indirect_dma semaphore(%arg8 : memref<!tpu.dma_semaphore, #tpu.memory_space<semaphore_mem>>) src(%arg5 : memref<128xf32, #tpu.memory_space<vmem>>) dst(%dma_wait3A_337 : memref<10240xf32, #tpu.memory_space<vmem_shared>>)
    %dma_wait3A_338 = arith.constant 0 : i32
    %dma_wait3A_339 = arith.constant 0 : i32
    %dma_wait3A_340 = tpu.memref_slice %arg4[%dma_wait3A_338, %dma_wait3A_339] : memref<80x128xi32, #tpu.memory_space<vmem>> -> memref<1x128xi32, #tpu.memory_space<vmem>>
    %dma_wait3A_341 = tpu.memref_squeeze %dma_wait3A_340 : memref<1x128xi32, #tpu.memory_space<vmem>> -> memref<128xi32, #tpu.memory_space<vmem>>
    %dma_wait3A_342 = arith.constant 0 : i32
    %dma_wait3A_343 = tpu.memref_slice %arg7[%dma_wait3A_342] : memref<10240xf32, #tpu.memory_space<vmem_shared>> -> memref<10240xf32, #tpu.memory_space<vmem_shared>>
    tpu.wait_indirect_dma semaphore(%arg8 : memref<!tpu.dma_semaphore, #tpu.memory_space<semaphore_mem>>) src(%arg5 : memref<128xf32, #tpu.memory_space<vmem>>) dst(%dma_wait3A_343 : memref<10240xf32, #tpu.memory_space<vmem_shared>>)
    %barrier3A_344 = arith.constant 0 : index
    tpu.barrier barrier_id(%barrier3A_344)
    %mul3A_345 = arith.constant 10240 : i32
    %mul3A_346 = arith.muli %arg0, %mul3A_345 : i32
    %add3A_347 = arith.addi %mul3A_346, %multiple_of3A_291 : i32
    %multiple_of3A_348 = tpu.assume_multiple %add3A_347, 8 : i32
    "tpu.region"() ({
      %run_scoped3A = tpu.sem_alloc : memref<!tpu.dma_semaphore, #tpu.memory_space<semaphore_mem>>
      %dma_start3A = tpu.memref_slice %arg3[%multiple_of3A_348] : memref<20480xf32, #tpu.memory_space<hbm>> -> memref<640xf32, #tpu.memory_space<hbm>>
      %dma_start3A_349 = tpu.memref_slice %arg7[%multiple_of3A_291] : memref<10240xf32, #tpu.memory_space<vmem_shared>> -> memref<640xf32, #tpu.memory_space<vmem_shared>>
      tpu.enqueue_dma source(%dma_start3A_349 : memref<640xf32, #tpu.memory_space<vmem_shared>>) target(%dma_start3A : memref<640xf32, #tpu.memory_space<hbm>>) target_semaphore(%run_scoped3A : memref<!tpu.dma_semaphore, #tpu.memory_space<semaphore_mem>>)
      %dma_wait3A_350 = tpu.memref_slice %arg3[%multiple_of3A_348] : memref<20480xf32, #tpu.memory_space<hbm>> -> memref<640xf32, #tpu.memory_space<hbm>>
      %dma_wait3A_351 = tpu.memref_slice %arg7[%multiple_of3A_291] : memref<10240xf32, #tpu.memory_space<vmem_shared>> -> memref<640xf32, #tpu.memory_space<vmem_shared>>
      tpu.wait_dma2 semaphore(%run_scoped3A : memref<!tpu.dma_semaphore, #tpu.memory_space<semaphore_mem>>) src(%dma_wait3A_351 : memref<640xf32, #tpu.memory_space<vmem_shared>>) dst(%dma_wait3A_350 : memref<640xf32, #tpu.memory_space<hbm>>)
      tpu.yield
    }) : () -> ()
    return
  }
}

#map = affine_map<(d0, d1) -> (0, 0)>
#map1 = affine_map<(d0, d1) -> (0)>
#map2 = affine_map<(d0, d1) -> (0, 0, 0)>
module attributes {stable_mosaic.version = 14 : i64} {
  func.func @_sc_propagate(%arg0: i32, %arg1: i32, %arg2: memref<10112x128xf32, #tpu.memory_space<hbm>>, %arg3: memref<327680xi32, #tpu.memory_space<hbm>>, %arg4: memref<2560x128xi32, #tpu.memory_space<hbm>>, %arg5: memref<10112x128xf32, #tpu.memory_space<hbm>>, %arg6: memref<2x10112x128xf32, #tpu.memory_space<hbm>>, %arg7: memref<5120xi32, #tpu.memory_space<vmem>>, %arg8: memref<40x128xi32, #tpu.memory_space<vmem>>, %arg9: memref<2x128x128xf32, #tpu.memory_space<vmem>>, %arg10: memref<10112x128xf32, #tpu.memory_space<vmem_shared>>, %arg11: memref<2x!tpu.dma_semaphore, #tpu.memory_space<semaphore_mem>>, %arg12: memref<2x!tpu.dma_semaphore, #tpu.memory_space<semaphore_mem>>) attributes {dimension_semantics = [#tpu.dimension_semantics<core_parallel>, #tpu.dimension_semantics<subcore_parallel>], iteration_bounds = array<i64: 2, 16>, scalar_prefetch = 0 : i64, scratch_operands = 6 : i64, tpu.core_type = #tpu.core_type<sc_vector_subcore>, window_params = [{transform_indices = #map}, {transform_indices = #map1}, {transform_indices = #map}, {transform_indices = #map}, {transform_indices = #map2}]} {
    %mul3A = arith.constant 2 : i32
    %mul3A_0 = arith.muli %arg1, %mul3A : i32
    %add3A = arith.addi %mul3A_0, %arg0 : i32
    %mul3A_1 = arith.constant 632 : i32
    %mul3A_2 = arith.muli %arg1, %mul3A_1 : i32
    %multiple_of3A = tpu.assume_multiple %mul3A_2, 8 : i32
    %eq3A = arith.constant 0 : i32
    %eq3A_3 = arith.cmpi eq, %arg0, %eq3A : i32
    %convert_element_type3A = arith.extui %eq3A_3 : i1 to i32
    %cond3A = arith.constant 0 : i32
    %cond3A_4 = arith.cmpi ne, %convert_element_type3A, %cond3A : i32
    scf.if %cond3A_4 {
      "tpu.region"() ({
        %run_scoped3A = tpu.sem_alloc : memref<!tpu.dma_semaphore, #tpu.memory_space<semaphore_mem>>
        %dma_start3A_152 = arith.constant 0 : i32
        %dma_start3A_153 = tpu.memref_slice %arg10[%multiple_of3A, %dma_start3A_152] : memref<10112x128xf32, #tpu.memory_space<vmem_shared>> -> memref<632x128xf32, #tpu.memory_space<vmem_shared>>
        %dma_start3A_154 = arith.constant 0 : i32
        %dma_start3A_155 = tpu.memref_slice %arg2[%multiple_of3A, %dma_start3A_154] : memref<10112x128xf32, #tpu.memory_space<hbm>> -> memref<632x128xf32, #tpu.memory_space<hbm>>
        tpu.enqueue_dma source(%dma_start3A_155 : memref<632x128xf32, #tpu.memory_space<hbm>>) target(%dma_start3A_153 : memref<632x128xf32, #tpu.memory_space<vmem_shared>>) target_semaphore(%run_scoped3A : memref<!tpu.dma_semaphore, #tpu.memory_space<semaphore_mem>>)
        %dma_wait3A_156 = arith.constant 0 : i32
        %dma_wait3A_157 = tpu.memref_slice %arg10[%multiple_of3A, %dma_wait3A_156] : memref<10112x128xf32, #tpu.memory_space<vmem_shared>> -> memref<632x128xf32, #tpu.memory_space<vmem_shared>>
        %dma_wait3A_158 = arith.constant 0 : i32
        %dma_wait3A_159 = tpu.memref_slice %arg2[%multiple_of3A, %dma_wait3A_158] : memref<10112x128xf32, #tpu.memory_space<hbm>> -> memref<632x128xf32, #tpu.memory_space<hbm>>
        tpu.wait_dma2 semaphore(%run_scoped3A : memref<!tpu.dma_semaphore, #tpu.memory_space<semaphore_mem>>) src(%dma_wait3A_159 : memref<632x128xf32, #tpu.memory_space<hbm>>) dst(%dma_wait3A_157 : memref<632x128xf32, #tpu.memory_space<vmem_shared>>)
        tpu.yield
      }) : () -> ()
    } else {
    }
    %eq3A_5 = arith.constant 1 : i32
    %eq3A_6 = arith.cmpi eq, %arg0, %eq3A_5 : i32
    %convert_element_type3A_7 = arith.extui %eq3A_6 : i1 to i32
    %cond3A_8 = arith.constant 0 : i32
    %cond3A_9 = arith.cmpi ne, %convert_element_type3A_7, %cond3A_8 : i32
    scf.if %cond3A_9 {
      "tpu.region"() ({
        %run_scoped3A = tpu.sem_alloc : memref<!tpu.dma_semaphore, #tpu.memory_space<semaphore_mem>>
        %dma_start3A_152 = arith.constant 0 : i32
        %dma_start3A_153 = tpu.memref_slice %arg10[%multiple_of3A, %dma_start3A_152] : memref<10112x128xf32, #tpu.memory_space<vmem_shared>> -> memref<632x128xf32, #tpu.memory_space<vmem_shared>>
        %dma_start3A_154 = arith.constant 0 : i32
        %dma_start3A_155 = tpu.memref_slice %arg5[%multiple_of3A, %dma_start3A_154] : memref<10112x128xf32, #tpu.memory_space<hbm>> -> memref<632x128xf32, #tpu.memory_space<hbm>>
        tpu.enqueue_dma source(%dma_start3A_155 : memref<632x128xf32, #tpu.memory_space<hbm>>) target(%dma_start3A_153 : memref<632x128xf32, #tpu.memory_space<vmem_shared>>) target_semaphore(%run_scoped3A : memref<!tpu.dma_semaphore, #tpu.memory_space<semaphore_mem>>)
        %dma_wait3A_156 = arith.constant 0 : i32
        %dma_wait3A_157 = tpu.memref_slice %arg10[%multiple_of3A, %dma_wait3A_156] : memref<10112x128xf32, #tpu.memory_space<vmem_shared>> -> memref<632x128xf32, #tpu.memory_space<vmem_shared>>
        %dma_wait3A_158 = arith.constant 0 : i32
        %dma_wait3A_159 = tpu.memref_slice %arg5[%multiple_of3A, %dma_wait3A_158] : memref<10112x128xf32, #tpu.memory_space<hbm>> -> memref<632x128xf32, #tpu.memory_space<hbm>>
        tpu.wait_dma2 semaphore(%run_scoped3A : memref<!tpu.dma_semaphore, #tpu.memory_space<semaphore_mem>>) src(%dma_wait3A_159 : memref<632x128xf32, #tpu.memory_space<hbm>>) dst(%dma_wait3A_157 : memref<632x128xf32, #tpu.memory_space<vmem_shared>>)
        tpu.yield
      }) : () -> ()
    } else {
    }
    %barrier3A = arith.constant 0 : index
    tpu.barrier barrier_id(%barrier3A)
    %mul3A_10 = arith.constant 10240 : i32
    %mul3A_11 = arith.muli %add3A, %mul3A_10 : i32
    %add3A_12 = arith.constant 0 : i32
    %add3A_13 = arith.addi %mul3A_11, %add3A_12 : i32
    %multiple_of3A_14 = tpu.assume_multiple %add3A_13, 8 : i32
    "tpu.region"() ({
      %run_scoped3A = tpu.sem_alloc : memref<!tpu.dma_semaphore, #tpu.memory_space<semaphore_mem>>
      %dma_start3A_152 = tpu.memref_slice %arg3[%multiple_of3A_14] : memref<327680xi32, #tpu.memory_space<hbm>> -> memref<5120xi32, #tpu.memory_space<hbm>>
      %dma_start3A_153 = tpu.memref_slice %arg3[%multiple_of3A_14] : memref<327680xi32, #tpu.memory_space<hbm>> -> memref<5120xi32, #tpu.memory_space<hbm>>
      tpu.enqueue_dma source(%dma_start3A_153 : memref<5120xi32, #tpu.memory_space<hbm>>) target(%arg7 : memref<5120xi32, #tpu.memory_space<vmem>>) target_semaphore(%run_scoped3A : memref<!tpu.dma_semaphore, #tpu.memory_space<semaphore_mem>>)
      %dma_wait3A_154 = tpu.memref_slice %arg3[%multiple_of3A_14] : memref<327680xi32, #tpu.memory_space<hbm>> -> memref<5120xi32, #tpu.memory_space<hbm>>
      %dma_wait3A_155 = tpu.memref_slice %arg3[%multiple_of3A_14] : memref<327680xi32, #tpu.memory_space<hbm>> -> memref<5120xi32, #tpu.memory_space<hbm>>
      tpu.wait_dma2 semaphore(%run_scoped3A : memref<!tpu.dma_semaphore, #tpu.memory_space<semaphore_mem>>) src(%dma_wait3A_155 : memref<5120xi32, #tpu.memory_space<hbm>>) dst(%arg7 : memref<5120xi32, #tpu.memory_space<vmem>>)
      tpu.yield
    }) : () -> ()
    %mul3A_15 = arith.constant 80 : i32
    %mul3A_16 = arith.muli %add3A, %mul3A_15 : i32
    %add3A_17 = arith.constant 0 : i32
    %add3A_18 = arith.addi %mul3A_16, %add3A_17 : i32
    %multiple_of3A_19 = tpu.assume_multiple %add3A_18, 8 : i32
    "tpu.region"() ({
      %run_scoped3A = tpu.sem_alloc : memref<!tpu.dma_semaphore, #tpu.memory_space<semaphore_mem>>
      %dma_start3A_152 = arith.constant 0 : i32
      %dma_start3A_153 = tpu.memref_slice %arg4[%multiple_of3A_19, %dma_start3A_152] : memref<2560x128xi32, #tpu.memory_space<hbm>> -> memref<40x128xi32, #tpu.memory_space<hbm>>
      %dma_start3A_154 = arith.constant 0 : i32
      %dma_start3A_155 = tpu.memref_slice %arg4[%multiple_of3A_19, %dma_start3A_154] : memref<2560x128xi32, #tpu.memory_space<hbm>> -> memref<40x128xi32, #tpu.memory_space<hbm>>
      tpu.enqueue_dma source(%dma_start3A_155 : memref<40x128xi32, #tpu.memory_space<hbm>>) target(%arg8 : memref<40x128xi32, #tpu.memory_space<vmem>>) target_semaphore(%run_scoped3A : memref<!tpu.dma_semaphore, #tpu.memory_space<semaphore_mem>>)
      %dma_wait3A_156 = arith.constant 0 : i32
      %dma_wait3A_157 = tpu.memref_slice %arg4[%multiple_of3A_19, %dma_wait3A_156] : memref<2560x128xi32, #tpu.memory_space<hbm>> -> memref<40x128xi32, #tpu.memory_space<hbm>>
      %dma_wait3A_158 = arith.constant 0 : i32
      %dma_wait3A_159 = tpu.memref_slice %arg4[%multiple_of3A_19, %dma_wait3A_158] : memref<2560x128xi32, #tpu.memory_space<hbm>> -> memref<40x128xi32, #tpu.memory_space<hbm>>
      tpu.wait_dma2 semaphore(%run_scoped3A : memref<!tpu.dma_semaphore, #tpu.memory_space<semaphore_mem>>) src(%dma_wait3A_159 : memref<40x128xi32, #tpu.memory_space<hbm>>) dst(%arg8 : memref<40x128xi32, #tpu.memory_space<vmem>>)
      tpu.yield
    }) : () -> ()
    %dma_start3A = arith.constant 0 : i32
    %dma_start3A_20 = arith.constant 0 : i32
    %dma_start3A_21 = arith.constant 0 : i32
    %dma_start3A_22 = arith.constant 0 : i32
    %dma_start3A_23 = tpu.memref_slice %arg9[%dma_start3A, %dma_start3A_21, %dma_start3A_22] : memref<2x128x128xf32, #tpu.memory_space<vmem>> -> memref<1x128x128xf32, #tpu.memory_space<vmem>>
    %dma_start3A_24 = tpu.memref_squeeze %dma_start3A_23 : memref<1x128x128xf32, #tpu.memory_space<vmem>> -> memref<128x128xf32, #tpu.memory_space<vmem>>
    %dma_start3A_25 = arith.constant 0 : i32
    %dma_start3A_26 = tpu.memref_slice %arg7[%dma_start3A_25] : memref<5120xi32, #tpu.memory_space<vmem>> -> memref<128xi32, #tpu.memory_space<vmem>>
    %dma_start3A_27 = arith.constant 0 : i32
    %dma_start3A_28 = arith.constant 0 : i32
    %dma_start3A_29 = tpu.memref_slice %arg2[%dma_start3A_27, %dma_start3A_28] : memref<10112x128xf32, #tpu.memory_space<hbm>> -> memref<10112x128xf32, #tpu.memory_space<hbm>>
    %dma_start3A_30 = tpu.memref_slice %arg11[%dma_start3A_20] : memref<2x!tpu.dma_semaphore, #tpu.memory_space<semaphore_mem>> -> memref<1x!tpu.dma_semaphore, #tpu.memory_space<semaphore_mem>>
    %dma_start3A_31 = tpu.memref_squeeze %dma_start3A_30 : memref<1x!tpu.dma_semaphore, #tpu.memory_space<semaphore_mem>> -> memref<!tpu.dma_semaphore, #tpu.memory_space<semaphore_mem>>
    tpu.enqueue_indirect_dma source(%dma_start3A_29 : memref<10112x128xf32, #tpu.memory_space<hbm>>) target(%dma_start3A_24 : memref<128x128xf32, #tpu.memory_space<vmem>>) offsets(%dma_start3A_26 : memref<128xi32, #tpu.memory_space<vmem>>) semaphore(%dma_start3A_31 : memref<!tpu.dma_semaphore, #tpu.memory_space<semaphore_mem>>)
    %dma_start3A_32 = arith.constant 1 : i32
    %dma_start3A_33 = arith.constant 1 : i32
    %dma_start3A_34 = arith.constant 0 : i32
    %dma_start3A_35 = arith.constant 0 : i32
    %dma_start3A_36 = tpu.memref_slice %arg9[%dma_start3A_32, %dma_start3A_34, %dma_start3A_35] : memref<2x128x128xf32, #tpu.memory_space<vmem>> -> memref<1x128x128xf32, #tpu.memory_space<vmem>>
    %dma_start3A_37 = tpu.memref_squeeze %dma_start3A_36 : memref<1x128x128xf32, #tpu.memory_space<vmem>> -> memref<128x128xf32, #tpu.memory_space<vmem>>
    %dma_start3A_38 = arith.constant 128 : i32
    %dma_start3A_39 = tpu.memref_slice %arg7[%dma_start3A_38] : memref<5120xi32, #tpu.memory_space<vmem>> -> memref<128xi32, #tpu.memory_space<vmem>>
    %dma_start3A_40 = arith.constant 0 : i32
    %dma_start3A_41 = arith.constant 0 : i32
    %dma_start3A_42 = tpu.memref_slice %arg2[%dma_start3A_40, %dma_start3A_41] : memref<10112x128xf32, #tpu.memory_space<hbm>> -> memref<10112x128xf32, #tpu.memory_space<hbm>>
    %dma_start3A_43 = tpu.memref_slice %arg11[%dma_start3A_33] : memref<2x!tpu.dma_semaphore, #tpu.memory_space<semaphore_mem>> -> memref<1x!tpu.dma_semaphore, #tpu.memory_space<semaphore_mem>>
    %dma_start3A_44 = tpu.memref_squeeze %dma_start3A_43 : memref<1x!tpu.dma_semaphore, #tpu.memory_space<semaphore_mem>> -> memref<!tpu.dma_semaphore, #tpu.memory_space<semaphore_mem>>
    tpu.enqueue_indirect_dma source(%dma_start3A_42 : memref<10112x128xf32, #tpu.memory_space<hbm>>) target(%dma_start3A_37 : memref<128x128xf32, #tpu.memory_space<vmem>>) offsets(%dma_start3A_39 : memref<128xi32, #tpu.memory_space<vmem>>) semaphore(%dma_start3A_44 : memref<!tpu.dma_semaphore, #tpu.memory_space<semaphore_mem>>)
    %scan3A = arith.constant 0 : i32
    %scan3A_45 = arith.constant 0 : i32
    %scan3A_46 = arith.constant 20 : i32
    %scan3A_47 = arith.addi %scan3A_45, %scan3A_46 : i32
    %scan3A_48 = arith.constant 1 : i32
    scf.for %scan3A_152 = %scan3A_45 to %scan3A_47 step %scan3A_48  : i32 {
      %mul3A_153 = arith.constant 2 : i32
      %mul3A_154 = arith.muli %scan3A_152, %mul3A_153 : i32
      %add3A_155 = arith.constant 0 : i32
      %add3A_156 = arith.addi %mul3A_154, %add3A_155 : i32
      %dma_wait3A_157 = arith.constant 0 : i32
      %dma_wait3A_158 = arith.constant 0 : i32
      %dma_wait3A_159 = arith.constant 0 : i32
      %dma_wait3A_160 = arith.constant 0 : i32
      %dma_wait3A_161 = tpu.memref_slice %arg9[%dma_wait3A_157, %dma_wait3A_159, %dma_wait3A_160] : memref<2x128x128xf32, #tpu.memory_space<vmem>> -> memref<1x128x128xf32, #tpu.memory_space<vmem>>
      %dma_wait3A_162 = tpu.memref_squeeze %dma_wait3A_161 : memref<1x128x128xf32, #tpu.memory_space<vmem>> -> memref<128x128xf32, #tpu.memory_space<vmem>>
      %dma_wait3A_163 = arith.constant 0 : i32
      %dma_wait3A_164 = tpu.memref_slice %arg7[%dma_wait3A_163] : memref<5120xi32, #tpu.memory_space<vmem>> -> memref<128xi32, #tpu.memory_space<vmem>>
      %dma_wait3A_165 = arith.constant 0 : i32
      %dma_wait3A_166 = arith.constant 0 : i32
      %dma_wait3A_167 = tpu.memref_slice %arg2[%dma_wait3A_165, %dma_wait3A_166] : memref<10112x128xf32, #tpu.memory_space<hbm>> -> memref<10112x128xf32, #tpu.memory_space<hbm>>
      %dma_wait3A_168 = tpu.memref_slice %arg11[%dma_wait3A_158] : memref<2x!tpu.dma_semaphore, #tpu.memory_space<semaphore_mem>> -> memref<1x!tpu.dma_semaphore, #tpu.memory_space<semaphore_mem>>
      %dma_wait3A_169 = tpu.memref_squeeze %dma_wait3A_168 : memref<1x!tpu.dma_semaphore, #tpu.memory_space<semaphore_mem>> -> memref<!tpu.dma_semaphore, #tpu.memory_space<semaphore_mem>>
      tpu.wait_indirect_dma semaphore(%dma_wait3A_169 : memref<!tpu.dma_semaphore, #tpu.memory_space<semaphore_mem>>) src(%dma_wait3A_167 : memref<10112x128xf32, #tpu.memory_space<hbm>>) dst(%dma_wait3A_162 : memref<128x128xf32, #tpu.memory_space<vmem>>)
      %dma_start3A_170 = arith.constant 0 : i32
      %dma_start3A_171 = arith.constant 0 : i32
      %dma_start3A_172 = arith.constant 0 : i32
      %dma_start3A_173 = arith.constant 0 : i32
      %dma_start3A_174 = tpu.memref_slice %arg9[%dma_start3A_170, %dma_start3A_172, %dma_start3A_173] : memref<2x128x128xf32, #tpu.memory_space<vmem>> -> memref<1x128x128xf32, #tpu.memory_space<vmem>>
      %dma_start3A_175 = tpu.memref_squeeze %dma_start3A_174 : memref<1x128x128xf32, #tpu.memory_space<vmem>> -> memref<128x128xf32, #tpu.memory_space<vmem>>
      %dma_start3A_176 = arith.constant 0 : i32
      %dma_start3A_177 = tpu.memref_slice %arg8[%add3A_156, %dma_start3A_176] : memref<40x128xi32, #tpu.memory_space<vmem>> -> memref<1x128xi32, #tpu.memory_space<vmem>>
      %dma_start3A_178 = tpu.memref_squeeze %dma_start3A_177 : memref<1x128xi32, #tpu.memory_space<vmem>> -> memref<128xi32, #tpu.memory_space<vmem>>
      %dma_start3A_179 = arith.constant 0 : i32
      %dma_start3A_180 = arith.constant 0 : i32
      %dma_start3A_181 = tpu.memref_slice %arg10[%dma_start3A_179, %dma_start3A_180] : memref<10112x128xf32, #tpu.memory_space<vmem_shared>> -> memref<10112x128xf32, #tpu.memory_space<vmem_shared>>
      %dma_start3A_182 = tpu.memref_slice %arg12[%dma_start3A_171] : memref<2x!tpu.dma_semaphore, #tpu.memory_space<semaphore_mem>> -> memref<1x!tpu.dma_semaphore, #tpu.memory_space<semaphore_mem>>
      %dma_start3A_183 = tpu.memref_squeeze %dma_start3A_182 : memref<1x!tpu.dma_semaphore, #tpu.memory_space<semaphore_mem>> -> memref<!tpu.dma_semaphore, #tpu.memory_space<semaphore_mem>>
      tpu.enqueue_indirect_dma source(%dma_start3A_175 : memref<128x128xf32, #tpu.memory_space<vmem>>) target(%dma_start3A_181 : memref<10112x128xf32, #tpu.memory_space<vmem_shared>>) offsets(%dma_start3A_178 : memref<128xi32, #tpu.memory_space<vmem>>) semaphore(%dma_start3A_183 : memref<!tpu.dma_semaphore, #tpu.memory_space<semaphore_mem>>) {add = true}
      %mul3A_184 = arith.constant 2 : i32
      %mul3A_185 = arith.muli %scan3A_152, %mul3A_184 : i32
      %add3A_186 = arith.constant 1 : i32
      %add3A_187 = arith.addi %mul3A_185, %add3A_186 : i32
      %dma_wait3A_188 = arith.constant 1 : i32
      %dma_wait3A_189 = arith.constant 1 : i32
      %dma_wait3A_190 = arith.constant 0 : i32
      %dma_wait3A_191 = arith.constant 0 : i32
      %dma_wait3A_192 = tpu.memref_slice %arg9[%dma_wait3A_188, %dma_wait3A_190, %dma_wait3A_191] : memref<2x128x128xf32, #tpu.memory_space<vmem>> -> memref<1x128x128xf32, #tpu.memory_space<vmem>>
      %dma_wait3A_193 = tpu.memref_squeeze %dma_wait3A_192 : memref<1x128x128xf32, #tpu.memory_space<vmem>> -> memref<128x128xf32, #tpu.memory_space<vmem>>
      %dma_wait3A_194 = arith.constant 0 : i32
      %dma_wait3A_195 = tpu.memref_slice %arg7[%dma_wait3A_194] : memref<5120xi32, #tpu.memory_space<vmem>> -> memref<128xi32, #tpu.memory_space<vmem>>
      %dma_wait3A_196 = arith.constant 0 : i32
      %dma_wait3A_197 = arith.constant 0 : i32
      %dma_wait3A_198 = tpu.memref_slice %arg2[%dma_wait3A_196, %dma_wait3A_197] : memref<10112x128xf32, #tpu.memory_space<hbm>> -> memref<10112x128xf32, #tpu.memory_space<hbm>>
      %dma_wait3A_199 = tpu.memref_slice %arg11[%dma_wait3A_189] : memref<2x!tpu.dma_semaphore, #tpu.memory_space<semaphore_mem>> -> memref<1x!tpu.dma_semaphore, #tpu.memory_space<semaphore_mem>>
      %dma_wait3A_200 = tpu.memref_squeeze %dma_wait3A_199 : memref<1x!tpu.dma_semaphore, #tpu.memory_space<semaphore_mem>> -> memref<!tpu.dma_semaphore, #tpu.memory_space<semaphore_mem>>
      tpu.wait_indirect_dma semaphore(%dma_wait3A_200 : memref<!tpu.dma_semaphore, #tpu.memory_space<semaphore_mem>>) src(%dma_wait3A_198 : memref<10112x128xf32, #tpu.memory_space<hbm>>) dst(%dma_wait3A_193 : memref<128x128xf32, #tpu.memory_space<vmem>>)
      %dma_start3A_201 = arith.constant 1 : i32
      %dma_start3A_202 = arith.constant 1 : i32
      %dma_start3A_203 = arith.constant 0 : i32
      %dma_start3A_204 = arith.constant 0 : i32
      %dma_start3A_205 = tpu.memref_slice %arg9[%dma_start3A_201, %dma_start3A_203, %dma_start3A_204] : memref<2x128x128xf32, #tpu.memory_space<vmem>> -> memref<1x128x128xf32, #tpu.memory_space<vmem>>
      %dma_start3A_206 = tpu.memref_squeeze %dma_start3A_205 : memref<1x128x128xf32, #tpu.memory_space<vmem>> -> memref<128x128xf32, #tpu.memory_space<vmem>>
      %dma_start3A_207 = arith.constant 0 : i32
      %dma_start3A_208 = tpu.memref_slice %arg8[%add3A_187, %dma_start3A_207] : memref<40x128xi32, #tpu.memory_space<vmem>> -> memref<1x128xi32, #tpu.memory_space<vmem>>
      %dma_start3A_209 = tpu.memref_squeeze %dma_start3A_208 : memref<1x128xi32, #tpu.memory_space<vmem>> -> memref<128xi32, #tpu.memory_space<vmem>>
      %dma_start3A_210 = arith.constant 0 : i32
      %dma_start3A_211 = arith.constant 0 : i32
      %dma_start3A_212 = tpu.memref_slice %arg10[%dma_start3A_210, %dma_start3A_211] : memref<10112x128xf32, #tpu.memory_space<vmem_shared>> -> memref<10112x128xf32, #tpu.memory_space<vmem_shared>>
      %dma_start3A_213 = tpu.memref_slice %arg12[%dma_start3A_202] : memref<2x!tpu.dma_semaphore, #tpu.memory_space<semaphore_mem>> -> memref<1x!tpu.dma_semaphore, #tpu.memory_space<semaphore_mem>>
      %dma_start3A_214 = tpu.memref_squeeze %dma_start3A_213 : memref<1x!tpu.dma_semaphore, #tpu.memory_space<semaphore_mem>> -> memref<!tpu.dma_semaphore, #tpu.memory_space<semaphore_mem>>
      tpu.enqueue_indirect_dma source(%dma_start3A_206 : memref<128x128xf32, #tpu.memory_space<vmem>>) target(%dma_start3A_212 : memref<10112x128xf32, #tpu.memory_space<vmem_shared>>) offsets(%dma_start3A_209 : memref<128xi32, #tpu.memory_space<vmem>>) semaphore(%dma_start3A_214 : memref<!tpu.dma_semaphore, #tpu.memory_space<semaphore_mem>>) {add = true}
      %lt3A = arith.constant 19 : i32
      %lt3A_215 = arith.cmpi slt, %scan3A_152, %lt3A : i32
      %convert_element_type3A_216 = arith.extui %lt3A_215 : i1 to i32
      %cond3A_217 = arith.constant 0 : i32
      %cond3A_218 = arith.cmpi ne, %convert_element_type3A_216, %cond3A_217 : i32
      scf.if %cond3A_218 {
        %add3A_219 = arith.constant 1 : i32
        %add3A_220 = arith.addi %scan3A_152, %add3A_219 : i32
        %mul3A_221 = arith.constant 2 : i32
        %mul3A_222 = arith.muli %add3A_220, %mul3A_221 : i32
        %add3A_223 = arith.constant 0 : i32
        %add3A_224 = arith.addi %mul3A_222, %add3A_223 : i32
        %dma_wait3A_225 = arith.constant 0 : i32
        %dma_wait3A_226 = arith.constant 0 : i32
        %dma_wait3A_227 = arith.constant 0 : i32
        %dma_wait3A_228 = arith.constant 0 : i32
        %dma_wait3A_229 = arith.constant 0 : i32
        %dma_wait3A_230 = tpu.memref_slice %arg9[%dma_wait3A_225, %dma_wait3A_228, %dma_wait3A_229] : memref<2x128x128xf32, #tpu.memory_space<vmem>> -> memref<1x128x128xf32, #tpu.memory_space<vmem>>
        %dma_wait3A_231 = tpu.memref_squeeze %dma_wait3A_230 : memref<1x128x128xf32, #tpu.memory_space<vmem>> -> memref<128x128xf32, #tpu.memory_space<vmem>>
        %dma_wait3A_232 = arith.constant 0 : i32
        %dma_wait3A_233 = tpu.memref_slice %arg8[%dma_wait3A_226, %dma_wait3A_232] : memref<40x128xi32, #tpu.memory_space<vmem>> -> memref<1x128xi32, #tpu.memory_space<vmem>>
        %dma_wait3A_234 = tpu.memref_squeeze %dma_wait3A_233 : memref<1x128xi32, #tpu.memory_space<vmem>> -> memref<128xi32, #tpu.memory_space<vmem>>
        %dma_wait3A_235 = arith.constant 0 : i32
        %dma_wait3A_236 = arith.constant 0 : i32
        %dma_wait3A_237 = tpu.memref_slice %arg10[%dma_wait3A_235, %dma_wait3A_236] : memref<10112x128xf32, #tpu.memory_space<vmem_shared>> -> memref<10112x128xf32, #tpu.memory_space<vmem_shared>>
        %dma_wait3A_238 = tpu.memref_slice %arg12[%dma_wait3A_227] : memref<2x!tpu.dma_semaphore, #tpu.memory_space<semaphore_mem>> -> memref<1x!tpu.dma_semaphore, #tpu.memory_space<semaphore_mem>>
        %dma_wait3A_239 = tpu.memref_squeeze %dma_wait3A_238 : memref<1x!tpu.dma_semaphore, #tpu.memory_space<semaphore_mem>> -> memref<!tpu.dma_semaphore, #tpu.memory_space<semaphore_mem>>
        tpu.wait_indirect_dma semaphore(%dma_wait3A_239 : memref<!tpu.dma_semaphore, #tpu.memory_space<semaphore_mem>>) src(%dma_wait3A_231 : memref<128x128xf32, #tpu.memory_space<vmem>>) dst(%dma_wait3A_237 : memref<10112x128xf32, #tpu.memory_space<vmem_shared>>)
        %mul3A_240 = arith.constant 128 : i32
        %mul3A_241 = arith.muli %add3A_224, %mul3A_240 : i32
        %dma_start3A_242 = arith.constant 0 : i32
        %dma_start3A_243 = arith.constant 0 : i32
        %dma_start3A_244 = arith.constant 0 : i32
        %dma_start3A_245 = arith.constant 0 : i32
        %dma_start3A_246 = tpu.memref_slice %arg9[%dma_start3A_242, %dma_start3A_244, %dma_start3A_245] : memref<2x128x128xf32, #tpu.memory_space<vmem>> -> memref<1x128x128xf32, #tpu.memory_space<vmem>>
        %dma_start3A_247 = tpu.memref_squeeze %dma_start3A_246 : memref<1x128x128xf32, #tpu.memory_space<vmem>> -> memref<128x128xf32, #tpu.memory_space<vmem>>
        %dma_start3A_248 = tpu.memref_slice %arg7[%mul3A_241] : memref<5120xi32, #tpu.memory_space<vmem>> -> memref<128xi32, #tpu.memory_space<vmem>>
        %dma_start3A_249 = arith.constant 0 : i32
        %dma_start3A_250 = arith.constant 0 : i32
        %dma_start3A_251 = tpu.memref_slice %arg2[%dma_start3A_249, %dma_start3A_250] : memref<10112x128xf32, #tpu.memory_space<hbm>> -> memref<10112x128xf32, #tpu.memory_space<hbm>>
        %dma_start3A_252 = tpu.memref_slice %arg11[%dma_start3A_243] : memref<2x!tpu.dma_semaphore, #tpu.memory_space<semaphore_mem>> -> memref<1x!tpu.dma_semaphore, #tpu.memory_space<semaphore_mem>>
        %dma_start3A_253 = tpu.memref_squeeze %dma_start3A_252 : memref<1x!tpu.dma_semaphore, #tpu.memory_space<semaphore_mem>> -> memref<!tpu.dma_semaphore, #tpu.memory_space<semaphore_mem>>
        tpu.enqueue_indirect_dma source(%dma_start3A_251 : memref<10112x128xf32, #tpu.memory_space<hbm>>) target(%dma_start3A_247 : memref<128x128xf32, #tpu.memory_space<vmem>>) offsets(%dma_start3A_248 : memref<128xi32, #tpu.memory_space<vmem>>) semaphore(%dma_start3A_253 : memref<!tpu.dma_semaphore, #tpu.memory_space<semaphore_mem>>)
        %add3A_254 = arith.constant 1 : i32
        %add3A_255 = arith.addi %scan3A_152, %add3A_254 : i32
        %mul3A_256 = arith.constant 2 : i32
        %mul3A_257 = arith.muli %add3A_255, %mul3A_256 : i32
        %add3A_258 = arith.constant 1 : i32
        %add3A_259 = arith.addi %mul3A_257, %add3A_258 : i32
        %dma_wait3A_260 = arith.constant 1 : i32
        %dma_wait3A_261 = arith.constant 0 : i32
        %dma_wait3A_262 = arith.constant 1 : i32
        %dma_wait3A_263 = arith.constant 0 : i32
        %dma_wait3A_264 = arith.constant 0 : i32
        %dma_wait3A_265 = tpu.memref_slice %arg9[%dma_wait3A_260, %dma_wait3A_263, %dma_wait3A_264] : memref<2x128x128xf32, #tpu.memory_space<vmem>> -> memref<1x128x128xf32, #tpu.memory_space<vmem>>
        %dma_wait3A_266 = tpu.memref_squeeze %dma_wait3A_265 : memref<1x128x128xf32, #tpu.memory_space<vmem>> -> memref<128x128xf32, #tpu.memory_space<vmem>>
        %dma_wait3A_267 = arith.constant 0 : i32
        %dma_wait3A_268 = tpu.memref_slice %arg8[%dma_wait3A_261, %dma_wait3A_267] : memref<40x128xi32, #tpu.memory_space<vmem>> -> memref<1x128xi32, #tpu.memory_space<vmem>>
        %dma_wait3A_269 = tpu.memref_squeeze %dma_wait3A_268 : memref<1x128xi32, #tpu.memory_space<vmem>> -> memref<128xi32, #tpu.memory_space<vmem>>
        %dma_wait3A_270 = arith.constant 0 : i32
        %dma_wait3A_271 = arith.constant 0 : i32
        %dma_wait3A_272 = tpu.memref_slice %arg10[%dma_wait3A_270, %dma_wait3A_271] : memref<10112x128xf32, #tpu.memory_space<vmem_shared>> -> memref<10112x128xf32, #tpu.memory_space<vmem_shared>>
        %dma_wait3A_273 = tpu.memref_slice %arg12[%dma_wait3A_262] : memref<2x!tpu.dma_semaphore, #tpu.memory_space<semaphore_mem>> -> memref<1x!tpu.dma_semaphore, #tpu.memory_space<semaphore_mem>>
        %dma_wait3A_274 = tpu.memref_squeeze %dma_wait3A_273 : memref<1x!tpu.dma_semaphore, #tpu.memory_space<semaphore_mem>> -> memref<!tpu.dma_semaphore, #tpu.memory_space<semaphore_mem>>
        tpu.wait_indirect_dma semaphore(%dma_wait3A_274 : memref<!tpu.dma_semaphore, #tpu.memory_space<semaphore_mem>>) src(%dma_wait3A_266 : memref<128x128xf32, #tpu.memory_space<vmem>>) dst(%dma_wait3A_272 : memref<10112x128xf32, #tpu.memory_space<vmem_shared>>)
        %mul3A_275 = arith.constant 128 : i32
        %mul3A_276 = arith.muli %add3A_259, %mul3A_275 : i32
        %dma_start3A_277 = arith.constant 1 : i32
        %dma_start3A_278 = arith.constant 1 : i32
        %dma_start3A_279 = arith.constant 0 : i32
        %dma_start3A_280 = arith.constant 0 : i32
        %dma_start3A_281 = tpu.memref_slice %arg9[%dma_start3A_277, %dma_start3A_279, %dma_start3A_280] : memref<2x128x128xf32, #tpu.memory_space<vmem>> -> memref<1x128x128xf32, #tpu.memory_space<vmem>>
        %dma_start3A_282 = tpu.memref_squeeze %dma_start3A_281 : memref<1x128x128xf32, #tpu.memory_space<vmem>> -> memref<128x128xf32, #tpu.memory_space<vmem>>
        %dma_start3A_283 = tpu.memref_slice %arg7[%mul3A_276] : memref<5120xi32, #tpu.memory_space<vmem>> -> memref<128xi32, #tpu.memory_space<vmem>>
        %dma_start3A_284 = arith.constant 0 : i32
        %dma_start3A_285 = arith.constant 0 : i32
        %dma_start3A_286 = tpu.memref_slice %arg2[%dma_start3A_284, %dma_start3A_285] : memref<10112x128xf32, #tpu.memory_space<hbm>> -> memref<10112x128xf32, #tpu.memory_space<hbm>>
        %dma_start3A_287 = tpu.memref_slice %arg11[%dma_start3A_278] : memref<2x!tpu.dma_semaphore, #tpu.memory_space<semaphore_mem>> -> memref<1x!tpu.dma_semaphore, #tpu.memory_space<semaphore_mem>>
        %dma_start3A_288 = tpu.memref_squeeze %dma_start3A_287 : memref<1x!tpu.dma_semaphore, #tpu.memory_space<semaphore_mem>> -> memref<!tpu.dma_semaphore, #tpu.memory_space<semaphore_mem>>
        tpu.enqueue_indirect_dma source(%dma_start3A_286 : memref<10112x128xf32, #tpu.memory_space<hbm>>) target(%dma_start3A_282 : memref<128x128xf32, #tpu.memory_space<vmem>>) offsets(%dma_start3A_283 : memref<128xi32, #tpu.memory_space<vmem>>) semaphore(%dma_start3A_288 : memref<!tpu.dma_semaphore, #tpu.memory_space<semaphore_mem>>)
      } else {
      }
    }
    %scan3A_49 = arith.constant 20 : i32
    %dma_wait3A = arith.constant 0 : i32
    %dma_wait3A_50 = arith.constant 0 : i32
    %dma_wait3A_51 = arith.constant 0 : i32
    %dma_wait3A_52 = arith.constant 0 : i32
    %dma_wait3A_53 = arith.constant 0 : i32
    %dma_wait3A_54 = tpu.memref_slice %arg9[%dma_wait3A, %dma_wait3A_52, %dma_wait3A_53] : memref<2x128x128xf32, #tpu.memory_space<vmem>> -> memref<1x128x128xf32, #tpu.memory_space<vmem>>
    %dma_wait3A_55 = tpu.memref_squeeze %dma_wait3A_54 : memref<1x128x128xf32, #tpu.memory_space<vmem>> -> memref<128x128xf32, #tpu.memory_space<vmem>>
    %dma_wait3A_56 = arith.constant 0 : i32
    %dma_wait3A_57 = tpu.memref_slice %arg8[%dma_wait3A_50, %dma_wait3A_56] : memref<40x128xi32, #tpu.memory_space<vmem>> -> memref<1x128xi32, #tpu.memory_space<vmem>>
    %dma_wait3A_58 = tpu.memref_squeeze %dma_wait3A_57 : memref<1x128xi32, #tpu.memory_space<vmem>> -> memref<128xi32, #tpu.memory_space<vmem>>
    %dma_wait3A_59 = arith.constant 0 : i32
    %dma_wait3A_60 = arith.constant 0 : i32
    %dma_wait3A_61 = tpu.memref_slice %arg10[%dma_wait3A_59, %dma_wait3A_60] : memref<10112x128xf32, #tpu.memory_space<vmem_shared>> -> memref<10112x128xf32, #tpu.memory_space<vmem_shared>>
    %dma_wait3A_62 = tpu.memref_slice %arg12[%dma_wait3A_51] : memref<2x!tpu.dma_semaphore, #tpu.memory_space<semaphore_mem>> -> memref<1x!tpu.dma_semaphore, #tpu.memory_space<semaphore_mem>>
    %dma_wait3A_63 = tpu.memref_squeeze %dma_wait3A_62 : memref<1x!tpu.dma_semaphore, #tpu.memory_space<semaphore_mem>> -> memref<!tpu.dma_semaphore, #tpu.memory_space<semaphore_mem>>
    tpu.wait_indirect_dma semaphore(%dma_wait3A_63 : memref<!tpu.dma_semaphore, #tpu.memory_space<semaphore_mem>>) src(%dma_wait3A_55 : memref<128x128xf32, #tpu.memory_space<vmem>>) dst(%dma_wait3A_61 : memref<10112x128xf32, #tpu.memory_space<vmem_shared>>)
    %dma_wait3A_64 = arith.constant 1 : i32
    %dma_wait3A_65 = arith.constant 0 : i32
    %dma_wait3A_66 = arith.constant 1 : i32
    %dma_wait3A_67 = arith.constant 0 : i32
    %dma_wait3A_68 = arith.constant 0 : i32
    %dma_wait3A_69 = tpu.memref_slice %arg9[%dma_wait3A_64, %dma_wait3A_67, %dma_wait3A_68] : memref<2x128x128xf32, #tpu.memory_space<vmem>> -> memref<1x128x128xf32, #tpu.memory_space<vmem>>
    %dma_wait3A_70 = tpu.memref_squeeze %dma_wait3A_69 : memref<1x128x128xf32, #tpu.memory_space<vmem>> -> memref<128x128xf32, #tpu.memory_space<vmem>>
    %dma_wait3A_71 = arith.constant 0 : i32
    %dma_wait3A_72 = tpu.memref_slice %arg8[%dma_wait3A_65, %dma_wait3A_71] : memref<40x128xi32, #tpu.memory_space<vmem>> -> memref<1x128xi32, #tpu.memory_space<vmem>>
    %dma_wait3A_73 = tpu.memref_squeeze %dma_wait3A_72 : memref<1x128xi32, #tpu.memory_space<vmem>> -> memref<128xi32, #tpu.memory_space<vmem>>
    %dma_wait3A_74 = arith.constant 0 : i32
    %dma_wait3A_75 = arith.constant 0 : i32
    %dma_wait3A_76 = tpu.memref_slice %arg10[%dma_wait3A_74, %dma_wait3A_75] : memref<10112x128xf32, #tpu.memory_space<vmem_shared>> -> memref<10112x128xf32, #tpu.memory_space<vmem_shared>>
    %dma_wait3A_77 = tpu.memref_slice %arg12[%dma_wait3A_66] : memref<2x!tpu.dma_semaphore, #tpu.memory_space<semaphore_mem>> -> memref<1x!tpu.dma_semaphore, #tpu.memory_space<semaphore_mem>>
    %dma_wait3A_78 = tpu.memref_squeeze %dma_wait3A_77 : memref<1x!tpu.dma_semaphore, #tpu.memory_space<semaphore_mem>> -> memref<!tpu.dma_semaphore, #tpu.memory_space<semaphore_mem>>
    tpu.wait_indirect_dma semaphore(%dma_wait3A_78 : memref<!tpu.dma_semaphore, #tpu.memory_space<semaphore_mem>>) src(%dma_wait3A_70 : memref<128x128xf32, #tpu.memory_space<vmem>>) dst(%dma_wait3A_76 : memref<10112x128xf32, #tpu.memory_space<vmem_shared>>)
    %mul3A_79 = arith.constant 10240 : i32
    %mul3A_80 = arith.muli %add3A, %mul3A_79 : i32
    %add3A_81 = arith.constant 5120 : i32
    %add3A_82 = arith.addi %mul3A_80, %add3A_81 : i32
    %multiple_of3A_83 = tpu.assume_multiple %add3A_82, 8 : i32
    "tpu.region"() ({
      %run_scoped3A = tpu.sem_alloc : memref<!tpu.dma_semaphore, #tpu.memory_space<semaphore_mem>>
      %dma_start3A_152 = tpu.memref_slice %arg3[%multiple_of3A_83] : memref<327680xi32, #tpu.memory_space<hbm>> -> memref<5120xi32, #tpu.memory_space<hbm>>
      %dma_start3A_153 = tpu.memref_slice %arg3[%multiple_of3A_83] : memref<327680xi32, #tpu.memory_space<hbm>> -> memref<5120xi32, #tpu.memory_space<hbm>>
      tpu.enqueue_dma source(%dma_start3A_153 : memref<5120xi32, #tpu.memory_space<hbm>>) target(%arg7 : memref<5120xi32, #tpu.memory_space<vmem>>) target_semaphore(%run_scoped3A : memref<!tpu.dma_semaphore, #tpu.memory_space<semaphore_mem>>)
      %dma_wait3A_154 = tpu.memref_slice %arg3[%multiple_of3A_83] : memref<327680xi32, #tpu.memory_space<hbm>> -> memref<5120xi32, #tpu.memory_space<hbm>>
      %dma_wait3A_155 = tpu.memref_slice %arg3[%multiple_of3A_83] : memref<327680xi32, #tpu.memory_space<hbm>> -> memref<5120xi32, #tpu.memory_space<hbm>>
      tpu.wait_dma2 semaphore(%run_scoped3A : memref<!tpu.dma_semaphore, #tpu.memory_space<semaphore_mem>>) src(%dma_wait3A_155 : memref<5120xi32, #tpu.memory_space<hbm>>) dst(%arg7 : memref<5120xi32, #tpu.memory_space<vmem>>)
      tpu.yield
    }) : () -> ()
    %mul3A_84 = arith.constant 80 : i32
    %mul3A_85 = arith.muli %add3A, %mul3A_84 : i32
    %add3A_86 = arith.constant 40 : i32
    %add3A_87 = arith.addi %mul3A_85, %add3A_86 : i32
    %multiple_of3A_88 = tpu.assume_multiple %add3A_87, 8 : i32
    "tpu.region"() ({
      %run_scoped3A = tpu.sem_alloc : memref<!tpu.dma_semaphore, #tpu.memory_space<semaphore_mem>>
      %dma_start3A_152 = arith.constant 0 : i32
      %dma_start3A_153 = tpu.memref_slice %arg4[%multiple_of3A_88, %dma_start3A_152] : memref<2560x128xi32, #tpu.memory_space<hbm>> -> memref<40x128xi32, #tpu.memory_space<hbm>>
      %dma_start3A_154 = arith.constant 0 : i32
      %dma_start3A_155 = tpu.memref_slice %arg4[%multiple_of3A_88, %dma_start3A_154] : memref<2560x128xi32, #tpu.memory_space<hbm>> -> memref<40x128xi32, #tpu.memory_space<hbm>>
      tpu.enqueue_dma source(%dma_start3A_155 : memref<40x128xi32, #tpu.memory_space<hbm>>) target(%arg8 : memref<40x128xi32, #tpu.memory_space<vmem>>) target_semaphore(%run_scoped3A : memref<!tpu.dma_semaphore, #tpu.memory_space<semaphore_mem>>)
      %dma_wait3A_156 = arith.constant 0 : i32
      %dma_wait3A_157 = tpu.memref_slice %arg4[%multiple_of3A_88, %dma_wait3A_156] : memref<2560x128xi32, #tpu.memory_space<hbm>> -> memref<40x128xi32, #tpu.memory_space<hbm>>
      %dma_wait3A_158 = arith.constant 0 : i32
      %dma_wait3A_159 = tpu.memref_slice %arg4[%multiple_of3A_88, %dma_wait3A_158] : memref<2560x128xi32, #tpu.memory_space<hbm>> -> memref<40x128xi32, #tpu.memory_space<hbm>>
      tpu.wait_dma2 semaphore(%run_scoped3A : memref<!tpu.dma_semaphore, #tpu.memory_space<semaphore_mem>>) src(%dma_wait3A_159 : memref<40x128xi32, #tpu.memory_space<hbm>>) dst(%arg8 : memref<40x128xi32, #tpu.memory_space<vmem>>)
      tpu.yield
    }) : () -> ()
    %dma_start3A_89 = arith.constant 0 : i32
    %dma_start3A_90 = arith.constant 0 : i32
    %dma_start3A_91 = arith.constant 0 : i32
    %dma_start3A_92 = arith.constant 0 : i32
    %dma_start3A_93 = tpu.memref_slice %arg9[%dma_start3A_89, %dma_start3A_91, %dma_start3A_92] : memref<2x128x128xf32, #tpu.memory_space<vmem>> -> memref<1x128x128xf32, #tpu.memory_space<vmem>>
    %dma_start3A_94 = tpu.memref_squeeze %dma_start3A_93 : memref<1x128x128xf32, #tpu.memory_space<vmem>> -> memref<128x128xf32, #tpu.memory_space<vmem>>
    %dma_start3A_95 = arith.constant 0 : i32
    %dma_start3A_96 = tpu.memref_slice %arg7[%dma_start3A_95] : memref<5120xi32, #tpu.memory_space<vmem>> -> memref<128xi32, #tpu.memory_space<vmem>>
    %dma_start3A_97 = arith.constant 0 : i32
    %dma_start3A_98 = arith.constant 0 : i32
    %dma_start3A_99 = tpu.memref_slice %arg2[%dma_start3A_97, %dma_start3A_98] : memref<10112x128xf32, #tpu.memory_space<hbm>> -> memref<10112x128xf32, #tpu.memory_space<hbm>>
    %dma_start3A_100 = tpu.memref_slice %arg11[%dma_start3A_90] : memref<2x!tpu.dma_semaphore, #tpu.memory_space<semaphore_mem>> -> memref<1x!tpu.dma_semaphore, #tpu.memory_space<semaphore_mem>>
    %dma_start3A_101 = tpu.memref_squeeze %dma_start3A_100 : memref<1x!tpu.dma_semaphore, #tpu.memory_space<semaphore_mem>> -> memref<!tpu.dma_semaphore, #tpu.memory_space<semaphore_mem>>
    tpu.enqueue_indirect_dma source(%dma_start3A_99 : memref<10112x128xf32, #tpu.memory_space<hbm>>) target(%dma_start3A_94 : memref<128x128xf32, #tpu.memory_space<vmem>>) offsets(%dma_start3A_96 : memref<128xi32, #tpu.memory_space<vmem>>) semaphore(%dma_start3A_101 : memref<!tpu.dma_semaphore, #tpu.memory_space<semaphore_mem>>)
    %dma_start3A_102 = arith.constant 1 : i32
    %dma_start3A_103 = arith.constant 1 : i32
    %dma_start3A_104 = arith.constant 0 : i32
    %dma_start3A_105 = arith.constant 0 : i32
    %dma_start3A_106 = tpu.memref_slice %arg9[%dma_start3A_102, %dma_start3A_104, %dma_start3A_105] : memref<2x128x128xf32, #tpu.memory_space<vmem>> -> memref<1x128x128xf32, #tpu.memory_space<vmem>>
    %dma_start3A_107 = tpu.memref_squeeze %dma_start3A_106 : memref<1x128x128xf32, #tpu.memory_space<vmem>> -> memref<128x128xf32, #tpu.memory_space<vmem>>
    %dma_start3A_108 = arith.constant 128 : i32
    %dma_start3A_109 = tpu.memref_slice %arg7[%dma_start3A_108] : memref<5120xi32, #tpu.memory_space<vmem>> -> memref<128xi32, #tpu.memory_space<vmem>>
    %dma_start3A_110 = arith.constant 0 : i32
    %dma_start3A_111 = arith.constant 0 : i32
    %dma_start3A_112 = tpu.memref_slice %arg2[%dma_start3A_110, %dma_start3A_111] : memref<10112x128xf32, #tpu.memory_space<hbm>> -> memref<10112x128xf32, #tpu.memory_space<hbm>>
    %dma_start3A_113 = tpu.memref_slice %arg11[%dma_start3A_103] : memref<2x!tpu.dma_semaphore, #tpu.memory_space<semaphore_mem>> -> memref<1x!tpu.dma_semaphore, #tpu.memory_space<semaphore_mem>>
    %dma_start3A_114 = tpu.memref_squeeze %dma_start3A_113 : memref<1x!tpu.dma_semaphore, #tpu.memory_space<semaphore_mem>> -> memref<!tpu.dma_semaphore, #tpu.memory_space<semaphore_mem>>
    tpu.enqueue_indirect_dma source(%dma_start3A_112 : memref<10112x128xf32, #tpu.memory_space<hbm>>) target(%dma_start3A_107 : memref<128x128xf32, #tpu.memory_space<vmem>>) offsets(%dma_start3A_109 : memref<128xi32, #tpu.memory_space<vmem>>) semaphore(%dma_start3A_114 : memref<!tpu.dma_semaphore, #tpu.memory_space<semaphore_mem>>)
    %scan3A_115 = arith.constant 0 : i32
    %scan3A_116 = arith.constant 0 : i32
    %scan3A_117 = arith.constant 20 : i32
    %scan3A_118 = arith.addi %scan3A_116, %scan3A_117 : i32
    %scan3A_119 = arith.constant 1 : i32
    scf.for %scan3A_152 = %scan3A_116 to %scan3A_118 step %scan3A_119  : i32 {
      %mul3A_153 = arith.constant 2 : i32
      %mul3A_154 = arith.muli %scan3A_152, %mul3A_153 : i32
      %add3A_155 = arith.constant 0 : i32
      %add3A_156 = arith.addi %mul3A_154, %add3A_155 : i32
      %dma_wait3A_157 = arith.constant 0 : i32
      %dma_wait3A_158 = arith.constant 0 : i32
      %dma_wait3A_159 = arith.constant 0 : i32
      %dma_wait3A_160 = arith.constant 0 : i32
      %dma_wait3A_161 = tpu.memref_slice %arg9[%dma_wait3A_157, %dma_wait3A_159, %dma_wait3A_160] : memref<2x128x128xf32, #tpu.memory_space<vmem>> -> memref<1x128x128xf32, #tpu.memory_space<vmem>>
      %dma_wait3A_162 = tpu.memref_squeeze %dma_wait3A_161 : memref<1x128x128xf32, #tpu.memory_space<vmem>> -> memref<128x128xf32, #tpu.memory_space<vmem>>
      %dma_wait3A_163 = arith.constant 0 : i32
      %dma_wait3A_164 = tpu.memref_slice %arg7[%dma_wait3A_163] : memref<5120xi32, #tpu.memory_space<vmem>> -> memref<128xi32, #tpu.memory_space<vmem>>
      %dma_wait3A_165 = arith.constant 0 : i32
      %dma_wait3A_166 = arith.constant 0 : i32
      %dma_wait3A_167 = tpu.memref_slice %arg2[%dma_wait3A_165, %dma_wait3A_166] : memref<10112x128xf32, #tpu.memory_space<hbm>> -> memref<10112x128xf32, #tpu.memory_space<hbm>>
      %dma_wait3A_168 = tpu.memref_slice %arg11[%dma_wait3A_158] : memref<2x!tpu.dma_semaphore, #tpu.memory_space<semaphore_mem>> -> memref<1x!tpu.dma_semaphore, #tpu.memory_space<semaphore_mem>>
      %dma_wait3A_169 = tpu.memref_squeeze %dma_wait3A_168 : memref<1x!tpu.dma_semaphore, #tpu.memory_space<semaphore_mem>> -> memref<!tpu.dma_semaphore, #tpu.memory_space<semaphore_mem>>
      tpu.wait_indirect_dma semaphore(%dma_wait3A_169 : memref<!tpu.dma_semaphore, #tpu.memory_space<semaphore_mem>>) src(%dma_wait3A_167 : memref<10112x128xf32, #tpu.memory_space<hbm>>) dst(%dma_wait3A_162 : memref<128x128xf32, #tpu.memory_space<vmem>>)
      %dma_start3A_170 = arith.constant 0 : i32
      %dma_start3A_171 = arith.constant 0 : i32
      %dma_start3A_172 = arith.constant 0 : i32
      %dma_start3A_173 = arith.constant 0 : i32
      %dma_start3A_174 = tpu.memref_slice %arg9[%dma_start3A_170, %dma_start3A_172, %dma_start3A_173] : memref<2x128x128xf32, #tpu.memory_space<vmem>> -> memref<1x128x128xf32, #tpu.memory_space<vmem>>
      %dma_start3A_175 = tpu.memref_squeeze %dma_start3A_174 : memref<1x128x128xf32, #tpu.memory_space<vmem>> -> memref<128x128xf32, #tpu.memory_space<vmem>>
      %dma_start3A_176 = arith.constant 0 : i32
      %dma_start3A_177 = tpu.memref_slice %arg8[%add3A_156, %dma_start3A_176] : memref<40x128xi32, #tpu.memory_space<vmem>> -> memref<1x128xi32, #tpu.memory_space<vmem>>
      %dma_start3A_178 = tpu.memref_squeeze %dma_start3A_177 : memref<1x128xi32, #tpu.memory_space<vmem>> -> memref<128xi32, #tpu.memory_space<vmem>>
      %dma_start3A_179 = arith.constant 0 : i32
      %dma_start3A_180 = arith.constant 0 : i32
      %dma_start3A_181 = tpu.memref_slice %arg10[%dma_start3A_179, %dma_start3A_180] : memref<10112x128xf32, #tpu.memory_space<vmem_shared>> -> memref<10112x128xf32, #tpu.memory_space<vmem_shared>>
      %dma_start3A_182 = tpu.memref_slice %arg12[%dma_start3A_171] : memref<2x!tpu.dma_semaphore, #tpu.memory_space<semaphore_mem>> -> memref<1x!tpu.dma_semaphore, #tpu.memory_space<semaphore_mem>>
      %dma_start3A_183 = tpu.memref_squeeze %dma_start3A_182 : memref<1x!tpu.dma_semaphore, #tpu.memory_space<semaphore_mem>> -> memref<!tpu.dma_semaphore, #tpu.memory_space<semaphore_mem>>
      tpu.enqueue_indirect_dma source(%dma_start3A_175 : memref<128x128xf32, #tpu.memory_space<vmem>>) target(%dma_start3A_181 : memref<10112x128xf32, #tpu.memory_space<vmem_shared>>) offsets(%dma_start3A_178 : memref<128xi32, #tpu.memory_space<vmem>>) semaphore(%dma_start3A_183 : memref<!tpu.dma_semaphore, #tpu.memory_space<semaphore_mem>>) {add = true}
      %mul3A_184 = arith.constant 2 : i32
      %mul3A_185 = arith.muli %scan3A_152, %mul3A_184 : i32
      %add3A_186 = arith.constant 1 : i32
      %add3A_187 = arith.addi %mul3A_185, %add3A_186 : i32
      %dma_wait3A_188 = arith.constant 1 : i32
      %dma_wait3A_189 = arith.constant 1 : i32
      %dma_wait3A_190 = arith.constant 0 : i32
      %dma_wait3A_191 = arith.constant 0 : i32
      %dma_wait3A_192 = tpu.memref_slice %arg9[%dma_wait3A_188, %dma_wait3A_190, %dma_wait3A_191] : memref<2x128x128xf32, #tpu.memory_space<vmem>> -> memref<1x128x128xf32, #tpu.memory_space<vmem>>
      %dma_wait3A_193 = tpu.memref_squeeze %dma_wait3A_192 : memref<1x128x128xf32, #tpu.memory_space<vmem>> -> memref<128x128xf32, #tpu.memory_space<vmem>>
      %dma_wait3A_194 = arith.constant 0 : i32
      %dma_wait3A_195 = tpu.memref_slice %arg7[%dma_wait3A_194] : memref<5120xi32, #tpu.memory_space<vmem>> -> memref<128xi32, #tpu.memory_space<vmem>>
      %dma_wait3A_196 = arith.constant 0 : i32
      %dma_wait3A_197 = arith.constant 0 : i32
      %dma_wait3A_198 = tpu.memref_slice %arg2[%dma_wait3A_196, %dma_wait3A_197] : memref<10112x128xf32, #tpu.memory_space<hbm>> -> memref<10112x128xf32, #tpu.memory_space<hbm>>
      %dma_wait3A_199 = tpu.memref_slice %arg11[%dma_wait3A_189] : memref<2x!tpu.dma_semaphore, #tpu.memory_space<semaphore_mem>> -> memref<1x!tpu.dma_semaphore, #tpu.memory_space<semaphore_mem>>
      %dma_wait3A_200 = tpu.memref_squeeze %dma_wait3A_199 : memref<1x!tpu.dma_semaphore, #tpu.memory_space<semaphore_mem>> -> memref<!tpu.dma_semaphore, #tpu.memory_space<semaphore_mem>>
      tpu.wait_indirect_dma semaphore(%dma_wait3A_200 : memref<!tpu.dma_semaphore, #tpu.memory_space<semaphore_mem>>) src(%dma_wait3A_198 : memref<10112x128xf32, #tpu.memory_space<hbm>>) dst(%dma_wait3A_193 : memref<128x128xf32, #tpu.memory_space<vmem>>)
      %dma_start3A_201 = arith.constant 1 : i32
      %dma_start3A_202 = arith.constant 1 : i32
      %dma_start3A_203 = arith.constant 0 : i32
      %dma_start3A_204 = arith.constant 0 : i32
      %dma_start3A_205 = tpu.memref_slice %arg9[%dma_start3A_201, %dma_start3A_203, %dma_start3A_204] : memref<2x128x128xf32, #tpu.memory_space<vmem>> -> memref<1x128x128xf32, #tpu.memory_space<vmem>>
      %dma_start3A_206 = tpu.memref_squeeze %dma_start3A_205 : memref<1x128x128xf32, #tpu.memory_space<vmem>> -> memref<128x128xf32, #tpu.memory_space<vmem>>
      %dma_start3A_207 = arith.constant 0 : i32
      %dma_start3A_208 = tpu.memref_slice %arg8[%add3A_187, %dma_start3A_207] : memref<40x128xi32, #tpu.memory_space<vmem>> -> memref<1x128xi32, #tpu.memory_space<vmem>>
      %dma_start3A_209 = tpu.memref_squeeze %dma_start3A_208 : memref<1x128xi32, #tpu.memory_space<vmem>> -> memref<128xi32, #tpu.memory_space<vmem>>
      %dma_start3A_210 = arith.constant 0 : i32
      %dma_start3A_211 = arith.constant 0 : i32
      %dma_start3A_212 = tpu.memref_slice %arg10[%dma_start3A_210, %dma_start3A_211] : memref<10112x128xf32, #tpu.memory_space<vmem_shared>> -> memref<10112x128xf32, #tpu.memory_space<vmem_shared>>
      %dma_start3A_213 = tpu.memref_slice %arg12[%dma_start3A_202] : memref<2x!tpu.dma_semaphore, #tpu.memory_space<semaphore_mem>> -> memref<1x!tpu.dma_semaphore, #tpu.memory_space<semaphore_mem>>
      %dma_start3A_214 = tpu.memref_squeeze %dma_start3A_213 : memref<1x!tpu.dma_semaphore, #tpu.memory_space<semaphore_mem>> -> memref<!tpu.dma_semaphore, #tpu.memory_space<semaphore_mem>>
      tpu.enqueue_indirect_dma source(%dma_start3A_206 : memref<128x128xf32, #tpu.memory_space<vmem>>) target(%dma_start3A_212 : memref<10112x128xf32, #tpu.memory_space<vmem_shared>>) offsets(%dma_start3A_209 : memref<128xi32, #tpu.memory_space<vmem>>) semaphore(%dma_start3A_214 : memref<!tpu.dma_semaphore, #tpu.memory_space<semaphore_mem>>) {add = true}
      %lt3A = arith.constant 19 : i32
      %lt3A_215 = arith.cmpi slt, %scan3A_152, %lt3A : i32
      %convert_element_type3A_216 = arith.extui %lt3A_215 : i1 to i32
      %cond3A_217 = arith.constant 0 : i32
      %cond3A_218 = arith.cmpi ne, %convert_element_type3A_216, %cond3A_217 : i32
      scf.if %cond3A_218 {
        %add3A_219 = arith.constant 1 : i32
        %add3A_220 = arith.addi %scan3A_152, %add3A_219 : i32
        %mul3A_221 = arith.constant 2 : i32
        %mul3A_222 = arith.muli %add3A_220, %mul3A_221 : i32
        %add3A_223 = arith.constant 0 : i32
        %add3A_224 = arith.addi %mul3A_222, %add3A_223 : i32
        %dma_wait3A_225 = arith.constant 0 : i32
        %dma_wait3A_226 = arith.constant 0 : i32
        %dma_wait3A_227 = arith.constant 0 : i32
        %dma_wait3A_228 = arith.constant 0 : i32
        %dma_wait3A_229 = arith.constant 0 : i32
        %dma_wait3A_230 = tpu.memref_slice %arg9[%dma_wait3A_225, %dma_wait3A_228, %dma_wait3A_229] : memref<2x128x128xf32, #tpu.memory_space<vmem>> -> memref<1x128x128xf32, #tpu.memory_space<vmem>>
        %dma_wait3A_231 = tpu.memref_squeeze %dma_wait3A_230 : memref<1x128x128xf32, #tpu.memory_space<vmem>> -> memref<128x128xf32, #tpu.memory_space<vmem>>
        %dma_wait3A_232 = arith.constant 0 : i32
        %dma_wait3A_233 = tpu.memref_slice %arg8[%dma_wait3A_226, %dma_wait3A_232] : memref<40x128xi32, #tpu.memory_space<vmem>> -> memref<1x128xi32, #tpu.memory_space<vmem>>
        %dma_wait3A_234 = tpu.memref_squeeze %dma_wait3A_233 : memref<1x128xi32, #tpu.memory_space<vmem>> -> memref<128xi32, #tpu.memory_space<vmem>>
        %dma_wait3A_235 = arith.constant 0 : i32
        %dma_wait3A_236 = arith.constant 0 : i32
        %dma_wait3A_237 = tpu.memref_slice %arg10[%dma_wait3A_235, %dma_wait3A_236] : memref<10112x128xf32, #tpu.memory_space<vmem_shared>> -> memref<10112x128xf32, #tpu.memory_space<vmem_shared>>
        %dma_wait3A_238 = tpu.memref_slice %arg12[%dma_wait3A_227] : memref<2x!tpu.dma_semaphore, #tpu.memory_space<semaphore_mem>> -> memref<1x!tpu.dma_semaphore, #tpu.memory_space<semaphore_mem>>
        %dma_wait3A_239 = tpu.memref_squeeze %dma_wait3A_238 : memref<1x!tpu.dma_semaphore, #tpu.memory_space<semaphore_mem>> -> memref<!tpu.dma_semaphore, #tpu.memory_space<semaphore_mem>>
        tpu.wait_indirect_dma semaphore(%dma_wait3A_239 : memref<!tpu.dma_semaphore, #tpu.memory_space<semaphore_mem>>) src(%dma_wait3A_231 : memref<128x128xf32, #tpu.memory_space<vmem>>) dst(%dma_wait3A_237 : memref<10112x128xf32, #tpu.memory_space<vmem_shared>>)
        %mul3A_240 = arith.constant 128 : i32
        %mul3A_241 = arith.muli %add3A_224, %mul3A_240 : i32
        %dma_start3A_242 = arith.constant 0 : i32
        %dma_start3A_243 = arith.constant 0 : i32
        %dma_start3A_244 = arith.constant 0 : i32
        %dma_start3A_245 = arith.constant 0 : i32
        %dma_start3A_246 = tpu.memref_slice %arg9[%dma_start3A_242, %dma_start3A_244, %dma_start3A_245] : memref<2x128x128xf32, #tpu.memory_space<vmem>> -> memref<1x128x128xf32, #tpu.memory_space<vmem>>
        %dma_start3A_247 = tpu.memref_squeeze %dma_start3A_246 : memref<1x128x128xf32, #tpu.memory_space<vmem>> -> memref<128x128xf32, #tpu.memory_space<vmem>>
        %dma_start3A_248 = tpu.memref_slice %arg7[%mul3A_241] : memref<5120xi32, #tpu.memory_space<vmem>> -> memref<128xi32, #tpu.memory_space<vmem>>
        %dma_start3A_249 = arith.constant 0 : i32
        %dma_start3A_250 = arith.constant 0 : i32
        %dma_start3A_251 = tpu.memref_slice %arg2[%dma_start3A_249, %dma_start3A_250] : memref<10112x128xf32, #tpu.memory_space<hbm>> -> memref<10112x128xf32, #tpu.memory_space<hbm>>
        %dma_start3A_252 = tpu.memref_slice %arg11[%dma_start3A_243] : memref<2x!tpu.dma_semaphore, #tpu.memory_space<semaphore_mem>> -> memref<1x!tpu.dma_semaphore, #tpu.memory_space<semaphore_mem>>
        %dma_start3A_253 = tpu.memref_squeeze %dma_start3A_252 : memref<1x!tpu.dma_semaphore, #tpu.memory_space<semaphore_mem>> -> memref<!tpu.dma_semaphore, #tpu.memory_space<semaphore_mem>>
        tpu.enqueue_indirect_dma source(%dma_start3A_251 : memref<10112x128xf32, #tpu.memory_space<hbm>>) target(%dma_start3A_247 : memref<128x128xf32, #tpu.memory_space<vmem>>) offsets(%dma_start3A_248 : memref<128xi32, #tpu.memory_space<vmem>>) semaphore(%dma_start3A_253 : memref<!tpu.dma_semaphore, #tpu.memory_space<semaphore_mem>>)
        %add3A_254 = arith.constant 1 : i32
        %add3A_255 = arith.addi %scan3A_152, %add3A_254 : i32
        %mul3A_256 = arith.constant 2 : i32
        %mul3A_257 = arith.muli %add3A_255, %mul3A_256 : i32
        %add3A_258 = arith.constant 1 : i32
        %add3A_259 = arith.addi %mul3A_257, %add3A_258 : i32
        %dma_wait3A_260 = arith.constant 1 : i32
        %dma_wait3A_261 = arith.constant 0 : i32
        %dma_wait3A_262 = arith.constant 1 : i32
        %dma_wait3A_263 = arith.constant 0 : i32
        %dma_wait3A_264 = arith.constant 0 : i32
        %dma_wait3A_265 = tpu.memref_slice %arg9[%dma_wait3A_260, %dma_wait3A_263, %dma_wait3A_264] : memref<2x128x128xf32, #tpu.memory_space<vmem>> -> memref<1x128x128xf32, #tpu.memory_space<vmem>>
        %dma_wait3A_266 = tpu.memref_squeeze %dma_wait3A_265 : memref<1x128x128xf32, #tpu.memory_space<vmem>> -> memref<128x128xf32, #tpu.memory_space<vmem>>
        %dma_wait3A_267 = arith.constant 0 : i32
        %dma_wait3A_268 = tpu.memref_slice %arg8[%dma_wait3A_261, %dma_wait3A_267] : memref<40x128xi32, #tpu.memory_space<vmem>> -> memref<1x128xi32, #tpu.memory_space<vmem>>
        %dma_wait3A_269 = tpu.memref_squeeze %dma_wait3A_268 : memref<1x128xi32, #tpu.memory_space<vmem>> -> memref<128xi32, #tpu.memory_space<vmem>>
        %dma_wait3A_270 = arith.constant 0 : i32
        %dma_wait3A_271 = arith.constant 0 : i32
        %dma_wait3A_272 = tpu.memref_slice %arg10[%dma_wait3A_270, %dma_wait3A_271] : memref<10112x128xf32, #tpu.memory_space<vmem_shared>> -> memref<10112x128xf32, #tpu.memory_space<vmem_shared>>
        %dma_wait3A_273 = tpu.memref_slice %arg12[%dma_wait3A_262] : memref<2x!tpu.dma_semaphore, #tpu.memory_space<semaphore_mem>> -> memref<1x!tpu.dma_semaphore, #tpu.memory_space<semaphore_mem>>
        %dma_wait3A_274 = tpu.memref_squeeze %dma_wait3A_273 : memref<1x!tpu.dma_semaphore, #tpu.memory_space<semaphore_mem>> -> memref<!tpu.dma_semaphore, #tpu.memory_space<semaphore_mem>>
        tpu.wait_indirect_dma semaphore(%dma_wait3A_274 : memref<!tpu.dma_semaphore, #tpu.memory_space<semaphore_mem>>) src(%dma_wait3A_266 : memref<128x128xf32, #tpu.memory_space<vmem>>) dst(%dma_wait3A_272 : memref<10112x128xf32, #tpu.memory_space<vmem_shared>>)
        %mul3A_275 = arith.constant 128 : i32
        %mul3A_276 = arith.muli %add3A_259, %mul3A_275 : i32
        %dma_start3A_277 = arith.constant 1 : i32
        %dma_start3A_278 = arith.constant 1 : i32
        %dma_start3A_279 = arith.constant 0 : i32
        %dma_start3A_280 = arith.constant 0 : i32
        %dma_start3A_281 = tpu.memref_slice %arg9[%dma_start3A_277, %dma_start3A_279, %dma_start3A_280] : memref<2x128x128xf32, #tpu.memory_space<vmem>> -> memref<1x128x128xf32, #tpu.memory_space<vmem>>
        %dma_start3A_282 = tpu.memref_squeeze %dma_start3A_281 : memref<1x128x128xf32, #tpu.memory_space<vmem>> -> memref<128x128xf32, #tpu.memory_space<vmem>>
        %dma_start3A_283 = tpu.memref_slice %arg7[%mul3A_276] : memref<5120xi32, #tpu.memory_space<vmem>> -> memref<128xi32, #tpu.memory_space<vmem>>
        %dma_start3A_284 = arith.constant 0 : i32
        %dma_start3A_285 = arith.constant 0 : i32
        %dma_start3A_286 = tpu.memref_slice %arg2[%dma_start3A_284, %dma_start3A_285] : memref<10112x128xf32, #tpu.memory_space<hbm>> -> memref<10112x128xf32, #tpu.memory_space<hbm>>
        %dma_start3A_287 = tpu.memref_slice %arg11[%dma_start3A_278] : memref<2x!tpu.dma_semaphore, #tpu.memory_space<semaphore_mem>> -> memref<1x!tpu.dma_semaphore, #tpu.memory_space<semaphore_mem>>
        %dma_start3A_288 = tpu.memref_squeeze %dma_start3A_287 : memref<1x!tpu.dma_semaphore, #tpu.memory_space<semaphore_mem>> -> memref<!tpu.dma_semaphore, #tpu.memory_space<semaphore_mem>>
        tpu.enqueue_indirect_dma source(%dma_start3A_286 : memref<10112x128xf32, #tpu.memory_space<hbm>>) target(%dma_start3A_282 : memref<128x128xf32, #tpu.memory_space<vmem>>) offsets(%dma_start3A_283 : memref<128xi32, #tpu.memory_space<vmem>>) semaphore(%dma_start3A_288 : memref<!tpu.dma_semaphore, #tpu.memory_space<semaphore_mem>>)
      } else {
      }
    }
    %scan3A_120 = arith.constant 20 : i32
    %dma_wait3A_121 = arith.constant 0 : i32
    %dma_wait3A_122 = arith.constant 0 : i32
    %dma_wait3A_123 = arith.constant 0 : i32
    %dma_wait3A_124 = arith.constant 0 : i32
    %dma_wait3A_125 = arith.constant 0 : i32
    %dma_wait3A_126 = tpu.memref_slice %arg9[%dma_wait3A_121, %dma_wait3A_124, %dma_wait3A_125] : memref<2x128x128xf32, #tpu.memory_space<vmem>> -> memref<1x128x128xf32, #tpu.memory_space<vmem>>
    %dma_wait3A_127 = tpu.memref_squeeze %dma_wait3A_126 : memref<1x128x128xf32, #tpu.memory_space<vmem>> -> memref<128x128xf32, #tpu.memory_space<vmem>>
    %dma_wait3A_128 = arith.constant 0 : i32
    %dma_wait3A_129 = tpu.memref_slice %arg8[%dma_wait3A_122, %dma_wait3A_128] : memref<40x128xi32, #tpu.memory_space<vmem>> -> memref<1x128xi32, #tpu.memory_space<vmem>>
    %dma_wait3A_130 = tpu.memref_squeeze %dma_wait3A_129 : memref<1x128xi32, #tpu.memory_space<vmem>> -> memref<128xi32, #tpu.memory_space<vmem>>
    %dma_wait3A_131 = arith.constant 0 : i32
    %dma_wait3A_132 = arith.constant 0 : i32
    %dma_wait3A_133 = tpu.memref_slice %arg10[%dma_wait3A_131, %dma_wait3A_132] : memref<10112x128xf32, #tpu.memory_space<vmem_shared>> -> memref<10112x128xf32, #tpu.memory_space<vmem_shared>>
    %dma_wait3A_134 = tpu.memref_slice %arg12[%dma_wait3A_123] : memref<2x!tpu.dma_semaphore, #tpu.memory_space<semaphore_mem>> -> memref<1x!tpu.dma_semaphore, #tpu.memory_space<semaphore_mem>>
    %dma_wait3A_135 = tpu.memref_squeeze %dma_wait3A_134 : memref<1x!tpu.dma_semaphore, #tpu.memory_space<semaphore_mem>> -> memref<!tpu.dma_semaphore, #tpu.memory_space<semaphore_mem>>
    tpu.wait_indirect_dma semaphore(%dma_wait3A_135 : memref<!tpu.dma_semaphore, #tpu.memory_space<semaphore_mem>>) src(%dma_wait3A_127 : memref<128x128xf32, #tpu.memory_space<vmem>>) dst(%dma_wait3A_133 : memref<10112x128xf32, #tpu.memory_space<vmem_shared>>)
    %dma_wait3A_136 = arith.constant 1 : i32
    %dma_wait3A_137 = arith.constant 0 : i32
    %dma_wait3A_138 = arith.constant 1 : i32
    %dma_wait3A_139 = arith.constant 0 : i32
    %dma_wait3A_140 = arith.constant 0 : i32
    %dma_wait3A_141 = tpu.memref_slice %arg9[%dma_wait3A_136, %dma_wait3A_139, %dma_wait3A_140] : memref<2x128x128xf32, #tpu.memory_space<vmem>> -> memref<1x128x128xf32, #tpu.memory_space<vmem>>
    %dma_wait3A_142 = tpu.memref_squeeze %dma_wait3A_141 : memref<1x128x128xf32, #tpu.memory_space<vmem>> -> memref<128x128xf32, #tpu.memory_space<vmem>>
    %dma_wait3A_143 = arith.constant 0 : i32
    %dma_wait3A_144 = tpu.memref_slice %arg8[%dma_wait3A_137, %dma_wait3A_143] : memref<40x128xi32, #tpu.memory_space<vmem>> -> memref<1x128xi32, #tpu.memory_space<vmem>>
    %dma_wait3A_145 = tpu.memref_squeeze %dma_wait3A_144 : memref<1x128xi32, #tpu.memory_space<vmem>> -> memref<128xi32, #tpu.memory_space<vmem>>
    %dma_wait3A_146 = arith.constant 0 : i32
    %dma_wait3A_147 = arith.constant 0 : i32
    %dma_wait3A_148 = tpu.memref_slice %arg10[%dma_wait3A_146, %dma_wait3A_147] : memref<10112x128xf32, #tpu.memory_space<vmem_shared>> -> memref<10112x128xf32, #tpu.memory_space<vmem_shared>>
    %dma_wait3A_149 = tpu.memref_slice %arg12[%dma_wait3A_138] : memref<2x!tpu.dma_semaphore, #tpu.memory_space<semaphore_mem>> -> memref<1x!tpu.dma_semaphore, #tpu.memory_space<semaphore_mem>>
    %dma_wait3A_150 = tpu.memref_squeeze %dma_wait3A_149 : memref<1x!tpu.dma_semaphore, #tpu.memory_space<semaphore_mem>> -> memref<!tpu.dma_semaphore, #tpu.memory_space<semaphore_mem>>
    tpu.wait_indirect_dma semaphore(%dma_wait3A_150 : memref<!tpu.dma_semaphore, #tpu.memory_space<semaphore_mem>>) src(%dma_wait3A_142 : memref<128x128xf32, #tpu.memory_space<vmem>>) dst(%dma_wait3A_148 : memref<10112x128xf32, #tpu.memory_space<vmem_shared>>)
    %barrier3A_151 = arith.constant 0 : index
    tpu.barrier barrier_id(%barrier3A_151)
    "tpu.region"() ({
      %run_scoped3A = tpu.sem_alloc : memref<!tpu.dma_semaphore, #tpu.memory_space<semaphore_mem>>
      %dma_start3A_152 = arith.constant 0 : i32
      %dma_start3A_153 = tpu.memref_slice %arg6[%arg0, %multiple_of3A, %dma_start3A_152] : memref<2x10112x128xf32, #tpu.memory_space<hbm>> -> memref<1x632x128xf32, #tpu.memory_space<hbm>>
      %dma_start3A_154 = tpu.memref_squeeze %dma_start3A_153 : memref<1x632x128xf32, #tpu.memory_space<hbm>> -> memref<632x128xf32, #tpu.memory_space<hbm>>
      %dma_start3A_155 = arith.constant 0 : i32
      %dma_start3A_156 = tpu.memref_slice %arg10[%multiple_of3A, %dma_start3A_155] : memref<10112x128xf32, #tpu.memory_space<vmem_shared>> -> memref<632x128xf32, #tpu.memory_space<vmem_shared>>
      tpu.enqueue_dma source(%dma_start3A_156 : memref<632x128xf32, #tpu.memory_space<vmem_shared>>) target(%dma_start3A_154 : memref<632x128xf32, #tpu.memory_space<hbm>>) target_semaphore(%run_scoped3A : memref<!tpu.dma_semaphore, #tpu.memory_space<semaphore_mem>>)
      %dma_wait3A_157 = arith.constant 0 : i32
      %dma_wait3A_158 = tpu.memref_slice %arg6[%arg0, %multiple_of3A, %dma_wait3A_157] : memref<2x10112x128xf32, #tpu.memory_space<hbm>> -> memref<1x632x128xf32, #tpu.memory_space<hbm>>
      %dma_wait3A_159 = tpu.memref_squeeze %dma_wait3A_158 : memref<1x632x128xf32, #tpu.memory_space<hbm>> -> memref<632x128xf32, #tpu.memory_space<hbm>>
      %dma_wait3A_160 = arith.constant 0 : i32
      %dma_wait3A_161 = tpu.memref_slice %arg10[%multiple_of3A, %dma_wait3A_160] : memref<10112x128xf32, #tpu.memory_space<vmem_shared>> -> memref<632x128xf32, #tpu.memory_space<vmem_shared>>
      tpu.wait_dma2 semaphore(%run_scoped3A : memref<!tpu.dma_semaphore, #tpu.memory_space<semaphore_mem>>) src(%dma_wait3A_161 : memref<632x128xf32, #tpu.memory_space<vmem_shared>>) dst(%dma_wait3A_159 : memref<632x128xf32, #tpu.memory_space<hbm>>)
      tpu.yield
    }) : () -> ()
    return
  }
}

#map = affine_map<(d0, d1) -> (0, 0)>
#map1 = affine_map<(d0, d1) -> (0)>
#map2 = affine_map<(d0, d1) -> (0, 0, 0)>
module attributes {stable_mosaic.version = 14 : i64} {
  func.func @_sc_propagate(%arg0: i32, %arg1: i32, %arg2: memref<10112x128xf32, #tpu.memory_space<hbm>>, %arg3: memref<327680xi32, #tpu.memory_space<hbm>>, %arg4: memref<2560x128xi32, #tpu.memory_space<hbm>>, %arg5: memref<10112x128xf32, #tpu.memory_space<hbm>>, %arg6: memref<2x10112x128xf32, #tpu.memory_space<hbm>>, %arg7: memref<5120xi32, #tpu.memory_space<vmem>>, %arg8: memref<40x128xi32, #tpu.memory_space<vmem>>, %arg9: memref<2x128x128xf32, #tpu.memory_space<vmem>>, %arg10: memref<10112x128xf32, #tpu.memory_space<vmem_shared>>, %arg11: memref<2x!tpu.dma_semaphore, #tpu.memory_space<semaphore_mem>>, %arg12: memref<2x!tpu.dma_semaphore, #tpu.memory_space<semaphore_mem>>) attributes {dimension_semantics = [#tpu.dimension_semantics<core_parallel>, #tpu.dimension_semantics<subcore_parallel>], iteration_bounds = array<i64: 2, 16>, scalar_prefetch = 0 : i64, scratch_operands = 6 : i64, tpu.core_type = #tpu.core_type<sc_vector_subcore>, window_params = [{transform_indices = #map}, {transform_indices = #map1}, {transform_indices = #map}, {transform_indices = #map}, {transform_indices = #map2}]} {
    %mul3A = arith.constant 2 : i32
    %mul3A_0 = arith.muli %arg1, %mul3A : i32
    %add3A = arith.addi %mul3A_0, %arg0 : i32
    %mul3A_1 = arith.constant 632 : i32
    %mul3A_2 = arith.muli %arg1, %mul3A_1 : i32
    %multiple_of3A = tpu.assume_multiple %mul3A_2, 8 : i32
    %eq3A = arith.constant 0 : i32
    %eq3A_3 = arith.cmpi eq, %arg0, %eq3A : i32
    %convert_element_type3A = arith.extui %eq3A_3 : i1 to i32
    %cond3A = arith.constant 0 : i32
    %cond3A_4 = arith.cmpi ne, %convert_element_type3A, %cond3A : i32
    scf.if %cond3A_4 {
      "tpu.region"() ({
        %run_scoped3A = tpu.sem_alloc : memref<!tpu.dma_semaphore, #tpu.memory_space<semaphore_mem>>
        %dma_start3A_152 = arith.constant 0 : i32
        %dma_start3A_153 = tpu.memref_slice %arg10[%multiple_of3A, %dma_start3A_152] : memref<10112x128xf32, #tpu.memory_space<vmem_shared>> -> memref<632x128xf32, #tpu.memory_space<vmem_shared>>
        %dma_start3A_154 = arith.constant 0 : i32
        %dma_start3A_155 = tpu.memref_slice %arg2[%multiple_of3A, %dma_start3A_154] : memref<10112x128xf32, #tpu.memory_space<hbm>> -> memref<632x128xf32, #tpu.memory_space<hbm>>
        tpu.enqueue_dma source(%dma_start3A_155 : memref<632x128xf32, #tpu.memory_space<hbm>>) target(%dma_start3A_153 : memref<632x128xf32, #tpu.memory_space<vmem_shared>>) target_semaphore(%run_scoped3A : memref<!tpu.dma_semaphore, #tpu.memory_space<semaphore_mem>>)
        %dma_wait3A_156 = arith.constant 0 : i32
        %dma_wait3A_157 = tpu.memref_slice %arg10[%multiple_of3A, %dma_wait3A_156] : memref<10112x128xf32, #tpu.memory_space<vmem_shared>> -> memref<632x128xf32, #tpu.memory_space<vmem_shared>>
        %dma_wait3A_158 = arith.constant 0 : i32
        %dma_wait3A_159 = tpu.memref_slice %arg2[%multiple_of3A, %dma_wait3A_158] : memref<10112x128xf32, #tpu.memory_space<hbm>> -> memref<632x128xf32, #tpu.memory_space<hbm>>
        tpu.wait_dma2 semaphore(%run_scoped3A : memref<!tpu.dma_semaphore, #tpu.memory_space<semaphore_mem>>) src(%dma_wait3A_159 : memref<632x128xf32, #tpu.memory_space<hbm>>) dst(%dma_wait3A_157 : memref<632x128xf32, #tpu.memory_space<vmem_shared>>)
        tpu.yield
      }) : () -> ()
    } else {
    }
    %eq3A_5 = arith.constant 1 : i32
    %eq3A_6 = arith.cmpi eq, %arg0, %eq3A_5 : i32
    %convert_element_type3A_7 = arith.extui %eq3A_6 : i1 to i32
    %cond3A_8 = arith.constant 0 : i32
    %cond3A_9 = arith.cmpi ne, %convert_element_type3A_7, %cond3A_8 : i32
    scf.if %cond3A_9 {
      "tpu.region"() ({
        %run_scoped3A = tpu.sem_alloc : memref<!tpu.dma_semaphore, #tpu.memory_space<semaphore_mem>>
        %dma_start3A_152 = arith.constant 0 : i32
        %dma_start3A_153 = tpu.memref_slice %arg10[%multiple_of3A, %dma_start3A_152] : memref<10112x128xf32, #tpu.memory_space<vmem_shared>> -> memref<632x128xf32, #tpu.memory_space<vmem_shared>>
        %dma_start3A_154 = arith.constant 0 : i32
        %dma_start3A_155 = tpu.memref_slice %arg5[%multiple_of3A, %dma_start3A_154] : memref<10112x128xf32, #tpu.memory_space<hbm>> -> memref<632x128xf32, #tpu.memory_space<hbm>>
        tpu.enqueue_dma source(%dma_start3A_155 : memref<632x128xf32, #tpu.memory_space<hbm>>) target(%dma_start3A_153 : memref<632x128xf32, #tpu.memory_space<vmem_shared>>) target_semaphore(%run_scoped3A : memref<!tpu.dma_semaphore, #tpu.memory_space<semaphore_mem>>)
        %dma_wait3A_156 = arith.constant 0 : i32
        %dma_wait3A_157 = tpu.memref_slice %arg10[%multiple_of3A, %dma_wait3A_156] : memref<10112x128xf32, #tpu.memory_space<vmem_shared>> -> memref<632x128xf32, #tpu.memory_space<vmem_shared>>
        %dma_wait3A_158 = arith.constant 0 : i32
        %dma_wait3A_159 = tpu.memref_slice %arg5[%multiple_of3A, %dma_wait3A_158] : memref<10112x128xf32, #tpu.memory_space<hbm>> -> memref<632x128xf32, #tpu.memory_space<hbm>>
        tpu.wait_dma2 semaphore(%run_scoped3A : memref<!tpu.dma_semaphore, #tpu.memory_space<semaphore_mem>>) src(%dma_wait3A_159 : memref<632x128xf32, #tpu.memory_space<hbm>>) dst(%dma_wait3A_157 : memref<632x128xf32, #tpu.memory_space<vmem_shared>>)
        tpu.yield
      }) : () -> ()
    } else {
    }
    %barrier3A = arith.constant 0 : index
    tpu.barrier barrier_id(%barrier3A)
    %mul3A_10 = arith.constant 10240 : i32
    %mul3A_11 = arith.muli %add3A, %mul3A_10 : i32
    %add3A_12 = arith.constant 0 : i32
    %add3A_13 = arith.addi %mul3A_11, %add3A_12 : i32
    %multiple_of3A_14 = tpu.assume_multiple %add3A_13, 8 : i32
    "tpu.region"() ({
      %run_scoped3A = tpu.sem_alloc : memref<!tpu.dma_semaphore, #tpu.memory_space<semaphore_mem>>
      %dma_start3A_152 = tpu.memref_slice %arg3[%multiple_of3A_14] : memref<327680xi32, #tpu.memory_space<hbm>> -> memref<5120xi32, #tpu.memory_space<hbm>>
      %dma_start3A_153 = tpu.memref_slice %arg3[%multiple_of3A_14] : memref<327680xi32, #tpu.memory_space<hbm>> -> memref<5120xi32, #tpu.memory_space<hbm>>
      tpu.enqueue_dma source(%dma_start3A_153 : memref<5120xi32, #tpu.memory_space<hbm>>) target(%arg7 : memref<5120xi32, #tpu.memory_space<vmem>>) target_semaphore(%run_scoped3A : memref<!tpu.dma_semaphore, #tpu.memory_space<semaphore_mem>>)
      %dma_wait3A_154 = tpu.memref_slice %arg3[%multiple_of3A_14] : memref<327680xi32, #tpu.memory_space<hbm>> -> memref<5120xi32, #tpu.memory_space<hbm>>
      %dma_wait3A_155 = tpu.memref_slice %arg3[%multiple_of3A_14] : memref<327680xi32, #tpu.memory_space<hbm>> -> memref<5120xi32, #tpu.memory_space<hbm>>
      tpu.wait_dma2 semaphore(%run_scoped3A : memref<!tpu.dma_semaphore, #tpu.memory_space<semaphore_mem>>) src(%dma_wait3A_155 : memref<5120xi32, #tpu.memory_space<hbm>>) dst(%arg7 : memref<5120xi32, #tpu.memory_space<vmem>>)
      tpu.yield
    }) : () -> ()
    %mul3A_15 = arith.constant 80 : i32
    %mul3A_16 = arith.muli %add3A, %mul3A_15 : i32
    %add3A_17 = arith.constant 0 : i32
    %add3A_18 = arith.addi %mul3A_16, %add3A_17 : i32
    %multiple_of3A_19 = tpu.assume_multiple %add3A_18, 8 : i32
    "tpu.region"() ({
      %run_scoped3A = tpu.sem_alloc : memref<!tpu.dma_semaphore, #tpu.memory_space<semaphore_mem>>
      %dma_start3A_152 = arith.constant 0 : i32
      %dma_start3A_153 = tpu.memref_slice %arg4[%multiple_of3A_19, %dma_start3A_152] : memref<2560x128xi32, #tpu.memory_space<hbm>> -> memref<40x128xi32, #tpu.memory_space<hbm>>
      %dma_start3A_154 = arith.constant 0 : i32
      %dma_start3A_155 = tpu.memref_slice %arg4[%multiple_of3A_19, %dma_start3A_154] : memref<2560x128xi32, #tpu.memory_space<hbm>> -> memref<40x128xi32, #tpu.memory_space<hbm>>
      tpu.enqueue_dma source(%dma_start3A_155 : memref<40x128xi32, #tpu.memory_space<hbm>>) target(%arg8 : memref<40x128xi32, #tpu.memory_space<vmem>>) target_semaphore(%run_scoped3A : memref<!tpu.dma_semaphore, #tpu.memory_space<semaphore_mem>>)
      %dma_wait3A_156 = arith.constant 0 : i32
      %dma_wait3A_157 = tpu.memref_slice %arg4[%multiple_of3A_19, %dma_wait3A_156] : memref<2560x128xi32, #tpu.memory_space<hbm>> -> memref<40x128xi32, #tpu.memory_space<hbm>>
      %dma_wait3A_158 = arith.constant 0 : i32
      %dma_wait3A_159 = tpu.memref_slice %arg4[%multiple_of3A_19, %dma_wait3A_158] : memref<2560x128xi32, #tpu.memory_space<hbm>> -> memref<40x128xi32, #tpu.memory_space<hbm>>
      tpu.wait_dma2 semaphore(%run_scoped3A : memref<!tpu.dma_semaphore, #tpu.memory_space<semaphore_mem>>) src(%dma_wait3A_159 : memref<40x128xi32, #tpu.memory_space<hbm>>) dst(%arg8 : memref<40x128xi32, #tpu.memory_space<vmem>>)
      tpu.yield
    }) : () -> ()
    %dma_start3A = arith.constant 0 : i32
    %dma_start3A_20 = arith.constant 0 : i32
    %dma_start3A_21 = arith.constant 0 : i32
    %dma_start3A_22 = arith.constant 0 : i32
    %dma_start3A_23 = tpu.memref_slice %arg9[%dma_start3A, %dma_start3A_21, %dma_start3A_22] : memref<2x128x128xf32, #tpu.memory_space<vmem>> -> memref<1x128x128xf32, #tpu.memory_space<vmem>>
    %dma_start3A_24 = tpu.memref_squeeze %dma_start3A_23 : memref<1x128x128xf32, #tpu.memory_space<vmem>> -> memref<128x128xf32, #tpu.memory_space<vmem>>
    %dma_start3A_25 = arith.constant 0 : i32
    %dma_start3A_26 = tpu.memref_slice %arg7[%dma_start3A_25] : memref<5120xi32, #tpu.memory_space<vmem>> -> memref<128xi32, #tpu.memory_space<vmem>>
    %dma_start3A_27 = arith.constant 0 : i32
    %dma_start3A_28 = arith.constant 0 : i32
    %dma_start3A_29 = tpu.memref_slice %arg2[%dma_start3A_27, %dma_start3A_28] : memref<10112x128xf32, #tpu.memory_space<hbm>> -> memref<10112x128xf32, #tpu.memory_space<hbm>>
    %dma_start3A_30 = tpu.memref_slice %arg11[%dma_start3A_20] : memref<2x!tpu.dma_semaphore, #tpu.memory_space<semaphore_mem>> -> memref<1x!tpu.dma_semaphore, #tpu.memory_space<semaphore_mem>>
    %dma_start3A_31 = tpu.memref_squeeze %dma_start3A_30 : memref<1x!tpu.dma_semaphore, #tpu.memory_space<semaphore_mem>> -> memref<!tpu.dma_semaphore, #tpu.memory_space<semaphore_mem>>
    tpu.enqueue_indirect_dma source(%dma_start3A_29 : memref<10112x128xf32, #tpu.memory_space<hbm>>) target(%dma_start3A_24 : memref<128x128xf32, #tpu.memory_space<vmem>>) offsets(%dma_start3A_26 : memref<128xi32, #tpu.memory_space<vmem>>) semaphore(%dma_start3A_31 : memref<!tpu.dma_semaphore, #tpu.memory_space<semaphore_mem>>)
    %dma_start3A_32 = arith.constant 1 : i32
    %dma_start3A_33 = arith.constant 1 : i32
    %dma_start3A_34 = arith.constant 0 : i32
    %dma_start3A_35 = arith.constant 0 : i32
    %dma_start3A_36 = tpu.memref_slice %arg9[%dma_start3A_32, %dma_start3A_34, %dma_start3A_35] : memref<2x128x128xf32, #tpu.memory_space<vmem>> -> memref<1x128x128xf32, #tpu.memory_space<vmem>>
    %dma_start3A_37 = tpu.memref_squeeze %dma_start3A_36 : memref<1x128x128xf32, #tpu.memory_space<vmem>> -> memref<128x128xf32, #tpu.memory_space<vmem>>
    %dma_start3A_38 = arith.constant 128 : i32
    %dma_start3A_39 = tpu.memref_slice %arg7[%dma_start3A_38] : memref<5120xi32, #tpu.memory_space<vmem>> -> memref<128xi32, #tpu.memory_space<vmem>>
    %dma_start3A_40 = arith.constant 0 : i32
    %dma_start3A_41 = arith.constant 0 : i32
    %dma_start3A_42 = tpu.memref_slice %arg2[%dma_start3A_40, %dma_start3A_41] : memref<10112x128xf32, #tpu.memory_space<hbm>> -> memref<10112x128xf32, #tpu.memory_space<hbm>>
    %dma_start3A_43 = tpu.memref_slice %arg11[%dma_start3A_33] : memref<2x!tpu.dma_semaphore, #tpu.memory_space<semaphore_mem>> -> memref<1x!tpu.dma_semaphore, #tpu.memory_space<semaphore_mem>>
    %dma_start3A_44 = tpu.memref_squeeze %dma_start3A_43 : memref<1x!tpu.dma_semaphore, #tpu.memory_space<semaphore_mem>> -> memref<!tpu.dma_semaphore, #tpu.memory_space<semaphore_mem>>
    tpu.enqueue_indirect_dma source(%dma_start3A_42 : memref<10112x128xf32, #tpu.memory_space<hbm>>) target(%dma_start3A_37 : memref<128x128xf32, #tpu.memory_space<vmem>>) offsets(%dma_start3A_39 : memref<128xi32, #tpu.memory_space<vmem>>) semaphore(%dma_start3A_44 : memref<!tpu.dma_semaphore, #tpu.memory_space<semaphore_mem>>)
    %scan3A = arith.constant 0 : i32
    %scan3A_45 = arith.constant 0 : i32
    %scan3A_46 = arith.constant 20 : i32
    %scan3A_47 = arith.addi %scan3A_45, %scan3A_46 : i32
    %scan3A_48 = arith.constant 1 : i32
    scf.for %scan3A_152 = %scan3A_45 to %scan3A_47 step %scan3A_48  : i32 {
      %mul3A_153 = arith.constant 2 : i32
      %mul3A_154 = arith.muli %scan3A_152, %mul3A_153 : i32
      %add3A_155 = arith.constant 0 : i32
      %add3A_156 = arith.addi %mul3A_154, %add3A_155 : i32
      %dma_wait3A_157 = arith.constant 0 : i32
      %dma_wait3A_158 = arith.constant 0 : i32
      %dma_wait3A_159 = arith.constant 0 : i32
      %dma_wait3A_160 = arith.constant 0 : i32
      %dma_wait3A_161 = tpu.memref_slice %arg9[%dma_wait3A_157, %dma_wait3A_159, %dma_wait3A_160] : memref<2x128x128xf32, #tpu.memory_space<vmem>> -> memref<1x128x128xf32, #tpu.memory_space<vmem>>
      %dma_wait3A_162 = tpu.memref_squeeze %dma_wait3A_161 : memref<1x128x128xf32, #tpu.memory_space<vmem>> -> memref<128x128xf32, #tpu.memory_space<vmem>>
      %dma_wait3A_163 = arith.constant 0 : i32
      %dma_wait3A_164 = tpu.memref_slice %arg7[%dma_wait3A_163] : memref<5120xi32, #tpu.memory_space<vmem>> -> memref<128xi32, #tpu.memory_space<vmem>>
      %dma_wait3A_165 = arith.constant 0 : i32
      %dma_wait3A_166 = arith.constant 0 : i32
      %dma_wait3A_167 = tpu.memref_slice %arg2[%dma_wait3A_165, %dma_wait3A_166] : memref<10112x128xf32, #tpu.memory_space<hbm>> -> memref<10112x128xf32, #tpu.memory_space<hbm>>
      %dma_wait3A_168 = tpu.memref_slice %arg11[%dma_wait3A_158] : memref<2x!tpu.dma_semaphore, #tpu.memory_space<semaphore_mem>> -> memref<1x!tpu.dma_semaphore, #tpu.memory_space<semaphore_mem>>
      %dma_wait3A_169 = tpu.memref_squeeze %dma_wait3A_168 : memref<1x!tpu.dma_semaphore, #tpu.memory_space<semaphore_mem>> -> memref<!tpu.dma_semaphore, #tpu.memory_space<semaphore_mem>>
      tpu.wait_indirect_dma semaphore(%dma_wait3A_169 : memref<!tpu.dma_semaphore, #tpu.memory_space<semaphore_mem>>) src(%dma_wait3A_167 : memref<10112x128xf32, #tpu.memory_space<hbm>>) dst(%dma_wait3A_162 : memref<128x128xf32, #tpu.memory_space<vmem>>)
      %dma_start3A_170 = arith.constant 0 : i32
      %dma_start3A_171 = arith.constant 0 : i32
      %dma_start3A_172 = arith.constant 0 : i32
      %dma_start3A_173 = arith.constant 0 : i32
      %dma_start3A_174 = tpu.memref_slice %arg9[%dma_start3A_170, %dma_start3A_172, %dma_start3A_173] : memref<2x128x128xf32, #tpu.memory_space<vmem>> -> memref<1x128x128xf32, #tpu.memory_space<vmem>>
      %dma_start3A_175 = tpu.memref_squeeze %dma_start3A_174 : memref<1x128x128xf32, #tpu.memory_space<vmem>> -> memref<128x128xf32, #tpu.memory_space<vmem>>
      %dma_start3A_176 = arith.constant 0 : i32
      %dma_start3A_177 = tpu.memref_slice %arg8[%add3A_156, %dma_start3A_176] : memref<40x128xi32, #tpu.memory_space<vmem>> -> memref<1x128xi32, #tpu.memory_space<vmem>>
      %dma_start3A_178 = tpu.memref_squeeze %dma_start3A_177 : memref<1x128xi32, #tpu.memory_space<vmem>> -> memref<128xi32, #tpu.memory_space<vmem>>
      %dma_start3A_179 = arith.constant 0 : i32
      %dma_start3A_180 = arith.constant 0 : i32
      %dma_start3A_181 = tpu.memref_slice %arg10[%dma_start3A_179, %dma_start3A_180] : memref<10112x128xf32, #tpu.memory_space<vmem_shared>> -> memref<10112x128xf32, #tpu.memory_space<vmem_shared>>
      %dma_start3A_182 = tpu.memref_slice %arg12[%dma_start3A_171] : memref<2x!tpu.dma_semaphore, #tpu.memory_space<semaphore_mem>> -> memref<1x!tpu.dma_semaphore, #tpu.memory_space<semaphore_mem>>
      %dma_start3A_183 = tpu.memref_squeeze %dma_start3A_182 : memref<1x!tpu.dma_semaphore, #tpu.memory_space<semaphore_mem>> -> memref<!tpu.dma_semaphore, #tpu.memory_space<semaphore_mem>>
      tpu.enqueue_indirect_dma source(%dma_start3A_175 : memref<128x128xf32, #tpu.memory_space<vmem>>) target(%dma_start3A_181 : memref<10112x128xf32, #tpu.memory_space<vmem_shared>>) offsets(%dma_start3A_178 : memref<128xi32, #tpu.memory_space<vmem>>) semaphore(%dma_start3A_183 : memref<!tpu.dma_semaphore, #tpu.memory_space<semaphore_mem>>) {add = true}
      %mul3A_184 = arith.constant 2 : i32
      %mul3A_185 = arith.muli %scan3A_152, %mul3A_184 : i32
      %add3A_186 = arith.constant 1 : i32
      %add3A_187 = arith.addi %mul3A_185, %add3A_186 : i32
      %dma_wait3A_188 = arith.constant 1 : i32
      %dma_wait3A_189 = arith.constant 1 : i32
      %dma_wait3A_190 = arith.constant 0 : i32
      %dma_wait3A_191 = arith.constant 0 : i32
      %dma_wait3A_192 = tpu.memref_slice %arg9[%dma_wait3A_188, %dma_wait3A_190, %dma_wait3A_191] : memref<2x128x128xf32, #tpu.memory_space<vmem>> -> memref<1x128x128xf32, #tpu.memory_space<vmem>>
      %dma_wait3A_193 = tpu.memref_squeeze %dma_wait3A_192 : memref<1x128x128xf32, #tpu.memory_space<vmem>> -> memref<128x128xf32, #tpu.memory_space<vmem>>
      %dma_wait3A_194 = arith.constant 0 : i32
      %dma_wait3A_195 = tpu.memref_slice %arg7[%dma_wait3A_194] : memref<5120xi32, #tpu.memory_space<vmem>> -> memref<128xi32, #tpu.memory_space<vmem>>
      %dma_wait3A_196 = arith.constant 0 : i32
      %dma_wait3A_197 = arith.constant 0 : i32
      %dma_wait3A_198 = tpu.memref_slice %arg2[%dma_wait3A_196, %dma_wait3A_197] : memref<10112x128xf32, #tpu.memory_space<hbm>> -> memref<10112x128xf32, #tpu.memory_space<hbm>>
      %dma_wait3A_199 = tpu.memref_slice %arg11[%dma_wait3A_189] : memref<2x!tpu.dma_semaphore, #tpu.memory_space<semaphore_mem>> -> memref<1x!tpu.dma_semaphore, #tpu.memory_space<semaphore_mem>>
      %dma_wait3A_200 = tpu.memref_squeeze %dma_wait3A_199 : memref<1x!tpu.dma_semaphore, #tpu.memory_space<semaphore_mem>> -> memref<!tpu.dma_semaphore, #tpu.memory_space<semaphore_mem>>
      tpu.wait_indirect_dma semaphore(%dma_wait3A_200 : memref<!tpu.dma_semaphore, #tpu.memory_space<semaphore_mem>>) src(%dma_wait3A_198 : memref<10112x128xf32, #tpu.memory_space<hbm>>) dst(%dma_wait3A_193 : memref<128x128xf32, #tpu.memory_space<vmem>>)
      %dma_start3A_201 = arith.constant 1 : i32
      %dma_start3A_202 = arith.constant 1 : i32
      %dma_start3A_203 = arith.constant 0 : i32
      %dma_start3A_204 = arith.constant 0 : i32
      %dma_start3A_205 = tpu.memref_slice %arg9[%dma_start3A_201, %dma_start3A_203, %dma_start3A_204] : memref<2x128x128xf32, #tpu.memory_space<vmem>> -> memref<1x128x128xf32, #tpu.memory_space<vmem>>
      %dma_start3A_206 = tpu.memref_squeeze %dma_start3A_205 : memref<1x128x128xf32, #tpu.memory_space<vmem>> -> memref<128x128xf32, #tpu.memory_space<vmem>>
      %dma_start3A_207 = arith.constant 0 : i32
      %dma_start3A_208 = tpu.memref_slice %arg8[%add3A_187, %dma_start3A_207] : memref<40x128xi32, #tpu.memory_space<vmem>> -> memref<1x128xi32, #tpu.memory_space<vmem>>
      %dma_start3A_209 = tpu.memref_squeeze %dma_start3A_208 : memref<1x128xi32, #tpu.memory_space<vmem>> -> memref<128xi32, #tpu.memory_space<vmem>>
      %dma_start3A_210 = arith.constant 0 : i32
      %dma_start3A_211 = arith.constant 0 : i32
      %dma_start3A_212 = tpu.memref_slice %arg10[%dma_start3A_210, %dma_start3A_211] : memref<10112x128xf32, #tpu.memory_space<vmem_shared>> -> memref<10112x128xf32, #tpu.memory_space<vmem_shared>>
      %dma_start3A_213 = tpu.memref_slice %arg12[%dma_start3A_202] : memref<2x!tpu.dma_semaphore, #tpu.memory_space<semaphore_mem>> -> memref<1x!tpu.dma_semaphore, #tpu.memory_space<semaphore_mem>>
      %dma_start3A_214 = tpu.memref_squeeze %dma_start3A_213 : memref<1x!tpu.dma_semaphore, #tpu.memory_space<semaphore_mem>> -> memref<!tpu.dma_semaphore, #tpu.memory_space<semaphore_mem>>
      tpu.enqueue_indirect_dma source(%dma_start3A_206 : memref<128x128xf32, #tpu.memory_space<vmem>>) target(%dma_start3A_212 : memref<10112x128xf32, #tpu.memory_space<vmem_shared>>) offsets(%dma_start3A_209 : memref<128xi32, #tpu.memory_space<vmem>>) semaphore(%dma_start3A_214 : memref<!tpu.dma_semaphore, #tpu.memory_space<semaphore_mem>>) {add = true}
      %lt3A = arith.constant 19 : i32
      %lt3A_215 = arith.cmpi slt, %scan3A_152, %lt3A : i32
      %convert_element_type3A_216 = arith.extui %lt3A_215 : i1 to i32
      %cond3A_217 = arith.constant 0 : i32
      %cond3A_218 = arith.cmpi ne, %convert_element_type3A_216, %cond3A_217 : i32
      scf.if %cond3A_218 {
        %add3A_219 = arith.constant 1 : i32
        %add3A_220 = arith.addi %scan3A_152, %add3A_219 : i32
        %mul3A_221 = arith.constant 2 : i32
        %mul3A_222 = arith.muli %add3A_220, %mul3A_221 : i32
        %add3A_223 = arith.constant 0 : i32
        %add3A_224 = arith.addi %mul3A_222, %add3A_223 : i32
        %dma_wait3A_225 = arith.constant 0 : i32
        %dma_wait3A_226 = arith.constant 0 : i32
        %dma_wait3A_227 = arith.constant 0 : i32
        %dma_wait3A_228 = arith.constant 0 : i32
        %dma_wait3A_229 = arith.constant 0 : i32
        %dma_wait3A_230 = tpu.memref_slice %arg9[%dma_wait3A_225, %dma_wait3A_228, %dma_wait3A_229] : memref<2x128x128xf32, #tpu.memory_space<vmem>> -> memref<1x128x128xf32, #tpu.memory_space<vmem>>
        %dma_wait3A_231 = tpu.memref_squeeze %dma_wait3A_230 : memref<1x128x128xf32, #tpu.memory_space<vmem>> -> memref<128x128xf32, #tpu.memory_space<vmem>>
        %dma_wait3A_232 = arith.constant 0 : i32
        %dma_wait3A_233 = tpu.memref_slice %arg8[%dma_wait3A_226, %dma_wait3A_232] : memref<40x128xi32, #tpu.memory_space<vmem>> -> memref<1x128xi32, #tpu.memory_space<vmem>>
        %dma_wait3A_234 = tpu.memref_squeeze %dma_wait3A_233 : memref<1x128xi32, #tpu.memory_space<vmem>> -> memref<128xi32, #tpu.memory_space<vmem>>
        %dma_wait3A_235 = arith.constant 0 : i32
        %dma_wait3A_236 = arith.constant 0 : i32
        %dma_wait3A_237 = tpu.memref_slice %arg10[%dma_wait3A_235, %dma_wait3A_236] : memref<10112x128xf32, #tpu.memory_space<vmem_shared>> -> memref<10112x128xf32, #tpu.memory_space<vmem_shared>>
        %dma_wait3A_238 = tpu.memref_slice %arg12[%dma_wait3A_227] : memref<2x!tpu.dma_semaphore, #tpu.memory_space<semaphore_mem>> -> memref<1x!tpu.dma_semaphore, #tpu.memory_space<semaphore_mem>>
        %dma_wait3A_239 = tpu.memref_squeeze %dma_wait3A_238 : memref<1x!tpu.dma_semaphore, #tpu.memory_space<semaphore_mem>> -> memref<!tpu.dma_semaphore, #tpu.memory_space<semaphore_mem>>
        tpu.wait_indirect_dma semaphore(%dma_wait3A_239 : memref<!tpu.dma_semaphore, #tpu.memory_space<semaphore_mem>>) src(%dma_wait3A_231 : memref<128x128xf32, #tpu.memory_space<vmem>>) dst(%dma_wait3A_237 : memref<10112x128xf32, #tpu.memory_space<vmem_shared>>)
        %mul3A_240 = arith.constant 128 : i32
        %mul3A_241 = arith.muli %add3A_224, %mul3A_240 : i32
        %dma_start3A_242 = arith.constant 0 : i32
        %dma_start3A_243 = arith.constant 0 : i32
        %dma_start3A_244 = arith.constant 0 : i32
        %dma_start3A_245 = arith.constant 0 : i32
        %dma_start3A_246 = tpu.memref_slice %arg9[%dma_start3A_242, %dma_start3A_244, %dma_start3A_245] : memref<2x128x128xf32, #tpu.memory_space<vmem>> -> memref<1x128x128xf32, #tpu.memory_space<vmem>>
        %dma_start3A_247 = tpu.memref_squeeze %dma_start3A_246 : memref<1x128x128xf32, #tpu.memory_space<vmem>> -> memref<128x128xf32, #tpu.memory_space<vmem>>
        %dma_start3A_248 = tpu.memref_slice %arg7[%mul3A_241] : memref<5120xi32, #tpu.memory_space<vmem>> -> memref<128xi32, #tpu.memory_space<vmem>>
        %dma_start3A_249 = arith.constant 0 : i32
        %dma_start3A_250 = arith.constant 0 : i32
        %dma_start3A_251 = tpu.memref_slice %arg2[%dma_start3A_249, %dma_start3A_250] : memref<10112x128xf32, #tpu.memory_space<hbm>> -> memref<10112x128xf32, #tpu.memory_space<hbm>>
        %dma_start3A_252 = tpu.memref_slice %arg11[%dma_start3A_243] : memref<2x!tpu.dma_semaphore, #tpu.memory_space<semaphore_mem>> -> memref<1x!tpu.dma_semaphore, #tpu.memory_space<semaphore_mem>>
        %dma_start3A_253 = tpu.memref_squeeze %dma_start3A_252 : memref<1x!tpu.dma_semaphore, #tpu.memory_space<semaphore_mem>> -> memref<!tpu.dma_semaphore, #tpu.memory_space<semaphore_mem>>
        tpu.enqueue_indirect_dma source(%dma_start3A_251 : memref<10112x128xf32, #tpu.memory_space<hbm>>) target(%dma_start3A_247 : memref<128x128xf32, #tpu.memory_space<vmem>>) offsets(%dma_start3A_248 : memref<128xi32, #tpu.memory_space<vmem>>) semaphore(%dma_start3A_253 : memref<!tpu.dma_semaphore, #tpu.memory_space<semaphore_mem>>)
        %add3A_254 = arith.constant 1 : i32
        %add3A_255 = arith.addi %scan3A_152, %add3A_254 : i32
        %mul3A_256 = arith.constant 2 : i32
        %mul3A_257 = arith.muli %add3A_255, %mul3A_256 : i32
        %add3A_258 = arith.constant 1 : i32
        %add3A_259 = arith.addi %mul3A_257, %add3A_258 : i32
        %dma_wait3A_260 = arith.constant 1 : i32
        %dma_wait3A_261 = arith.constant 0 : i32
        %dma_wait3A_262 = arith.constant 1 : i32
        %dma_wait3A_263 = arith.constant 0 : i32
        %dma_wait3A_264 = arith.constant 0 : i32
        %dma_wait3A_265 = tpu.memref_slice %arg9[%dma_wait3A_260, %dma_wait3A_263, %dma_wait3A_264] : memref<2x128x128xf32, #tpu.memory_space<vmem>> -> memref<1x128x128xf32, #tpu.memory_space<vmem>>
        %dma_wait3A_266 = tpu.memref_squeeze %dma_wait3A_265 : memref<1x128x128xf32, #tpu.memory_space<vmem>> -> memref<128x128xf32, #tpu.memory_space<vmem>>
        %dma_wait3A_267 = arith.constant 0 : i32
        %dma_wait3A_268 = tpu.memref_slice %arg8[%dma_wait3A_261, %dma_wait3A_267] : memref<40x128xi32, #tpu.memory_space<vmem>> -> memref<1x128xi32, #tpu.memory_space<vmem>>
        %dma_wait3A_269 = tpu.memref_squeeze %dma_wait3A_268 : memref<1x128xi32, #tpu.memory_space<vmem>> -> memref<128xi32, #tpu.memory_space<vmem>>
        %dma_wait3A_270 = arith.constant 0 : i32
        %dma_wait3A_271 = arith.constant 0 : i32
        %dma_wait3A_272 = tpu.memref_slice %arg10[%dma_wait3A_270, %dma_wait3A_271] : memref<10112x128xf32, #tpu.memory_space<vmem_shared>> -> memref<10112x128xf32, #tpu.memory_space<vmem_shared>>
        %dma_wait3A_273 = tpu.memref_slice %arg12[%dma_wait3A_262] : memref<2x!tpu.dma_semaphore, #tpu.memory_space<semaphore_mem>> -> memref<1x!tpu.dma_semaphore, #tpu.memory_space<semaphore_mem>>
        %dma_wait3A_274 = tpu.memref_squeeze %dma_wait3A_273 : memref<1x!tpu.dma_semaphore, #tpu.memory_space<semaphore_mem>> -> memref<!tpu.dma_semaphore, #tpu.memory_space<semaphore_mem>>
        tpu.wait_indirect_dma semaphore(%dma_wait3A_274 : memref<!tpu.dma_semaphore, #tpu.memory_space<semaphore_mem>>) src(%dma_wait3A_266 : memref<128x128xf32, #tpu.memory_space<vmem>>) dst(%dma_wait3A_272 : memref<10112x128xf32, #tpu.memory_space<vmem_shared>>)
        %mul3A_275 = arith.constant 128 : i32
        %mul3A_276 = arith.muli %add3A_259, %mul3A_275 : i32
        %dma_start3A_277 = arith.constant 1 : i32
        %dma_start3A_278 = arith.constant 1 : i32
        %dma_start3A_279 = arith.constant 0 : i32
        %dma_start3A_280 = arith.constant 0 : i32
        %dma_start3A_281 = tpu.memref_slice %arg9[%dma_start3A_277, %dma_start3A_279, %dma_start3A_280] : memref<2x128x128xf32, #tpu.memory_space<vmem>> -> memref<1x128x128xf32, #tpu.memory_space<vmem>>
        %dma_start3A_282 = tpu.memref_squeeze %dma_start3A_281 : memref<1x128x128xf32, #tpu.memory_space<vmem>> -> memref<128x128xf32, #tpu.memory_space<vmem>>
        %dma_start3A_283 = tpu.memref_slice %arg7[%mul3A_276] : memref<5120xi32, #tpu.memory_space<vmem>> -> memref<128xi32, #tpu.memory_space<vmem>>
        %dma_start3A_284 = arith.constant 0 : i32
        %dma_start3A_285 = arith.constant 0 : i32
        %dma_start3A_286 = tpu.memref_slice %arg2[%dma_start3A_284, %dma_start3A_285] : memref<10112x128xf32, #tpu.memory_space<hbm>> -> memref<10112x128xf32, #tpu.memory_space<hbm>>
        %dma_start3A_287 = tpu.memref_slice %arg11[%dma_start3A_278] : memref<2x!tpu.dma_semaphore, #tpu.memory_space<semaphore_mem>> -> memref<1x!tpu.dma_semaphore, #tpu.memory_space<semaphore_mem>>
        %dma_start3A_288 = tpu.memref_squeeze %dma_start3A_287 : memref<1x!tpu.dma_semaphore, #tpu.memory_space<semaphore_mem>> -> memref<!tpu.dma_semaphore, #tpu.memory_space<semaphore_mem>>
        tpu.enqueue_indirect_dma source(%dma_start3A_286 : memref<10112x128xf32, #tpu.memory_space<hbm>>) target(%dma_start3A_282 : memref<128x128xf32, #tpu.memory_space<vmem>>) offsets(%dma_start3A_283 : memref<128xi32, #tpu.memory_space<vmem>>) semaphore(%dma_start3A_288 : memref<!tpu.dma_semaphore, #tpu.memory_space<semaphore_mem>>)
      } else {
      }
    }
    %scan3A_49 = arith.constant 20 : i32
    %dma_wait3A = arith.constant 0 : i32
    %dma_wait3A_50 = arith.constant 0 : i32
    %dma_wait3A_51 = arith.constant 0 : i32
    %dma_wait3A_52 = arith.constant 0 : i32
    %dma_wait3A_53 = arith.constant 0 : i32
    %dma_wait3A_54 = tpu.memref_slice %arg9[%dma_wait3A, %dma_wait3A_52, %dma_wait3A_53] : memref<2x128x128xf32, #tpu.memory_space<vmem>> -> memref<1x128x128xf32, #tpu.memory_space<vmem>>
    %dma_wait3A_55 = tpu.memref_squeeze %dma_wait3A_54 : memref<1x128x128xf32, #tpu.memory_space<vmem>> -> memref<128x128xf32, #tpu.memory_space<vmem>>
    %dma_wait3A_56 = arith.constant 0 : i32
    %dma_wait3A_57 = tpu.memref_slice %arg8[%dma_wait3A_50, %dma_wait3A_56] : memref<40x128xi32, #tpu.memory_space<vmem>> -> memref<1x128xi32, #tpu.memory_space<vmem>>
    %dma_wait3A_58 = tpu.memref_squeeze %dma_wait3A_57 : memref<1x128xi32, #tpu.memory_space<vmem>> -> memref<128xi32, #tpu.memory_space<vmem>>
    %dma_wait3A_59 = arith.constant 0 : i32
    %dma_wait3A_60 = arith.constant 0 : i32
    %dma_wait3A_61 = tpu.memref_slice %arg10[%dma_wait3A_59, %dma_wait3A_60] : memref<10112x128xf32, #tpu.memory_space<vmem_shared>> -> memref<10112x128xf32, #tpu.memory_space<vmem_shared>>
    %dma_wait3A_62 = tpu.memref_slice %arg12[%dma_wait3A_51] : memref<2x!tpu.dma_semaphore, #tpu.memory_space<semaphore_mem>> -> memref<1x!tpu.dma_semaphore, #tpu.memory_space<semaphore_mem>>
    %dma_wait3A_63 = tpu.memref_squeeze %dma_wait3A_62 : memref<1x!tpu.dma_semaphore, #tpu.memory_space<semaphore_mem>> -> memref<!tpu.dma_semaphore, #tpu.memory_space<semaphore_mem>>
    tpu.wait_indirect_dma semaphore(%dma_wait3A_63 : memref<!tpu.dma_semaphore, #tpu.memory_space<semaphore_mem>>) src(%dma_wait3A_55 : memref<128x128xf32, #tpu.memory_space<vmem>>) dst(%dma_wait3A_61 : memref<10112x128xf32, #tpu.memory_space<vmem_shared>>)
    %dma_wait3A_64 = arith.constant 1 : i32
    %dma_wait3A_65 = arith.constant 0 : i32
    %dma_wait3A_66 = arith.constant 1 : i32
    %dma_wait3A_67 = arith.constant 0 : i32
    %dma_wait3A_68 = arith.constant 0 : i32
    %dma_wait3A_69 = tpu.memref_slice %arg9[%dma_wait3A_64, %dma_wait3A_67, %dma_wait3A_68] : memref<2x128x128xf32, #tpu.memory_space<vmem>> -> memref<1x128x128xf32, #tpu.memory_space<vmem>>
    %dma_wait3A_70 = tpu.memref_squeeze %dma_wait3A_69 : memref<1x128x128xf32, #tpu.memory_space<vmem>> -> memref<128x128xf32, #tpu.memory_space<vmem>>
    %dma_wait3A_71 = arith.constant 0 : i32
    %dma_wait3A_72 = tpu.memref_slice %arg8[%dma_wait3A_65, %dma_wait3A_71] : memref<40x128xi32, #tpu.memory_space<vmem>> -> memref<1x128xi32, #tpu.memory_space<vmem>>
    %dma_wait3A_73 = tpu.memref_squeeze %dma_wait3A_72 : memref<1x128xi32, #tpu.memory_space<vmem>> -> memref<128xi32, #tpu.memory_space<vmem>>
    %dma_wait3A_74 = arith.constant 0 : i32
    %dma_wait3A_75 = arith.constant 0 : i32
    %dma_wait3A_76 = tpu.memref_slice %arg10[%dma_wait3A_74, %dma_wait3A_75] : memref<10112x128xf32, #tpu.memory_space<vmem_shared>> -> memref<10112x128xf32, #tpu.memory_space<vmem_shared>>
    %dma_wait3A_77 = tpu.memref_slice %arg12[%dma_wait3A_66] : memref<2x!tpu.dma_semaphore, #tpu.memory_space<semaphore_mem>> -> memref<1x!tpu.dma_semaphore, #tpu.memory_space<semaphore_mem>>
    %dma_wait3A_78 = tpu.memref_squeeze %dma_wait3A_77 : memref<1x!tpu.dma_semaphore, #tpu.memory_space<semaphore_mem>> -> memref<!tpu.dma_semaphore, #tpu.memory_space<semaphore_mem>>
    tpu.wait_indirect_dma semaphore(%dma_wait3A_78 : memref<!tpu.dma_semaphore, #tpu.memory_space<semaphore_mem>>) src(%dma_wait3A_70 : memref<128x128xf32, #tpu.memory_space<vmem>>) dst(%dma_wait3A_76 : memref<10112x128xf32, #tpu.memory_space<vmem_shared>>)
    %mul3A_79 = arith.constant 10240 : i32
    %mul3A_80 = arith.muli %add3A, %mul3A_79 : i32
    %add3A_81 = arith.constant 5120 : i32
    %add3A_82 = arith.addi %mul3A_80, %add3A_81 : i32
    %multiple_of3A_83 = tpu.assume_multiple %add3A_82, 8 : i32
    "tpu.region"() ({
      %run_scoped3A = tpu.sem_alloc : memref<!tpu.dma_semaphore, #tpu.memory_space<semaphore_mem>>
      %dma_start3A_152 = tpu.memref_slice %arg3[%multiple_of3A_83] : memref<327680xi32, #tpu.memory_space<hbm>> -> memref<5120xi32, #tpu.memory_space<hbm>>
      %dma_start3A_153 = tpu.memref_slice %arg3[%multiple_of3A_83] : memref<327680xi32, #tpu.memory_space<hbm>> -> memref<5120xi32, #tpu.memory_space<hbm>>
      tpu.enqueue_dma source(%dma_start3A_153 : memref<5120xi32, #tpu.memory_space<hbm>>) target(%arg7 : memref<5120xi32, #tpu.memory_space<vmem>>) target_semaphore(%run_scoped3A : memref<!tpu.dma_semaphore, #tpu.memory_space<semaphore_mem>>)
      %dma_wait3A_154 = tpu.memref_slice %arg3[%multiple_of3A_83] : memref<327680xi32, #tpu.memory_space<hbm>> -> memref<5120xi32, #tpu.memory_space<hbm>>
      %dma_wait3A_155 = tpu.memref_slice %arg3[%multiple_of3A_83] : memref<327680xi32, #tpu.memory_space<hbm>> -> memref<5120xi32, #tpu.memory_space<hbm>>
      tpu.wait_dma2 semaphore(%run_scoped3A : memref<!tpu.dma_semaphore, #tpu.memory_space<semaphore_mem>>) src(%dma_wait3A_155 : memref<5120xi32, #tpu.memory_space<hbm>>) dst(%arg7 : memref<5120xi32, #tpu.memory_space<vmem>>)
      tpu.yield
    }) : () -> ()
    %mul3A_84 = arith.constant 80 : i32
    %mul3A_85 = arith.muli %add3A, %mul3A_84 : i32
    %add3A_86 = arith.constant 40 : i32
    %add3A_87 = arith.addi %mul3A_85, %add3A_86 : i32
    %multiple_of3A_88 = tpu.assume_multiple %add3A_87, 8 : i32
    "tpu.region"() ({
      %run_scoped3A = tpu.sem_alloc : memref<!tpu.dma_semaphore, #tpu.memory_space<semaphore_mem>>
      %dma_start3A_152 = arith.constant 0 : i32
      %dma_start3A_153 = tpu.memref_slice %arg4[%multiple_of3A_88, %dma_start3A_152] : memref<2560x128xi32, #tpu.memory_space<hbm>> -> memref<40x128xi32, #tpu.memory_space<hbm>>
      %dma_start3A_154 = arith.constant 0 : i32
      %dma_start3A_155 = tpu.memref_slice %arg4[%multiple_of3A_88, %dma_start3A_154] : memref<2560x128xi32, #tpu.memory_space<hbm>> -> memref<40x128xi32, #tpu.memory_space<hbm>>
      tpu.enqueue_dma source(%dma_start3A_155 : memref<40x128xi32, #tpu.memory_space<hbm>>) target(%arg8 : memref<40x128xi32, #tpu.memory_space<vmem>>) target_semaphore(%run_scoped3A : memref<!tpu.dma_semaphore, #tpu.memory_space<semaphore_mem>>)
      %dma_wait3A_156 = arith.constant 0 : i32
      %dma_wait3A_157 = tpu.memref_slice %arg4[%multiple_of3A_88, %dma_wait3A_156] : memref<2560x128xi32, #tpu.memory_space<hbm>> -> memref<40x128xi32, #tpu.memory_space<hbm>>
      %dma_wait3A_158 = arith.constant 0 : i32
      %dma_wait3A_159 = tpu.memref_slice %arg4[%multiple_of3A_88, %dma_wait3A_158] : memref<2560x128xi32, #tpu.memory_space<hbm>> -> memref<40x128xi32, #tpu.memory_space<hbm>>
      tpu.wait_dma2 semaphore(%run_scoped3A : memref<!tpu.dma_semaphore, #tpu.memory_space<semaphore_mem>>) src(%dma_wait3A_159 : memref<40x128xi32, #tpu.memory_space<hbm>>) dst(%arg8 : memref<40x128xi32, #tpu.memory_space<vmem>>)
      tpu.yield
    }) : () -> ()
    %dma_start3A_89 = arith.constant 0 : i32
    %dma_start3A_90 = arith.constant 0 : i32
    %dma_start3A_91 = arith.constant 0 : i32
    %dma_start3A_92 = arith.constant 0 : i32
    %dma_start3A_93 = tpu.memref_slice %arg9[%dma_start3A_89, %dma_start3A_91, %dma_start3A_92] : memref<2x128x128xf32, #tpu.memory_space<vmem>> -> memref<1x128x128xf32, #tpu.memory_space<vmem>>
    %dma_start3A_94 = tpu.memref_squeeze %dma_start3A_93 : memref<1x128x128xf32, #tpu.memory_space<vmem>> -> memref<128x128xf32, #tpu.memory_space<vmem>>
    %dma_start3A_95 = arith.constant 0 : i32
    %dma_start3A_96 = tpu.memref_slice %arg7[%dma_start3A_95] : memref<5120xi32, #tpu.memory_space<vmem>> -> memref<128xi32, #tpu.memory_space<vmem>>
    %dma_start3A_97 = arith.constant 0 : i32
    %dma_start3A_98 = arith.constant 0 : i32
    %dma_start3A_99 = tpu.memref_slice %arg2[%dma_start3A_97, %dma_start3A_98] : memref<10112x128xf32, #tpu.memory_space<hbm>> -> memref<10112x128xf32, #tpu.memory_space<hbm>>
    %dma_start3A_100 = tpu.memref_slice %arg11[%dma_start3A_90] : memref<2x!tpu.dma_semaphore, #tpu.memory_space<semaphore_mem>> -> memref<1x!tpu.dma_semaphore, #tpu.memory_space<semaphore_mem>>
    %dma_start3A_101 = tpu.memref_squeeze %dma_start3A_100 : memref<1x!tpu.dma_semaphore, #tpu.memory_space<semaphore_mem>> -> memref<!tpu.dma_semaphore, #tpu.memory_space<semaphore_mem>>
    tpu.enqueue_indirect_dma source(%dma_start3A_99 : memref<10112x128xf32, #tpu.memory_space<hbm>>) target(%dma_start3A_94 : memref<128x128xf32, #tpu.memory_space<vmem>>) offsets(%dma_start3A_96 : memref<128xi32, #tpu.memory_space<vmem>>) semaphore(%dma_start3A_101 : memref<!tpu.dma_semaphore, #tpu.memory_space<semaphore_mem>>)
    %dma_start3A_102 = arith.constant 1 : i32
    %dma_start3A_103 = arith.constant 1 : i32
    %dma_start3A_104 = arith.constant 0 : i32
    %dma_start3A_105 = arith.constant 0 : i32
    %dma_start3A_106 = tpu.memref_slice %arg9[%dma_start3A_102, %dma_start3A_104, %dma_start3A_105] : memref<2x128x128xf32, #tpu.memory_space<vmem>> -> memref<1x128x128xf32, #tpu.memory_space<vmem>>
    %dma_start3A_107 = tpu.memref_squeeze %dma_start3A_106 : memref<1x128x128xf32, #tpu.memory_space<vmem>> -> memref<128x128xf32, #tpu.memory_space<vmem>>
    %dma_start3A_108 = arith.constant 128 : i32
    %dma_start3A_109 = tpu.memref_slice %arg7[%dma_start3A_108] : memref<5120xi32, #tpu.memory_space<vmem>> -> memref<128xi32, #tpu.memory_space<vmem>>
    %dma_start3A_110 = arith.constant 0 : i32
    %dma_start3A_111 = arith.constant 0 : i32
    %dma_start3A_112 = tpu.memref_slice %arg2[%dma_start3A_110, %dma_start3A_111] : memref<10112x128xf32, #tpu.memory_space<hbm>> -> memref<10112x128xf32, #tpu.memory_space<hbm>>
    %dma_start3A_113 = tpu.memref_slice %arg11[%dma_start3A_103] : memref<2x!tpu.dma_semaphore, #tpu.memory_space<semaphore_mem>> -> memref<1x!tpu.dma_semaphore, #tpu.memory_space<semaphore_mem>>
    %dma_start3A_114 = tpu.memref_squeeze %dma_start3A_113 : memref<1x!tpu.dma_semaphore, #tpu.memory_space<semaphore_mem>> -> memref<!tpu.dma_semaphore, #tpu.memory_space<semaphore_mem>>
    tpu.enqueue_indirect_dma source(%dma_start3A_112 : memref<10112x128xf32, #tpu.memory_space<hbm>>) target(%dma_start3A_107 : memref<128x128xf32, #tpu.memory_space<vmem>>) offsets(%dma_start3A_109 : memref<128xi32, #tpu.memory_space<vmem>>) semaphore(%dma_start3A_114 : memref<!tpu.dma_semaphore, #tpu.memory_space<semaphore_mem>>)
    %scan3A_115 = arith.constant 0 : i32
    %scan3A_116 = arith.constant 0 : i32
    %scan3A_117 = arith.constant 20 : i32
    %scan3A_118 = arith.addi %scan3A_116, %scan3A_117 : i32
    %scan3A_119 = arith.constant 1 : i32
    scf.for %scan3A_152 = %scan3A_116 to %scan3A_118 step %scan3A_119  : i32 {
      %mul3A_153 = arith.constant 2 : i32
      %mul3A_154 = arith.muli %scan3A_152, %mul3A_153 : i32
      %add3A_155 = arith.constant 0 : i32
      %add3A_156 = arith.addi %mul3A_154, %add3A_155 : i32
      %dma_wait3A_157 = arith.constant 0 : i32
      %dma_wait3A_158 = arith.constant 0 : i32
      %dma_wait3A_159 = arith.constant 0 : i32
      %dma_wait3A_160 = arith.constant 0 : i32
      %dma_wait3A_161 = tpu.memref_slice %arg9[%dma_wait3A_157, %dma_wait3A_159, %dma_wait3A_160] : memref<2x128x128xf32, #tpu.memory_space<vmem>> -> memref<1x128x128xf32, #tpu.memory_space<vmem>>
      %dma_wait3A_162 = tpu.memref_squeeze %dma_wait3A_161 : memref<1x128x128xf32, #tpu.memory_space<vmem>> -> memref<128x128xf32, #tpu.memory_space<vmem>>
      %dma_wait3A_163 = arith.constant 0 : i32
      %dma_wait3A_164 = tpu.memref_slice %arg7[%dma_wait3A_163] : memref<5120xi32, #tpu.memory_space<vmem>> -> memref<128xi32, #tpu.memory_space<vmem>>
      %dma_wait3A_165 = arith.constant 0 : i32
      %dma_wait3A_166 = arith.constant 0 : i32
      %dma_wait3A_167 = tpu.memref_slice %arg2[%dma_wait3A_165, %dma_wait3A_166] : memref<10112x128xf32, #tpu.memory_space<hbm>> -> memref<10112x128xf32, #tpu.memory_space<hbm>>
      %dma_wait3A_168 = tpu.memref_slice %arg11[%dma_wait3A_158] : memref<2x!tpu.dma_semaphore, #tpu.memory_space<semaphore_mem>> -> memref<1x!tpu.dma_semaphore, #tpu.memory_space<semaphore_mem>>
      %dma_wait3A_169 = tpu.memref_squeeze %dma_wait3A_168 : memref<1x!tpu.dma_semaphore, #tpu.memory_space<semaphore_mem>> -> memref<!tpu.dma_semaphore, #tpu.memory_space<semaphore_mem>>
      tpu.wait_indirect_dma semaphore(%dma_wait3A_169 : memref<!tpu.dma_semaphore, #tpu.memory_space<semaphore_mem>>) src(%dma_wait3A_167 : memref<10112x128xf32, #tpu.memory_space<hbm>>) dst(%dma_wait3A_162 : memref<128x128xf32, #tpu.memory_space<vmem>>)
      %dma_start3A_170 = arith.constant 0 : i32
      %dma_start3A_171 = arith.constant 0 : i32
      %dma_start3A_172 = arith.constant 0 : i32
      %dma_start3A_173 = arith.constant 0 : i32
      %dma_start3A_174 = tpu.memref_slice %arg9[%dma_start3A_170, %dma_start3A_172, %dma_start3A_173] : memref<2x128x128xf32, #tpu.memory_space<vmem>> -> memref<1x128x128xf32, #tpu.memory_space<vmem>>
      %dma_start3A_175 = tpu.memref_squeeze %dma_start3A_174 : memref<1x128x128xf32, #tpu.memory_space<vmem>> -> memref<128x128xf32, #tpu.memory_space<vmem>>
      %dma_start3A_176 = arith.constant 0 : i32
      %dma_start3A_177 = tpu.memref_slice %arg8[%add3A_156, %dma_start3A_176] : memref<40x128xi32, #tpu.memory_space<vmem>> -> memref<1x128xi32, #tpu.memory_space<vmem>>
      %dma_start3A_178 = tpu.memref_squeeze %dma_start3A_177 : memref<1x128xi32, #tpu.memory_space<vmem>> -> memref<128xi32, #tpu.memory_space<vmem>>
      %dma_start3A_179 = arith.constant 0 : i32
      %dma_start3A_180 = arith.constant 0 : i32
      %dma_start3A_181 = tpu.memref_slice %arg10[%dma_start3A_179, %dma_start3A_180] : memref<10112x128xf32, #tpu.memory_space<vmem_shared>> -> memref<10112x128xf32, #tpu.memory_space<vmem_shared>>
      %dma_start3A_182 = tpu.memref_slice %arg12[%dma_start3A_171] : memref<2x!tpu.dma_semaphore, #tpu.memory_space<semaphore_mem>> -> memref<1x!tpu.dma_semaphore, #tpu.memory_space<semaphore_mem>>
      %dma_start3A_183 = tpu.memref_squeeze %dma_start3A_182 : memref<1x!tpu.dma_semaphore, #tpu.memory_space<semaphore_mem>> -> memref<!tpu.dma_semaphore, #tpu.memory_space<semaphore_mem>>
      tpu.enqueue_indirect_dma source(%dma_start3A_175 : memref<128x128xf32, #tpu.memory_space<vmem>>) target(%dma_start3A_181 : memref<10112x128xf32, #tpu.memory_space<vmem_shared>>) offsets(%dma_start3A_178 : memref<128xi32, #tpu.memory_space<vmem>>) semaphore(%dma_start3A_183 : memref<!tpu.dma_semaphore, #tpu.memory_space<semaphore_mem>>) {add = true}
      %mul3A_184 = arith.constant 2 : i32
      %mul3A_185 = arith.muli %scan3A_152, %mul3A_184 : i32
      %add3A_186 = arith.constant 1 : i32
      %add3A_187 = arith.addi %mul3A_185, %add3A_186 : i32
      %dma_wait3A_188 = arith.constant 1 : i32
      %dma_wait3A_189 = arith.constant 1 : i32
      %dma_wait3A_190 = arith.constant 0 : i32
      %dma_wait3A_191 = arith.constant 0 : i32
      %dma_wait3A_192 = tpu.memref_slice %arg9[%dma_wait3A_188, %dma_wait3A_190, %dma_wait3A_191] : memref<2x128x128xf32, #tpu.memory_space<vmem>> -> memref<1x128x128xf32, #tpu.memory_space<vmem>>
      %dma_wait3A_193 = tpu.memref_squeeze %dma_wait3A_192 : memref<1x128x128xf32, #tpu.memory_space<vmem>> -> memref<128x128xf32, #tpu.memory_space<vmem>>
      %dma_wait3A_194 = arith.constant 0 : i32
      %dma_wait3A_195 = tpu.memref_slice %arg7[%dma_wait3A_194] : memref<5120xi32, #tpu.memory_space<vmem>> -> memref<128xi32, #tpu.memory_space<vmem>>
      %dma_wait3A_196 = arith.constant 0 : i32
      %dma_wait3A_197 = arith.constant 0 : i32
      %dma_wait3A_198 = tpu.memref_slice %arg2[%dma_wait3A_196, %dma_wait3A_197] : memref<10112x128xf32, #tpu.memory_space<hbm>> -> memref<10112x128xf32, #tpu.memory_space<hbm>>
      %dma_wait3A_199 = tpu.memref_slice %arg11[%dma_wait3A_189] : memref<2x!tpu.dma_semaphore, #tpu.memory_space<semaphore_mem>> -> memref<1x!tpu.dma_semaphore, #tpu.memory_space<semaphore_mem>>
      %dma_wait3A_200 = tpu.memref_squeeze %dma_wait3A_199 : memref<1x!tpu.dma_semaphore, #tpu.memory_space<semaphore_mem>> -> memref<!tpu.dma_semaphore, #tpu.memory_space<semaphore_mem>>
      tpu.wait_indirect_dma semaphore(%dma_wait3A_200 : memref<!tpu.dma_semaphore, #tpu.memory_space<semaphore_mem>>) src(%dma_wait3A_198 : memref<10112x128xf32, #tpu.memory_space<hbm>>) dst(%dma_wait3A_193 : memref<128x128xf32, #tpu.memory_space<vmem>>)
      %dma_start3A_201 = arith.constant 1 : i32
      %dma_start3A_202 = arith.constant 1 : i32
      %dma_start3A_203 = arith.constant 0 : i32
      %dma_start3A_204 = arith.constant 0 : i32
      %dma_start3A_205 = tpu.memref_slice %arg9[%dma_start3A_201, %dma_start3A_203, %dma_start3A_204] : memref<2x128x128xf32, #tpu.memory_space<vmem>> -> memref<1x128x128xf32, #tpu.memory_space<vmem>>
      %dma_start3A_206 = tpu.memref_squeeze %dma_start3A_205 : memref<1x128x128xf32, #tpu.memory_space<vmem>> -> memref<128x128xf32, #tpu.memory_space<vmem>>
      %dma_start3A_207 = arith.constant 0 : i32
      %dma_start3A_208 = tpu.memref_slice %arg8[%add3A_187, %dma_start3A_207] : memref<40x128xi32, #tpu.memory_space<vmem>> -> memref<1x128xi32, #tpu.memory_space<vmem>>
      %dma_start3A_209 = tpu.memref_squeeze %dma_start3A_208 : memref<1x128xi32, #tpu.memory_space<vmem>> -> memref<128xi32, #tpu.memory_space<vmem>>
      %dma_start3A_210 = arith.constant 0 : i32
      %dma_start3A_211 = arith.constant 0 : i32
      %dma_start3A_212 = tpu.memref_slice %arg10[%dma_start3A_210, %dma_start3A_211] : memref<10112x128xf32, #tpu.memory_space<vmem_shared>> -> memref<10112x128xf32, #tpu.memory_space<vmem_shared>>
      %dma_start3A_213 = tpu.memref_slice %arg12[%dma_start3A_202] : memref<2x!tpu.dma_semaphore, #tpu.memory_space<semaphore_mem>> -> memref<1x!tpu.dma_semaphore, #tpu.memory_space<semaphore_mem>>
      %dma_start3A_214 = tpu.memref_squeeze %dma_start3A_213 : memref<1x!tpu.dma_semaphore, #tpu.memory_space<semaphore_mem>> -> memref<!tpu.dma_semaphore, #tpu.memory_space<semaphore_mem>>
      tpu.enqueue_indirect_dma source(%dma_start3A_206 : memref<128x128xf32, #tpu.memory_space<vmem>>) target(%dma_start3A_212 : memref<10112x128xf32, #tpu.memory_space<vmem_shared>>) offsets(%dma_start3A_209 : memref<128xi32, #tpu.memory_space<vmem>>) semaphore(%dma_start3A_214 : memref<!tpu.dma_semaphore, #tpu.memory_space<semaphore_mem>>) {add = true}
      %lt3A = arith.constant 19 : i32
      %lt3A_215 = arith.cmpi slt, %scan3A_152, %lt3A : i32
      %convert_element_type3A_216 = arith.extui %lt3A_215 : i1 to i32
      %cond3A_217 = arith.constant 0 : i32
      %cond3A_218 = arith.cmpi ne, %convert_element_type3A_216, %cond3A_217 : i32
      scf.if %cond3A_218 {
        %add3A_219 = arith.constant 1 : i32
        %add3A_220 = arith.addi %scan3A_152, %add3A_219 : i32
        %mul3A_221 = arith.constant 2 : i32
        %mul3A_222 = arith.muli %add3A_220, %mul3A_221 : i32
        %add3A_223 = arith.constant 0 : i32
        %add3A_224 = arith.addi %mul3A_222, %add3A_223 : i32
        %dma_wait3A_225 = arith.constant 0 : i32
        %dma_wait3A_226 = arith.constant 0 : i32
        %dma_wait3A_227 = arith.constant 0 : i32
        %dma_wait3A_228 = arith.constant 0 : i32
        %dma_wait3A_229 = arith.constant 0 : i32
        %dma_wait3A_230 = tpu.memref_slice %arg9[%dma_wait3A_225, %dma_wait3A_228, %dma_wait3A_229] : memref<2x128x128xf32, #tpu.memory_space<vmem>> -> memref<1x128x128xf32, #tpu.memory_space<vmem>>
        %dma_wait3A_231 = tpu.memref_squeeze %dma_wait3A_230 : memref<1x128x128xf32, #tpu.memory_space<vmem>> -> memref<128x128xf32, #tpu.memory_space<vmem>>
        %dma_wait3A_232 = arith.constant 0 : i32
        %dma_wait3A_233 = tpu.memref_slice %arg8[%dma_wait3A_226, %dma_wait3A_232] : memref<40x128xi32, #tpu.memory_space<vmem>> -> memref<1x128xi32, #tpu.memory_space<vmem>>
        %dma_wait3A_234 = tpu.memref_squeeze %dma_wait3A_233 : memref<1x128xi32, #tpu.memory_space<vmem>> -> memref<128xi32, #tpu.memory_space<vmem>>
        %dma_wait3A_235 = arith.constant 0 : i32
        %dma_wait3A_236 = arith.constant 0 : i32
        %dma_wait3A_237 = tpu.memref_slice %arg10[%dma_wait3A_235, %dma_wait3A_236] : memref<10112x128xf32, #tpu.memory_space<vmem_shared>> -> memref<10112x128xf32, #tpu.memory_space<vmem_shared>>
        %dma_wait3A_238 = tpu.memref_slice %arg12[%dma_wait3A_227] : memref<2x!tpu.dma_semaphore, #tpu.memory_space<semaphore_mem>> -> memref<1x!tpu.dma_semaphore, #tpu.memory_space<semaphore_mem>>
        %dma_wait3A_239 = tpu.memref_squeeze %dma_wait3A_238 : memref<1x!tpu.dma_semaphore, #tpu.memory_space<semaphore_mem>> -> memref<!tpu.dma_semaphore, #tpu.memory_space<semaphore_mem>>
        tpu.wait_indirect_dma semaphore(%dma_wait3A_239 : memref<!tpu.dma_semaphore, #tpu.memory_space<semaphore_mem>>) src(%dma_wait3A_231 : memref<128x128xf32, #tpu.memory_space<vmem>>) dst(%dma_wait3A_237 : memref<10112x128xf32, #tpu.memory_space<vmem_shared>>)
        %mul3A_240 = arith.constant 128 : i32
        %mul3A_241 = arith.muli %add3A_224, %mul3A_240 : i32
        %dma_start3A_242 = arith.constant 0 : i32
        %dma_start3A_243 = arith.constant 0 : i32
        %dma_start3A_244 = arith.constant 0 : i32
        %dma_start3A_245 = arith.constant 0 : i32
        %dma_start3A_246 = tpu.memref_slice %arg9[%dma_start3A_242, %dma_start3A_244, %dma_start3A_245] : memref<2x128x128xf32, #tpu.memory_space<vmem>> -> memref<1x128x128xf32, #tpu.memory_space<vmem>>
        %dma_start3A_247 = tpu.memref_squeeze %dma_start3A_246 : memref<1x128x128xf32, #tpu.memory_space<vmem>> -> memref<128x128xf32, #tpu.memory_space<vmem>>
        %dma_start3A_248 = tpu.memref_slice %arg7[%mul3A_241] : memref<5120xi32, #tpu.memory_space<vmem>> -> memref<128xi32, #tpu.memory_space<vmem>>
        %dma_start3A_249 = arith.constant 0 : i32
        %dma_start3A_250 = arith.constant 0 : i32
        %dma_start3A_251 = tpu.memref_slice %arg2[%dma_start3A_249, %dma_start3A_250] : memref<10112x128xf32, #tpu.memory_space<hbm>> -> memref<10112x128xf32, #tpu.memory_space<hbm>>
        %dma_start3A_252 = tpu.memref_slice %arg11[%dma_start3A_243] : memref<2x!tpu.dma_semaphore, #tpu.memory_space<semaphore_mem>> -> memref<1x!tpu.dma_semaphore, #tpu.memory_space<semaphore_mem>>
        %dma_start3A_253 = tpu.memref_squeeze %dma_start3A_252 : memref<1x!tpu.dma_semaphore, #tpu.memory_space<semaphore_mem>> -> memref<!tpu.dma_semaphore, #tpu.memory_space<semaphore_mem>>
        tpu.enqueue_indirect_dma source(%dma_start3A_251 : memref<10112x128xf32, #tpu.memory_space<hbm>>) target(%dma_start3A_247 : memref<128x128xf32, #tpu.memory_space<vmem>>) offsets(%dma_start3A_248 : memref<128xi32, #tpu.memory_space<vmem>>) semaphore(%dma_start3A_253 : memref<!tpu.dma_semaphore, #tpu.memory_space<semaphore_mem>>)
        %add3A_254 = arith.constant 1 : i32
        %add3A_255 = arith.addi %scan3A_152, %add3A_254 : i32
        %mul3A_256 = arith.constant 2 : i32
        %mul3A_257 = arith.muli %add3A_255, %mul3A_256 : i32
        %add3A_258 = arith.constant 1 : i32
        %add3A_259 = arith.addi %mul3A_257, %add3A_258 : i32
        %dma_wait3A_260 = arith.constant 1 : i32
        %dma_wait3A_261 = arith.constant 0 : i32
        %dma_wait3A_262 = arith.constant 1 : i32
        %dma_wait3A_263 = arith.constant 0 : i32
        %dma_wait3A_264 = arith.constant 0 : i32
        %dma_wait3A_265 = tpu.memref_slice %arg9[%dma_wait3A_260, %dma_wait3A_263, %dma_wait3A_264] : memref<2x128x128xf32, #tpu.memory_space<vmem>> -> memref<1x128x128xf32, #tpu.memory_space<vmem>>
        %dma_wait3A_266 = tpu.memref_squeeze %dma_wait3A_265 : memref<1x128x128xf32, #tpu.memory_space<vmem>> -> memref<128x128xf32, #tpu.memory_space<vmem>>
        %dma_wait3A_267 = arith.constant 0 : i32
        %dma_wait3A_268 = tpu.memref_slice %arg8[%dma_wait3A_261, %dma_wait3A_267] : memref<40x128xi32, #tpu.memory_space<vmem>> -> memref<1x128xi32, #tpu.memory_space<vmem>>
        %dma_wait3A_269 = tpu.memref_squeeze %dma_wait3A_268 : memref<1x128xi32, #tpu.memory_space<vmem>> -> memref<128xi32, #tpu.memory_space<vmem>>
        %dma_wait3A_270 = arith.constant 0 : i32
        %dma_wait3A_271 = arith.constant 0 : i32
        %dma_wait3A_272 = tpu.memref_slice %arg10[%dma_wait3A_270, %dma_wait3A_271] : memref<10112x128xf32, #tpu.memory_space<vmem_shared>> -> memref<10112x128xf32, #tpu.memory_space<vmem_shared>>
        %dma_wait3A_273 = tpu.memref_slice %arg12[%dma_wait3A_262] : memref<2x!tpu.dma_semaphore, #tpu.memory_space<semaphore_mem>> -> memref<1x!tpu.dma_semaphore, #tpu.memory_space<semaphore_mem>>
        %dma_wait3A_274 = tpu.memref_squeeze %dma_wait3A_273 : memref<1x!tpu.dma_semaphore, #tpu.memory_space<semaphore_mem>> -> memref<!tpu.dma_semaphore, #tpu.memory_space<semaphore_mem>>
        tpu.wait_indirect_dma semaphore(%dma_wait3A_274 : memref<!tpu.dma_semaphore, #tpu.memory_space<semaphore_mem>>) src(%dma_wait3A_266 : memref<128x128xf32, #tpu.memory_space<vmem>>) dst(%dma_wait3A_272 : memref<10112x128xf32, #tpu.memory_space<vmem_shared>>)
        %mul3A_275 = arith.constant 128 : i32
        %mul3A_276 = arith.muli %add3A_259, %mul3A_275 : i32
        %dma_start3A_277 = arith.constant 1 : i32
        %dma_start3A_278 = arith.constant 1 : i32
        %dma_start3A_279 = arith.constant 0 : i32
        %dma_start3A_280 = arith.constant 0 : i32
        %dma_start3A_281 = tpu.memref_slice %arg9[%dma_start3A_277, %dma_start3A_279, %dma_start3A_280] : memref<2x128x128xf32, #tpu.memory_space<vmem>> -> memref<1x128x128xf32, #tpu.memory_space<vmem>>
        %dma_start3A_282 = tpu.memref_squeeze %dma_start3A_281 : memref<1x128x128xf32, #tpu.memory_space<vmem>> -> memref<128x128xf32, #tpu.memory_space<vmem>>
        %dma_start3A_283 = tpu.memref_slice %arg7[%mul3A_276] : memref<5120xi32, #tpu.memory_space<vmem>> -> memref<128xi32, #tpu.memory_space<vmem>>
        %dma_start3A_284 = arith.constant 0 : i32
        %dma_start3A_285 = arith.constant 0 : i32
        %dma_start3A_286 = tpu.memref_slice %arg2[%dma_start3A_284, %dma_start3A_285] : memref<10112x128xf32, #tpu.memory_space<hbm>> -> memref<10112x128xf32, #tpu.memory_space<hbm>>
        %dma_start3A_287 = tpu.memref_slice %arg11[%dma_start3A_278] : memref<2x!tpu.dma_semaphore, #tpu.memory_space<semaphore_mem>> -> memref<1x!tpu.dma_semaphore, #tpu.memory_space<semaphore_mem>>
        %dma_start3A_288 = tpu.memref_squeeze %dma_start3A_287 : memref<1x!tpu.dma_semaphore, #tpu.memory_space<semaphore_mem>> -> memref<!tpu.dma_semaphore, #tpu.memory_space<semaphore_mem>>
        tpu.enqueue_indirect_dma source(%dma_start3A_286 : memref<10112x128xf32, #tpu.memory_space<hbm>>) target(%dma_start3A_282 : memref<128x128xf32, #tpu.memory_space<vmem>>) offsets(%dma_start3A_283 : memref<128xi32, #tpu.memory_space<vmem>>) semaphore(%dma_start3A_288 : memref<!tpu.dma_semaphore, #tpu.memory_space<semaphore_mem>>)
      } else {
      }
    }
    %scan3A_120 = arith.constant 20 : i32
    %dma_wait3A_121 = arith.constant 0 : i32
    %dma_wait3A_122 = arith.constant 0 : i32
    %dma_wait3A_123 = arith.constant 0 : i32
    %dma_wait3A_124 = arith.constant 0 : i32
    %dma_wait3A_125 = arith.constant 0 : i32
    %dma_wait3A_126 = tpu.memref_slice %arg9[%dma_wait3A_121, %dma_wait3A_124, %dma_wait3A_125] : memref<2x128x128xf32, #tpu.memory_space<vmem>> -> memref<1x128x128xf32, #tpu.memory_space<vmem>>
    %dma_wait3A_127 = tpu.memref_squeeze %dma_wait3A_126 : memref<1x128x128xf32, #tpu.memory_space<vmem>> -> memref<128x128xf32, #tpu.memory_space<vmem>>
    %dma_wait3A_128 = arith.constant 0 : i32
    %dma_wait3A_129 = tpu.memref_slice %arg8[%dma_wait3A_122, %dma_wait3A_128] : memref<40x128xi32, #tpu.memory_space<vmem>> -> memref<1x128xi32, #tpu.memory_space<vmem>>
    %dma_wait3A_130 = tpu.memref_squeeze %dma_wait3A_129 : memref<1x128xi32, #tpu.memory_space<vmem>> -> memref<128xi32, #tpu.memory_space<vmem>>
    %dma_wait3A_131 = arith.constant 0 : i32
    %dma_wait3A_132 = arith.constant 0 : i32
    %dma_wait3A_133 = tpu.memref_slice %arg10[%dma_wait3A_131, %dma_wait3A_132] : memref<10112x128xf32, #tpu.memory_space<vmem_shared>> -> memref<10112x128xf32, #tpu.memory_space<vmem_shared>>
    %dma_wait3A_134 = tpu.memref_slice %arg12[%dma_wait3A_123] : memref<2x!tpu.dma_semaphore, #tpu.memory_space<semaphore_mem>> -> memref<1x!tpu.dma_semaphore, #tpu.memory_space<semaphore_mem>>
    %dma_wait3A_135 = tpu.memref_squeeze %dma_wait3A_134 : memref<1x!tpu.dma_semaphore, #tpu.memory_space<semaphore_mem>> -> memref<!tpu.dma_semaphore, #tpu.memory_space<semaphore_mem>>
    tpu.wait_indirect_dma semaphore(%dma_wait3A_135 : memref<!tpu.dma_semaphore, #tpu.memory_space<semaphore_mem>>) src(%dma_wait3A_127 : memref<128x128xf32, #tpu.memory_space<vmem>>) dst(%dma_wait3A_133 : memref<10112x128xf32, #tpu.memory_space<vmem_shared>>)
    %dma_wait3A_136 = arith.constant 1 : i32
    %dma_wait3A_137 = arith.constant 0 : i32
    %dma_wait3A_138 = arith.constant 1 : i32
    %dma_wait3A_139 = arith.constant 0 : i32
    %dma_wait3A_140 = arith.constant 0 : i32
    %dma_wait3A_141 = tpu.memref_slice %arg9[%dma_wait3A_136, %dma_wait3A_139, %dma_wait3A_140] : memref<2x128x128xf32, #tpu.memory_space<vmem>> -> memref<1x128x128xf32, #tpu.memory_space<vmem>>
    %dma_wait3A_142 = tpu.memref_squeeze %dma_wait3A_141 : memref<1x128x128xf32, #tpu.memory_space<vmem>> -> memref<128x128xf32, #tpu.memory_space<vmem>>
    %dma_wait3A_143 = arith.constant 0 : i32
    %dma_wait3A_144 = tpu.memref_slice %arg8[%dma_wait3A_137, %dma_wait3A_143] : memref<40x128xi32, #tpu.memory_space<vmem>> -> memref<1x128xi32, #tpu.memory_space<vmem>>
    %dma_wait3A_145 = tpu.memref_squeeze %dma_wait3A_144 : memref<1x128xi32, #tpu.memory_space<vmem>> -> memref<128xi32, #tpu.memory_space<vmem>>
    %dma_wait3A_146 = arith.constant 0 : i32
    %dma_wait3A_147 = arith.constant 0 : i32
    %dma_wait3A_148 = tpu.memref_slice %arg10[%dma_wait3A_146, %dma_wait3A_147] : memref<10112x128xf32, #tpu.memory_space<vmem_shared>> -> memref<10112x128xf32, #tpu.memory_space<vmem_shared>>
    %dma_wait3A_149 = tpu.memref_slice %arg12[%dma_wait3A_138] : memref<2x!tpu.dma_semaphore, #tpu.memory_space<semaphore_mem>> -> memref<1x!tpu.dma_semaphore, #tpu.memory_space<semaphore_mem>>
    %dma_wait3A_150 = tpu.memref_squeeze %dma_wait3A_149 : memref<1x!tpu.dma_semaphore, #tpu.memory_space<semaphore_mem>> -> memref<!tpu.dma_semaphore, #tpu.memory_space<semaphore_mem>>
    tpu.wait_indirect_dma semaphore(%dma_wait3A_150 : memref<!tpu.dma_semaphore, #tpu.memory_space<semaphore_mem>>) src(%dma_wait3A_142 : memref<128x128xf32, #tpu.memory_space<vmem>>) dst(%dma_wait3A_148 : memref<10112x128xf32, #tpu.memory_space<vmem_shared>>)
    %barrier3A_151 = arith.constant 0 : index
    tpu.barrier barrier_id(%barrier3A_151)
    "tpu.region"() ({
      %run_scoped3A = tpu.sem_alloc : memref<!tpu.dma_semaphore, #tpu.memory_space<semaphore_mem>>
      %dma_start3A_152 = arith.constant 0 : i32
      %dma_start3A_153 = tpu.memref_slice %arg6[%arg0, %multiple_of3A, %dma_start3A_152] : memref<2x10112x128xf32, #tpu.memory_space<hbm>> -> memref<1x632x128xf32, #tpu.memory_space<hbm>>
      %dma_start3A_154 = tpu.memref_squeeze %dma_start3A_153 : memref<1x632x128xf32, #tpu.memory_space<hbm>> -> memref<632x128xf32, #tpu.memory_space<hbm>>
      %dma_start3A_155 = arith.constant 0 : i32
      %dma_start3A_156 = tpu.memref_slice %arg10[%multiple_of3A, %dma_start3A_155] : memref<10112x128xf32, #tpu.memory_space<vmem_shared>> -> memref<632x128xf32, #tpu.memory_space<vmem_shared>>
      tpu.enqueue_dma source(%dma_start3A_156 : memref<632x128xf32, #tpu.memory_space<vmem_shared>>) target(%dma_start3A_154 : memref<632x128xf32, #tpu.memory_space<hbm>>) target_semaphore(%run_scoped3A : memref<!tpu.dma_semaphore, #tpu.memory_space<semaphore_mem>>)
      %dma_wait3A_157 = arith.constant 0 : i32
      %dma_wait3A_158 = tpu.memref_slice %arg6[%arg0, %multiple_of3A, %dma_wait3A_157] : memref<2x10112x128xf32, #tpu.memory_space<hbm>> -> memref<1x632x128xf32, #tpu.memory_space<hbm>>
      %dma_wait3A_159 = tpu.memref_squeeze %dma_wait3A_158 : memref<1x632x128xf32, #tpu.memory_space<hbm>> -> memref<632x128xf32, #tpu.memory_space<hbm>>
      %dma_wait3A_160 = arith.constant 0 : i32
      %dma_wait3A_161 = tpu.memref_slice %arg10[%multiple_of3A, %dma_wait3A_160] : memref<10112x128xf32, #tpu.memory_space<vmem_shared>> -> memref<632x128xf32, #tpu.memory_space<vmem_shared>>
      tpu.wait_dma2 semaphore(%run_scoped3A : memref<!tpu.dma_semaphore, #tpu.memory_space<semaphore_mem>>) src(%dma_wait3A_161 : memref<632x128xf32, #tpu.memory_space<vmem_shared>>) dst(%dma_wait3A_159 : memref<632x128xf32, #tpu.memory_space<hbm>>)
      tpu.yield
    }) : () -> ()
    return
  }
}

module attributes {stable_mosaic.version = 14 : i64} {
  func.func @_tc_in_body(%arg0: memref<10112x1xf32, #tpu.memory_space<vmem>>, %arg1: memref<10112x1xf32, #tpu.memory_space<vmem>>, %arg2: memref<10112x128xf32, #tpu.memory_space<vmem>>, %arg3: memref<128x128xf32, #tpu.memory_space<vmem>>, %arg4: memref<10112x128xf32, #tpu.memory_space<vmem>>) attributes {dimension_semantics = [], scalar_prefetch = 0 : i64, scratch_operands = 0 : i64, tpu.core_type = #tpu.core_type<tc>} {
    %get3A = arith.constant 0 : index
    %get3A_0 = arith.constant 0 : index
    %get3A_1 = vector.load %arg0[%get3A, %get3A_0] : memref<10112x1xf32, #tpu.memory_space<vmem>>, vector<10112x1xf32>
    %get3A_2 = arith.constant 0 : index
    %get3A_3 = arith.constant 0 : index
    %get3A_4 = vector.load %arg1[%get3A_2, %get3A_3] : memref<10112x1xf32, #tpu.memory_space<vmem>>, vector<10112x1xf32>
    %add3A = arith.addf %get3A_1, %get3A_4 : vector<10112x1xf32>
    %add3A_5 = arith.constant 1.000000e+00 : f32
    %add3A_6 = vector.broadcast %add3A_5 : f32 to vector<10112x1xf32>
    %add3A_7 = arith.addf %add3A, %add3A_6 : vector<10112x1xf32>
    %rsqrt3A = math.rsqrt %add3A_7 : vector<10112x1xf32>
    %get3A_8 = arith.constant 0 : index
    %get3A_9 = arith.constant 0 : index
    %get3A_10 = vector.load %arg2[%get3A_8, %get3A_9] : memref<10112x128xf32, #tpu.memory_space<vmem>>, vector<10112x128xf32>
    %get3A_11 = arith.constant 0 : index
    %get3A_12 = arith.constant 0 : index
    %get3A_13 = vector.load %arg3[%get3A_11, %get3A_12] : memref<128x128xf32, #tpu.memory_space<vmem>>, vector<128x128xf32>
    %dot_general3A = arith.constant dense<0.000000e+00> : vector<10112x128xf32>
    %dot_general3A_14 = tpu.matmul %get3A_10, %get3A_13, %dot_general3A {dimension_numbers = #tpu.dot_dimension_numbers<[1], [0], [0], [1], [0, 0, 1, 1], [], []>, transpose_lhs_hint = false} : vector<10112x128xf32>, vector<128x128xf32>, vector<10112x128xf32> -> vector<10112x128xf32>
    %mul3A = vector.broadcast %rsqrt3A : vector<10112x1xf32> to vector<10112x128xf32>
    %mul3A_15 = arith.mulf %dot_general3A_14, %mul3A : vector<10112x128xf32>
    %swap3A = arith.constant 0 : index
    %swap3A_16 = arith.constant 0 : index
    %swap3A_17 = vector.load %arg4[%swap3A, %swap3A_16] : memref<10112x128xf32, #tpu.memory_space<vmem>>, vector<10112x128xf32>
    tpu.vector_store %arg4[%swap3A, %swap3A_16], %mul3A_15 {strides = array<i32>} : memref<10112x128xf32, #tpu.memory_space<vmem>>, vector<10112x128xf32>,
    return
  }
}

module attributes {stable_mosaic.version = 14 : i64} {
  func.func @_tc_mid_body(%arg0: memref<10112x128xf32, #tpu.memory_space<vmem>>, %arg1: memref<10112x128xf32, #tpu.memory_space<vmem>>, %arg2: memref<10112x1xf32, #tpu.memory_space<vmem>>, %arg3: memref<10112x1xf32, #tpu.memory_space<vmem>>, %arg4: memref<1x128xf32, #tpu.memory_space<vmem>>, %arg5: memref<128x128xf32, #tpu.memory_space<vmem>>, %arg6: memref<10112x128xf32, #tpu.memory_space<vmem>>) attributes {dimension_semantics = [], scalar_prefetch = 0 : i64, scratch_operands = 0 : i64, tpu.core_type = #tpu.core_type<tc>} {
    %get3A = arith.constant 0 : index
    %get3A_0 = arith.constant 0 : index
    %get3A_1 = vector.load %arg2[%get3A, %get3A_0] : memref<10112x1xf32, #tpu.memory_space<vmem>>, vector<10112x1xf32>
    %get3A_2 = arith.constant 0 : index
    %get3A_3 = arith.constant 0 : index
    %get3A_4 = vector.load %arg3[%get3A_2, %get3A_3] : memref<10112x1xf32, #tpu.memory_space<vmem>>, vector<10112x1xf32>
    %add3A = arith.addf %get3A_1, %get3A_4 : vector<10112x1xf32>
    %add3A_5 = arith.constant 1.000000e+00 : f32
    %add3A_6 = vector.broadcast %add3A_5 : f32 to vector<10112x1xf32>
    %add3A_7 = arith.addf %add3A, %add3A_6 : vector<10112x1xf32>
    %rsqrt3A = math.rsqrt %add3A_7 : vector<10112x1xf32>
    %get3A_8 = arith.constant 0 : index
    %get3A_9 = arith.constant 0 : index
    %get3A_10 = vector.load %arg0[%get3A_8, %get3A_9] : memref<10112x128xf32, #tpu.memory_space<vmem>>, vector<10112x128xf32>
    %get3A_11 = arith.constant 0 : index
    %get3A_12 = arith.constant 0 : index
    %get3A_13 = vector.load %arg1[%get3A_11, %get3A_12] : memref<10112x128xf32, #tpu.memory_space<vmem>>, vector<10112x128xf32>
    %add3A_14 = arith.addf %get3A_10, %get3A_13 : vector<10112x128xf32>
    %mul3A = vector.broadcast %rsqrt3A : vector<10112x1xf32> to vector<10112x128xf32>
    %mul3A_15 = arith.mulf %mul3A, %add3A_14 : vector<10112x128xf32>
    %get3A_16 = arith.constant 0 : index
    %get3A_17 = arith.constant 0 : index
    %get3A_18 = vector.load %arg4[%get3A_16, %get3A_17] : memref<1x128xf32, #tpu.memory_space<vmem>>, vector<1x128xf32>
    %add3A_19 = vector.broadcast %get3A_18 : vector<1x128xf32> to vector<10112x128xf32>
    %add3A_20 = arith.addf %mul3A_15, %add3A_19 : vector<10112x128xf32>
    %max3A = arith.constant 0.000000e+00 : f32
    %max3A_21 = vector.broadcast %max3A : f32 to vector<10112x128xf32>
    %max3A_22 = arith.maximumf %add3A_20, %max3A_21 : vector<10112x128xf32>
    %get3A_23 = arith.constant 0 : index
    %get3A_24 = arith.constant 0 : index
    %get3A_25 = vector.load %arg5[%get3A_23, %get3A_24] : memref<128x128xf32, #tpu.memory_space<vmem>>, vector<128x128xf32>
    %dot_general3A = arith.constant dense<0.000000e+00> : vector<10112x128xf32>
    %dot_general3A_26 = tpu.matmul %max3A_22, %get3A_25, %dot_general3A {dimension_numbers = #tpu.dot_dimension_numbers<[1], [0], [0], [1], [0, 0, 1, 1], [], []>, transpose_lhs_hint = false} : vector<10112x128xf32>, vector<128x128xf32>, vector<10112x128xf32> -> vector<10112x128xf32>
    %mul3A_27 = vector.broadcast %rsqrt3A : vector<10112x1xf32> to vector<10112x128xf32>
    %mul3A_28 = arith.mulf %dot_general3A_26, %mul3A_27 : vector<10112x128xf32>
    %swap3A = arith.constant 0 : index
    %swap3A_29 = arith.constant 0 : index
    %swap3A_30 = vector.load %arg6[%swap3A, %swap3A_29] : memref<10112x128xf32, #tpu.memory_space<vmem>>, vector<10112x128xf32>
    tpu.vector_store %arg6[%swap3A, %swap3A_29], %mul3A_28 {strides = array<i32>} : memref<10112x128xf32, #tpu.memory_space<vmem>>, vector<10112x128xf32>,
    return
  }
}

module attributes {stable_mosaic.version = 14 : i64} {
  func.func @_tc_out_body(%arg0: memref<10112x128xf32, #tpu.memory_space<vmem>>, %arg1: memref<10112x128xf32, #tpu.memory_space<vmem>>, %arg2: memref<10112x1xf32, #tpu.memory_space<vmem>>, %arg3: memref<10112x1xf32, #tpu.memory_space<vmem>>, %arg4: memref<1x128xf32, #tpu.memory_space<vmem>>, %arg5: memref<10112x128xf32, #tpu.memory_space<vmem>>) attributes {dimension_semantics = [], scalar_prefetch = 0 : i64, scratch_operands = 0 : i64, tpu.core_type = #tpu.core_type<tc>} {
    %get3A = arith.constant 0 : index
    %get3A_0 = arith.constant 0 : index
    %get3A_1 = vector.load %arg2[%get3A, %get3A_0] : memref<10112x1xf32, #tpu.memory_space<vmem>>, vector<10112x1xf32>
    %get3A_2 = arith.constant 0 : index
    %get3A_3 = arith.constant 0 : index
    %get3A_4 = vector.load %arg3[%get3A_2, %get3A_3] : memref<10112x1xf32, #tpu.memory_space<vmem>>, vector<10112x1xf32>
    %add3A = arith.addf %get3A_1, %get3A_4 : vector<10112x1xf32>
    %add3A_5 = arith.constant 1.000000e+00 : f32
    %add3A_6 = vector.broadcast %add3A_5 : f32 to vector<10112x1xf32>
    %add3A_7 = arith.addf %add3A, %add3A_6 : vector<10112x1xf32>
    %rsqrt3A = math.rsqrt %add3A_7 : vector<10112x1xf32>
    %get3A_8 = arith.constant 0 : index
    %get3A_9 = arith.constant 0 : index
    %get3A_10 = vector.load %arg0[%get3A_8, %get3A_9] : memref<10112x128xf32, #tpu.memory_space<vmem>>, vector<10112x128xf32>
    %get3A_11 = arith.constant 0 : index
    %get3A_12 = arith.constant 0 : index
    %get3A_13 = vector.load %arg1[%get3A_11, %get3A_12] : memref<10112x128xf32, #tpu.memory_space<vmem>>, vector<10112x128xf32>
    %add3A_14 = arith.addf %get3A_10, %get3A_13 : vector<10112x128xf32>
    %mul3A = vector.broadcast %rsqrt3A : vector<10112x1xf32> to vector<10112x128xf32>
    %mul3A_15 = arith.mulf %mul3A, %add3A_14 : vector<10112x128xf32>
    %get3A_16 = arith.constant 0 : index
    %get3A_17 = arith.constant 0 : index
    %get3A_18 = vector.load %arg4[%get3A_16, %get3A_17] : memref<1x128xf32, #tpu.memory_space<vmem>>, vector<1x128xf32>
    %add3A_19 = vector.broadcast %get3A_18 : vector<1x128xf32> to vector<10112x128xf32>
    %add3A_20 = arith.addf %mul3A_15, %add3A_19 : vector<10112x128xf32>
    %max3A = arith.constant 0.000000e+00 : f32
    %max3A_21 = vector.broadcast %max3A : f32 to vector<10112x128xf32>
    %max3A_22 = arith.maximumf %add3A_20, %max3A_21 : vector<10112x128xf32>
    %swap3A = arith.constant 0 : index
    %swap3A_23 = arith.constant 0 : index
    %swap3A_24 = vector.load %arg5[%swap3A, %swap3A_23] : memref<10112x128xf32, #tpu.memory_space<vmem>>, vector<10112x128xf32>
    tpu.vector_store %arg5[%swap3A, %swap3A_23], %max3A_22 {strides = array<i32>} : memref<10112x128xf32, #tpu.memory_space<vmem>>, vector<10112x128xf32>,
    return
  }
}

</mosaic_0001>

<sc_bundles>
// kernel: kernel.11.cloned.1.call-start
scs
__scs_entry_jumppad:
0x0: {  	(pc) =	sbr.rel $0x88, $3  }
0x1: {  	(tag) =	ssettag $0x0;
	lr =	simm.s32 $0x1  }
0x2: {  	[smem:$0x3F9B] =	sst lr;
	_ =	strace $0xD0000000  }
0x3: {  	_ = 	snop  }
0x4: {  	_ = 	snop  }
0x5: {  	_ = 	snop  }
0x6: {  	_ = 	snop  }
0x7: {  	_ = 	snop  }
__scs_overlays_trampoline_lowered:
0x8: {  	[smem:$0x3FAA] =	sst s0  }
0x9: {  	[smem:$0x3FAB] =	sst s1  }
0xa: {  	[smem:$0x3FAC] =	sst s2  }
0xb: {  	[smem:$0x3FAD] =	sst s3  }
0xc: {  	[smem:$0x3FAE] =	sst s4  }
0xd: {  	[smem:$0x3FAF] =	sst s5  }
0xe: {  	[smem:$0x3FB0] =	sst s6  }
0xf: {  	[smem:$0x3FB1] =	sst s7  }
0x10: {  	[smem:$0x3FB2] =	sst s8  }
0x11: {  	[smem:$0x3FB3] =	sst s9;
	s0 =	simm.s32 @!p0 $0x0  }
0x12: {  	s1 =	sld [smem:$0x3F99];
	s0 =	simm.s32 @p0 $0x1  }
0x13: {  	[smem:$0x3FB4] =	sst s0;
	s0 =	simm.s32 @!p1 $0x0  }
0x14: {  	s2 =	sld [smem:$0x3F98];
	s0 =	simm.s32 @p1 $0x1  }
0x15: {  	[smem:$0x3FB5] =	sst s0;
	s0 =	simm.s32 @!p2 $0x0  }
0x16: {  	s3 =	sld [smem:$0x3FDB];
	s0 =	simm.s32 @p2 $0x1  }
0x17: {  	s4 =	simm.s32 $0x1BF5;
	[smem:$0x3FB7] =	sst s0  }
0x18: {  	s0 =	sld [smem:$0x3F9A];
	_ =	swait.ge [sflag:s4], $0x0  }
0x19: {  	s7 =	sld [smem:$0x3F9B]  }
0x1a: {  	s8 =	sadd.s32 $0xFFFFE003, lr  }
0x1b: {  	s9 =	sadd.s32 $0xFFFFFEF7, lr;
	s5 =	simm.s32 $0xFFFFFFFF;
	p2 =	slt.u32 s8, $0xFFFFF086  }
0x1c: {  	p1 =	slt.u32 s9, $0xF7A;
	s5 =	simm.s32 @!p2 $0x0  }
0x1d: {  	s5 =	simm.s32 @p1 $0x1;
	p0 =	seq.s32 s7, s2  }
0x1e: {  	s7 =	smul.u32 @!p0 $0xF7A, s2;
	p2 =	seq.s32 @!p0 s5, $0x0  }
0x1f: {  	s9 =	smul.u32 $0xF7A, s1;
	s8 =	simm.s32 @!p0 $0x1BF5;
	p2 =	por !p2, p0  }
0x20: {  	[sflag:s8] =	ssyncset.s32 @!p0 $0xFFFFF086;
	s6 =	sadd.s32 @!p0 s3, s7;
	s7 =	simm.s32 @!p0 $0x108  }
0x21: {  	s3 =	sadd.s32 s3, s9;
	s6 =	sadd.s32 @!p0 $0x88, s6;
	s7 =	simm.s32 @p2 $0x1082  }
0x22: {  	[simem:s7], [sflag:s8] =	dma.local @!p0 [hbm:s6], $0xF7A  }
0x23: {  	s9 =	sor.u32 $0xD0000000, s2;
	s6 =	simm.s32 $0x108;
	_ =	swait.ge @!p0 [sflag:s8], $0x0  }
0x24: {  	s3 =	sadd.s32 $0x88, s3;
	s6 =	simm.s32 @!p1 $0x1082;
	[sflag:s4] =	ssyncset.s32 $0xFFFFF086  }
0x25: {  	[simem:s6], [sflag:s4] =	dma.local [hbm:s3], $0xF7A  }
0x26: {  	[smem:$0x3F9B] =	sst s1;
	(tag) =	ssettag s2;
	_ =	strace s9  }
0x27: {  	s1 =	sld [smem:$0x3FAB]  }
0x28: {  	s2 =	sld [smem:$0x3FAC]  }
0x29: {  	s4 =	sld [smem:$0x3FAE]  }
0x2a: {  	p0 =	seq.s32 s5, $0x0;
	s5 =	sld [smem:$0x3FAF]  }
0x2b: {  	s6 =	sld [smem:$0x3FB0]  }
0x2c: {  	s7 =	sld [smem:$0x3FB1]  }
0x2d: {  	s3 =	simm.s32 $0x108;
	s8 =	sld [smem:$0x3FB2]  }
0x2e: {  	s3 =	simm.s32 @!p0 $0x1082;
	s9 =	sld [smem:$0x3FB3]  }
0x2f: {  	lr =	sadd.s32 s0, s3;
	s0 =	sld [smem:$0x3FAA]  }
0x30: {  	s3 =	sld [smem:$0x3FAD]  }
0x31: {  	[smem:$0x3FB6] =	sst s10  }
0x32: {  	s10 =	sld [smem:$0x3FB4];
	_ =	sdelay $0x3  }
0x33: {  	p0 =	seq.s32 s10, $0x1;
	s10 =	sld [smem:$0x3FB6];
	_ =	sdelay $0x3  }
0x34: {  	[smem:$0x3FB6] =	sst s10  }
0x35: {  	s10 =	sld [smem:$0x3FB5];
	_ =	sdelay $0x3  }
0x36: {  	p1 =	seq.s32 s10, $0x1;
	s10 =	sld [smem:$0x3FB6];
	_ =	sdelay $0x3  }
0x37: {  	[smem:$0x3FB6] =	sst s10  }
0x38: {  	s10 =	sld [smem:$0x3FB7]  }
0x39: {  	_ = 	snop;
	(pc) =	sbr.ind lr, $3  }
0x3a: {  	_ = 	snop  }
0x3b: {  	_ = 	snop  }
0x3c: {  	p2 =	seq.s32 s10, $0x1;
	s10 =	sld [smem:$0x3FB6]  }
0x3d: {  	_ =	shalt  }
0x3e: {  	_ =	shalt  }
0x3f: {  	_ =	shalt  }
0x40: {  	_ =	shalt  }
0x41: {  	_ =	shalt  }
0x42: {  	_ =	shalt  }
0x43: {  	_ =	shalt  }
0x44: {  	_ =	shalt  }
0x45: {  	_ =	shalt  }
0x46: {  	_ =	shalt  }
0x47: {  	_ =	shalt  }
0x48: {  	_ =	shalt  }
0x49: {  	_ =	shalt  }
0x4a: {  	_ =	shalt  }
0x4b: {  	_ =	shalt  }
0x4c: {  	_ =	shalt  }
0x4d: {  	_ =	shalt  }
0x4e: {  	_ =	shalt  }
0x4f: {  	_ =	shalt  }
0x50: {  	_ =	shalt  }
0x51: {  	_ =	shalt  }
0x52: {  	_ =	shalt  }
0x53: {  	_ =	shalt  }
0x54: {  	_ =	shalt  }
0x55: {  	_ =	shalt  }
0x56: {  	_ =	shalt  }
0x57: {  	_ =	shalt  }
0x58: {  	_ =	shalt  }
0x59: {  	_ =	shalt  }
0x5a: {  	_ =	shalt  }
0x5b: {  	_ =	shalt  }
0x5c: {  	_ =	shalt  }
0x5d: {  	_ =	shalt  }
0x5e: {  	_ =	shalt  }
0x5f: {  	_ =	shalt  }
0x60: {  	_ =	shalt  }
0x61: {  	_ =	shalt  }
0x62: {  	_ =	shalt  }
0x63: {  	_ =	shalt  }
0x64: {  	_ =	shalt  }
0x65: {  	_ =	shalt  }
0x66: {  	_ =	shalt  }
0x67: {  	_ =	shalt  }
0x68: {  	_ =	shalt  }
0x69: {  	_ =	shalt  }
0x6a: {  	_ =	shalt  }
0x6b: {  	_ =	shalt  }
0x6c: {  	_ =	shalt  }
0x6d: {  	_ =	shalt  }
0x6e: {  	_ =	shalt  }
0x6f: {  	_ =	shalt  }
0x70: {  	_ =	shalt  }
0x71: {  	_ =	shalt  }
0x72: {  	_ =	shalt  }
0x73: {  	_ =	shalt  }
0x74: {  	_ =	shalt  }
0x75: {  	_ =	shalt  }
0x76: {  	_ =	shalt  }
0x77: {  	_ =	shalt  }
0x78: {  	_ =	shalt  }
0x79: {  	_ =	shalt  }
0x7a: {  	_ =	shalt  }
0x7b: {  	_ =	shalt  }
0x7c: {  	_ =	shalt  }
0x7d: {  	_ =	shalt  }
0x7e: {  	_ =	shalt  }
0x7f: {  	_ =	shalt  }
0x80: {  	_ =	shalt  }
0x81: {  	_ =	shalt  }
0x82: {  	_ =	shalt  }
0x83: {  	_ =	shalt  }
0x84: {  	_ =	shalt  }
0x85: {  	_ =	shalt  }
0x86: {  	_ =	shalt  }
0x87: {  	_ =	shalt  }
.Lfunc_end0:
.L_simem_size_0:
called_computation.1_lowered:
.L_overlay_start_0:
0x88: {  	s2 =	sld [smem:$0x3FD9]  }
0x89: {  	s3 =	sld [smem:$0x3FFE];
	_ =	sdelay $0x1  }
0x8a: {  	s1 =	srdreg.scid  }
0x8b: {  	s0 =	sand.u32 $0x1, s1  }
0x8c: {  	s17 =	sshll.u32 s0, $0xA;
	s2 =	sadd.s32 s3, s2  }
0x8d: {  	s2 =	sadd.s32 s2, s17  }
0x8e: {  	[smem:$0x3FC2] =	sst s2  }
0x8f: {  	_ = 	snop  }
0x90: {  	s2 =	sld [smem:$0x3FD0];
	(tm) =	ssettm $0x1  }
0x91: {  	s18 =	sld [smem:$0x3FFB];
	_ =	sdelay $0x3  }
0x92: {  	_ =	strace s18  }
0x93: {  	s3 =	sld [smem:$0x3FFC];
	_ =	sdelay $0x3  }
0x94: {  	_ =	strace s3  }
0x95: {  	s3 =	sld [smem:$0x3FFD];
	_ =	sdelay $0x3  }
0x96: {  	_ =	strace s3  }
0x97: {  	_ =	strace $0x8FFFFFFF  }
0x98: {  	s19 =	sld [smem:$0x3FDB];
	_ =	sdelay $0x1  }
0x99: {  	s4 =	simm.s32 $_scs_section_size  }
0x9a: {  	s5 =	simm.s32 $_size__tile_overlayer_lowered;
	s6 =	simm.s32 $_tile_overlayer_lowered  }
0x9b: {  	s22 =	simm.s32 $0x1BFF;
	s21 =	sshll.u32 s6, $0x1;
	s3 =	sadd.s32 s4, s19  }
0x9c: {  	s7 =	simm.s32 $0x0;
	s20 =	sshll.u32 s5, $0x1;
	s5 =	sadd.s32 s21, s3  }
0x9d: {  	[timem:s7], [sflag:s22] =	dma.local [hbm:s5], s20  }
0x9e: {  	_ =	swait.ge [sflag:s22], s20  }
0x9f: {  	s4 =	ssub.s32 $0x0, s20;
	[sflag:s22] =	ssyncset.done $0x0  }
0xa0: {  	[sflag:s22] =	ssyncadd.s32 s4;
	_ =	sdelay $0x1  }
0xa1: {  	s23 =	simm.s32 $0x1B8B  }
0xa2: {  	_ =	swait.ge [sflag:s23], $0x1  }
0xa3: {  	[sflag:s23] =	ssyncset.done $0x0  }
0xa4: {  	s25 =	simm.s32 $0x1B8E;
	s24 =	sld [smem:$0x3FFE];
	[sflag:s23] =	ssyncadd.s32 $0xFFFFFFFF  }
0xa5: {  	s26 =	simm.s32 $execute0_lowered;
	[smem:$0x3FD2] =	sst s25  }
0xa6: {  	s5 =	sshll.u32 s26, $0x1;
	_ =	strace $0x80000049;
	[dreg:$0x1] =	wrdreg $0xFFFFFFFF  }
0xa7: {  	s28 =	simm.s32 $_size_execute0_lowered;
	s3 =	sadd.s32 s3, s5;
	[dreg:$0x0] =	wrdreg $0x0  }
0xa8: {  	s5 =	sshll.u32 s28, $0x1;
	[dreg:$0x2] =	wrdreg s3  }
0xa9: {  	[dreg:$0x3] =	wrdreg s5  }
0xaa: {  	[dreg:$0x4] =	wrdreg $0xC0  }
0xab: {  	_ =	task [dreg:s7], $0x5FFFF  }
0xac: {  	[dreg:$0x1] =	wrdreg $0xFFFFFFFF  }
0xad: {  	[dreg:$0x0] =	wrdreg $0x60  }
0xae: {  	[dreg:$0x2] =	wrdreg s24  }
0xaf: {  	[dreg:$0x3] =	wrdreg s2  }
0xb0: {  	[dreg:$0x4] =	wrdreg $0xA8000  }
0xb1: {  	[dreg:$0x5] =	wrdreg $0x9  }
0xb2: {  	_ =	task.clear_ibuf [dreg:s7], $0x6FFFF;
	_ =	strace $0x90000049  }
0xb3: {  	s29 =	simm.s32 $0x9;
	_ =	strace $0x8000004B  }
0xb4: {  	_ =	swait.ge [sflag:s29], $0x1  }
0xb5: {  	[sflag:s29] =	ssyncadd.s32 $0xFFFFFFFF  }
0xb6: {  	_ =	strace $0x9000004B  }
0xb7: {  	_ =	sfence  }
0xb8: {  	s30 =	sld [smem:$0x0];
	_ =	sdelay $0x2  }
0xb9: {  	s31 =	sshll.u32 s1, $0xD;
	s1 =	sshrl.u32 s1, $0x2  }
0xba: {  	s3 =	sand.u32 $0x4000, s31;
	s1 =	sadd.s32 s1, s30  }
0xbb: {  	s0 =	sor.u32 s3, s0;
	s1 =	sshll.u32 s1, $0x11  }
0xbc: {  	s0 =	sor.u32 s1, s0  }
0xbd: {  	s0 =	sadd.s32 $0x8F2B, s0  }
0xbe: {  	[sflag:s0] =	ssyncadd.remote.s32 $0x1  }
0xbf: {  	_ =	sfence.sel $0xFFFF  }
0xc0: {  	[dreg:$0x0] =	wrdreg $0xFFFFFFFF;
	(pc) =	sbr.abs _section_cstart, $3  }
0xc1: {  	[dreg:$0x1] =	wrdreg $0xFFFFFFFF  }
0xc2: {  	_ =	task.clear_ibuf [dreg:s7], $0x2FFFF;
	_ =	strace $0x9FFFFFFF  }
0xc3: {  	(tm) =	ssettm $0x7FFFFFFF  }
tec
execute0_lowered:
.L_overlay_start_1:
0x0: {  	(tag) =	ssettag $0x1  }
0x1: {  	s5 =	rddreg [dreg:$0x0]  }
0x2: {  	s8 =	rddreg [dreg:$0x1]  }
0x3: {  	s1 =	rddreg [dreg:$0x2]  }
0x4: {  	s2 =	srdreg.scid;
	s0 =	rddreg [dreg:$0x3]  }
0x5: {  	s3 =	simm.s32 $0x0;
	s16 =	simm.s32 $0x80;
	s17 =	simm.s32 $0x2800  }
0x6: {  	s18 =	simm.s32 $0x6800;
	s19 =	simm.s32 $0x1;
	s20 =	simm.s32 $0x2  }
0x7: {  	s21 =	simm.s32 $0x3;
	s22 =	simm.s32 $0x4;
	s23 =	simm.s32 $0x2700  }
0x8: {  	s6 =	sand.u32 $0x1, s2;
	s2 =	stileid.u32;
	[smem:$0x7FF] =	sst s3  }
0x9: {  	s4 =	sadd.s32 $0x33C00, s5;
	s10 =	sadd.s32 $0x2400, s5;
	s7 =	smul.u32 $0x13C000, s6  }
0xa: {  	s11 =	sadd.s32 $0x5B400, s5;
	s9 =	smul.u32 $0x13C00, s2;
	_ =	strace $0x8000004A  }
0xb: {  	s24 =	ssub.s32 $0x2, s6;
	s12 =	sshll.u32 s2, $0x1;
	s14 =	smul.u32 $0x4F000, s2  }
0xc: {  	p0 =	seq.s32 s6, $0x1;
	s29 =	smul.u32 $0x2780, s2;
	s31 =	sshll.u32 s2, $0x6  }
0xd: {  	s13 =	sshrl.u32 s24, $0x1;
	s12 =	sor.u32 s6, s12;
	s7 =	sadd.s32 s9, s7  }
0xe: {  	s13 =	ssub.s32 s24, s13;
	s25 =	smul.u32 $0x2800, s12;
	s26 =	sshrl.u32 s14, $0x2  }
0xf: {  	s28 =	smul.u32 $0x500, s12;
	s12 =	sor.u32 $0x1C05, s31;
	s24 =	simm.s32 $0x2780  }
0x10: {  	s7 =	sshrl.u32 s7, $0x3;
	s14 =	sadd.s32 s26, s1;
	s30 =	sshrl.u32 s25, $0x3  }
0x11: {  	s15 =	sadd.s32 s7, s5;
	s6 =	sadd.s32 s8, s28;
	s9 =	sadd.s32 $0x280, s30  }
0x12: {  	s25 =	simm.s32 $0x0;
	s5 =	sadd.s32 s10, s30;
	s7 =	sadd.s32 s10, s9  }
0x13: {  	s8 =	sadd.s32 s8, s9;
	s9 =	sadd.s32 $0x82C00, s15;
	s15 =	smov.u32 s4  }
0x14: {  	s10 =	smax.u32 s13, $0x1;
	s13 =	sshrl.u32 s14, $0x3;
	s15 =	smov.u32 @p0 s11  }
0x15: {  	s14 =	simm.s32 $0x5;
	s11 =	sadd.s32 s15, s29;
	s15 =	simm.s32 $0x1400  }
.LBB2_1:
0x16: {  	[spmem:s13], [sflag:s12] =	dma.local [hbm:s11], $0x2780  }
0x17: {  	_ =	swait.ge [sflag:s14], $0x2780  }
0x18: {  	[sflag:s14] =	ssyncset.done $0x0  }
0x19: {  	[sflag:s14] =	ssyncadd.s32 $0xFFFFD880  }
0x1a: {  	[bflag:$0x0] =	sbarrier.arrive $0xFFFF  }
0x1b: {  	[tilespmem:s3], [sflag:$0x5] =	stream.linear.gather [hbm4b:s5+s3], $0x1400, $0x38;
	[tilespmem:$0x1E400] =	vst v63  }
0x1c: {  	_ =	swait.ge [sflag:s14], $0x1400  }
0x1d: {  	[sflag:s14] =	ssyncset.done $0x0  }
0x1e: {  	[sflag:s14] =	ssyncadd.s32 $0xFFFFEC00  }
0x1f: {  	[tilespmem:s15], [sflag:$0x5] =	stream.linear.gather [hbm4b:s6+s3], $0x1400, $0x38;
	[tilespmem:$0x1E400] =	vst v63  }
0x20: {  	_ =	swait.ge [sflag:s14], $0x1400  }
0x21: {  	[sflag:s14] =	ssyncset.done $0x0  }
0x22: {  	[sflag:s14] =	ssyncadd.s32 $0xFFFFEC00  }
0x23: {  	[tilespmem:s17], [sflag:$0x1] =	stream.indirect.gather [hbm4b:s4+s16], $0x80, s3, s16, $0xb8;
	[tilespmem:$0x1E400] =	vst v63  }
0x24: {  	_ = 	snop  }
0x25: {  	[tilespmem:s18], [sflag:$0x2] =	stream.indirect.gather [hbm4b:s4+s16], $0x80, s16, s16, $0xb8;
	[tilespmem:$0x1E400] =	vst v63  }
0x26: {  	_ =	swait.ge [sflag:s19], $0x4000  }
0x27: {  	[sflag:s19] =	ssyncset.done $0x0  }
0x28: {  	s26 =	simm.s32 $0x1400;
	[sflag:s19] =	ssyncadd.s32 $0xFFFFC000  }
0x29: {  	[spmem:s1] =	stream.indirect.scatter.add.f32 [tilespmem:s17], [sflag:$0x3], $0x80, s26, s16, $0xb8;
	[tilespmem:$0x1E400] =	vst v63  }
0x2a: {  	_ =	swait.ge [sflag:s20], $0x4000  }
0x2b: {  	[sflag:s20] =	ssyncset.done $0x0  }
0x2c: {  	s30 =	simm.s32 $0x1480;
	[sflag:s20] =	ssyncadd.s32 $0xFFFFC000  }
0x2d: {  	[spmem:s1] =	stream.indirect.scatter.add.f32 [tilespmem:s18], [sflag:$0x4], $0x80, s30, s16, $0xb8;
	[tilespmem:$0x1E400] =	vst v63  }
0x2e: {  	_ =	swait.ge [sflag:s21], $0x4000  }
0x2f: {  	[sflag:s21] =	ssyncset.done $0x0  }
0x30: {  	s31 =	simm.s32 $0x100;
	[sflag:s21] =	ssyncadd.s32 $0xFFFFC000  }
0x31: {  	[tilespmem:s17], [sflag:$0x1] =	stream.indirect.gather [hbm4b:s4+s16], $0x80, s31, s16, $0xb8;
	[tilespmem:$0x1E400] =	vst v63  }
0x32: {  	_ =	swait.ge [sflag:s22], $0x4000  }
0x33: {  	[sflag:s22] =	ssyncset.done $0x0  }
0x34: {  	s28 =	simm.s32 $0x180;
	s26 =	simm.s32 $0x400;
	[sflag:s22] =	ssyncadd.s32 $0xFFFFC000  }
.LBB2_2:
0x35: {  	[tilespmem:s18], [sflag:$0x2] =	stream.indirect.gather [hbm4b:s4+s16], $0x80, s28, s16, $0xb8;
	[tilespmem:$0x1E400] =	vst v63  }
0x36: {  	s28 =	smov.u32 s26  }
0x37: {  	p0 =	sne.s32 s26, $0x4800;
	s26 =	sadd.s32 $0x400, s26;
	_ =	swait.ge [sflag:s19], $0x4000  }
0x38: {  	s28 =	sshra.s32 s28, $0x2;
	[sflag:s19] =	ssyncset.done $0x0  }
0x39: {  	s29 =	sadd.s32 $0x1400, s28;
	[sflag:s19] =	ssyncadd.s32 $0xFFFFC000  }
0x3a: {  	[spmem:s1] =	stream.indirect.scatter.add.f32 [tilespmem:s17], [sflag:$0x3], $0x80, s29, s16, $0xb8;
	[tilespmem:$0x1E400] =	vst v63  }
0x3b: {  	_ =	swait.ge [sflag:s20], $0x4000  }
0x3c: {  	[sflag:s20] =	ssyncset.done $0x0  }
0x3d: {  	s29 =	sadd.s32 $0x1480, s28;
	[sflag:s20] =	ssyncadd.s32 $0xFFFFC000  }
0x3e: {  	[spmem:s1] =	stream.indirect.scatter.add.f32 [tilespmem:s18], [sflag:$0x4], $0x80, s29, s16, $0xb8;
	[tilespmem:$0x1E400] =	vst v63  }
0x3f: {  	_ =	swait.ge [sflag:s21], $0x4000  }
0x40: {  	[sflag:s21] =	ssyncset.done $0x0  }
.Ltmp0:
0x41: {  	s29 =	sadd.s32 $0x100, s28;
	[sflag:s21] =	ssyncadd.s32 $0xFFFFC000;
	(pc) =	sbr.rel @p0 .LBB2_2-.Ltmp0, $4  }
0x42: {  	[tilespmem:s17], [sflag:$0x1] =	stream.indirect.gather [hbm4b:s4+s16], $0x80, s29, s16, $0xb8;
	[tilespmem:$0x1E400] =	vst v63  }
0x43: {  	_ =	swait.ge [sflag:s22], $0x4000  }
0x44: {  	[sflag:s22] =	ssyncset.done $0x0  }
0x45: {  	s28 =	sadd.s32 $0x180, s28;
	[sflag:s22] =	ssyncadd.s32 $0xFFFFC000  }
0x46: {  	[tilespmem:s18], [sflag:$0x2] =	stream.indirect.gather [hbm4b:s4+s16], $0x80, s28, s16, $0xb8;
	[tilespmem:$0x1E400] =	vst v63  }
0x47: {  	_ =	swait.ge [sflag:s19], $0x4000  }
0x48: {  	[sflag:s19] =	ssyncset.done $0x0  }
0x49: {  	[sflag:s19] =	ssyncadd.s32 $0xFFFFC000  }
0x4a: {  	[spmem:s1] =	stream.indirect.scatter.add.f32 [tilespmem:s17], [sflag:$0x3], $0x80, s23, s16, $0xb8;
	[tilespmem:$0x1E400] =	vst v63  }
0x4b: {  	_ =	swait.ge [sflag:s20], $0x4000  }
0x4c: {  	[sflag:s20] =	ssyncset.done $0x0  }
0x4d: {  	[sflag:s20] =	ssyncadd.s32 $0xFFFFC000  }
0x4e: {  	[spmem:s1] =	stream.indirect.scatter.add.f32 [tilespmem:s18], [sflag:$0x4], $0x80, s24, s16, $0xb8;
	[tilespmem:$0x1E400] =	vst v63  }
0x4f: {  	_ =	swait.ge [sflag:s21], $0x4000  }
0x50: {  	[sflag:s21] =	ssyncset.done $0x0  }
0x51: {  	[sflag:s21] =	ssyncadd.s32 $0xFFFFC000  }
0x52: {  	_ =	swait.ge [sflag:s22], $0x4000  }
0x53: {  	[sflag:s22] =	ssyncset.done $0x0  }
0x54: {  	s26 =	simm.s32 $0x0;
	[sflag:s22] =	ssyncadd.s32 $0xFFFFC000  }
0x55: {  	[tilespmem:s26], [sflag:$0x5] =	stream.linear.gather [hbm4b:s7+s26], $0x1400, $0x38;
	[tilespmem:$0x1E400] =	vst v63  }
0x56: {  	_ =	swait.ge [sflag:s14], $0x1400  }
0x57: {  	[sflag:s14] =	ssyncset.done $0x0  }
0x58: {  	[sflag:s14] =	ssyncadd.s32 $0xFFFFEC00  }
0x59: {  	[tilespmem:s15], [sflag:$0x5] =	stream.linear.gather [hbm4b:s8+s26], $0x1400, $0x38;
	[tilespmem:$0x1E400] =	vst v63  }
0x5a: {  	_ =	swait.ge [sflag:s14], $0x1400  }
0x5b: {  	[sflag:s14] =	ssyncset.done $0x0  }
0x5c: {  	[sflag:s14] =	ssyncadd.s32 $0xFFFFEC00  }
0x5d: {  	[tilespmem:s17], [sflag:$0x1] =	stream.indirect.gather [hbm4b:s4+s16], $0x80, s26, s16, $0xb8;
	[tilespmem:$0x1E400] =	vst v63  }
0x5e: {  	_ = 	snop  }
0x5f: {  	[tilespmem:s18], [sflag:$0x2] =	stream.indirect.gather [hbm4b:s4+s16], $0x80, s16, s16, $0xb8;
	[tilespmem:$0x1E400] =	vst v63  }
0x60: {  	_ =	swait.ge [sflag:s19], $0x4000  }
0x61: {  	[sflag:s19] =	ssyncset.done $0x0  }
0x62: {  	s29 =	simm.s32 $0x1400;
	[sflag:s19] =	ssyncadd.s32 $0xFFFFC000  }
0x63: {  	[spmem:s1] =	stream.indirect.scatter.add.f32 [tilespmem:s17], [sflag:$0x3], $0x80, s29, s16, $0xb8;
	[tilespmem:$0x1E400] =	vst v63  }
0x64: {  	_ =	swait.ge [sflag:s20], $0x4000  }
0x65: {  	[sflag:s20] =	ssyncset.done $0x0  }
0x66: {  	s30 =	simm.s32 $0x1480;
	[sflag:s20] =	ssyncadd.s32 $0xFFFFC000  }
0x67: {  	[spmem:s1] =	stream.indirect.scatter.add.f32 [tilespmem:s18], [sflag:$0x4], $0x80, s30, s16, $0xb8;
	[tilespmem:$0x1E400] =	vst v63  }
0x68: {  	_ =	swait.ge [sflag:s21], $0x4000  }
0x69: {  	[sflag:s21] =	ssyncset.done $0x0  }
0x6a: {  	s31 =	simm.s32 $0x100;
	[sflag:s21] =	ssyncadd.s32 $0xFFFFC000  }
0x6b: {  	[tilespmem:s17], [sflag:$0x1] =	stream.indirect.gather [hbm4b:s4+s16], $0x80, s31, s16, $0xb8;
	[tilespmem:$0x1E400] =	vst v63  }
0x6c: {  	_ =	swait.ge [sflag:s22], $0x4000  }
0x6d: {  	[sflag:s22] =	ssyncset.done $0x0  }
0x6e: {  	s28 =	simm.s32 $0x180;
	s26 =	simm.s32 $0x400;
	[sflag:s22] =	ssyncadd.s32 $0xFFFFC000  }
.LBB2_4:
0x6f: {  	[tilespmem:s18], [sflag:$0x2] =	stream.indirect.gather [hbm4b:s4+s16], $0x80, s28, s16, $0xb8;
	[tilespmem:$0x1E400] =	vst v63  }
0x70: {  	s28 =	smov.u32 s26  }
0x71: {  	p0 =	sne.s32 s26, $0x4800;
	s26 =	sadd.s32 $0x400, s26;
	_ =	swait.ge [sflag:s19], $0x4000  }
0x72: {  	s28 =	sshra.s32 s28, $0x2;
	[sflag:s19] =	ssyncset.done $0x0  }
0x73: {  	s29 =	sadd.s32 $0x1400, s28;
	[sflag:s19] =	ssyncadd.s32 $0xFFFFC000  }
0x74: {  	[spmem:s1] =	stream.indirect.scatter.add.f32 [tilespmem:s17], [sflag:$0x3], $0x80, s29, s16, $0xb8;
	[tilespmem:$0x1E400] =	vst v63  }
0x75: {  	_ =	swait.ge [sflag:s20], $0x4000  }
0x76: {  	[sflag:s20] =	ssyncset.done $0x0  }
0x77: {  	s29 =	sadd.s32 $0x1480, s28;
	[sflag:s20] =	ssyncadd.s32 $0xFFFFC000  }
0x78: {  	[spmem:s1] =	stream.indirect.scatter.add.f32 [tilespmem:s18], [sflag:$0x4], $0x80, s29, s16, $0xb8;
	[tilespmem:$0x1E400] =	vst v63  }
0x79: {  	_ =	swait.ge [sflag:s21], $0x4000  }
0x7a: {  	[sflag:s21] =	ssyncset.done $0x0  }
.Ltmp1:
0x7b: {  	s29 =	sadd.s32 $0x100, s28;
	[sflag:s21] =	ssyncadd.s32 $0xFFFFC000;
	(pc) =	sbr.rel @p0 .LBB2_4-.Ltmp1, $4  }
0x7c: {  	[tilespmem:s17], [sflag:$0x1] =	stream.indirect.gather [hbm4b:s4+s16], $0x80, s29, s16, $0xb8;
	[tilespmem:$0x1E400] =	vst v63  }
0x7d: {  	_ =	swait.ge [sflag:s22], $0x4000  }
0x7e: {  	[sflag:s22] =	ssyncset.done $0x0  }
0x7f: {  	s28 =	sadd.s32 $0x180, s28;
	[sflag:s22] =	ssyncadd.s32 $0xFFFFC000  }
0x80: {  	[tilespmem:s18], [sflag:$0x2] =	stream.indirect.gather [hbm4b:s4+s16], $0x80, s28, s16, $0xb8;
	[tilespmem:$0x1E400] =	vst v63  }
0x81: {  	_ =	swait.ge [sflag:s19], $0x4000  }
0x82: {  	[sflag:s19] =	ssyncset.done $0x0  }
0x83: {  	[sflag:s19] =	ssyncadd.s32 $0xFFFFC000  }
0x84: {  	[spmem:s1] =	stream.indirect.scatter.add.f32 [tilespmem:s17], [sflag:$0x3], $0x80, s23, s16, $0xb8;
	[tilespmem:$0x1E400] =	vst v63  }
0x85: {  	_ =	swait.ge [sflag:s20], $0x4000  }
0x86: {  	[sflag:s20] =	ssyncset.done $0x0  }
0x87: {  	[sflag:s20] =	ssyncadd.s32 $0xFFFFC000  }
0x88: {  	[spmem:s1] =	stream.indirect.scatter.add.f32 [tilespmem:s18], [sflag:$0x4], $0x80, s24, s16, $0xb8;
	[tilespmem:$0x1E400] =	vst v63  }
0x89: {  	_ =	swait.ge [sflag:s21], $0x4000  }
0x8a: {  	[sflag:s21] =	ssyncset.done $0x0  }
0x8b: {  	[sflag:s21] =	ssyncadd.s32 $0xFFFFC000  }
0x8c: {  	_ =	swait.ge [sflag:s22], $0x4000  }
0x8d: {  	s25 =	sadd.s32 $0x1, s25;
	[sflag:s22] =	ssyncset.done $0x0  }
0x8e: {  	p0 =	sne.s32 s25, s10;
	[sflag:s22] =	ssyncadd.s32 $0xFFFFC000  }
.Ltmp2:
0x8f: {  	[bflag:$0x0] =	sbarrier.arrive $0xFFFF;
	(pc) =	sbr.rel @p0 .LBB2_1-.Ltmp2, $4  }
0x90: {  	[hbm:s9], [sflag:s12] =	dma.local [spmem:s13], $0x2780  }
0x91: {  	_ =	swait.ge [sflag:s14], $0x2780  }
0x92: {  	[sflag:s14] =	ssyncset.done $0x0  }
0x93: {  	[sflag:s14] =	ssyncadd.s32 $0xFFFFD880  }
0x94: {  	_ =	sfence.sel $0x180000  }
0x95: {  	[bflag:$0x0] =	sbarrier.arrive $0xFFFF  }
0x96: {  	p0 =	sne.s32 s2, $0x0;
	_ =	strace $0x9000004A  }
0x97: {  	s0 =	sadd.s32 @!p0 $0x100000, s0;
	[bflag:$0x2] =	sbarrier.arrive $0xFFFF  }
0x98: {  	[sflag:s0] =	ssyncadd.tile.s32 @!p0 $0x1;
	_ =	shalt  }
.Lfunc_end2:
_tile_overlayer_lowered:
.L_overlay_start_2:
0x99: {  	(tag) =	ssettag $0x2  }
0x9a: {  	s0 =	rddreg [dreg:$0x0];
	s2 =	stileid.u32  }
0x9b: {  	s1 =	rddreg [dreg:$0x1];
	p0 =	sne.s32 s2, $0x0  }
0x9c: {  	s3 =	rddreg [dreg:$0x2];
	[bflag:$0x3] =	sbarrier.arrive $0xFFFF;
	s2 =	simm.s32 @!p0 $0x1C05  }
0x9d: {  	[timem:s3], [sflag:s2] =	dma.local @!p0 [hbm:s0], s1  }
0x9e: {  	s0 =	simm.s32 @!p0 $0x5  }
0x9f: {  	_ =	swait.ge @!p0 [sflag:s0], s1  }
0xa0: {  	s1 =	ssub.s32 @!p0 $0x0, s1;
	[sflag:s0] =	ssyncset.done @!p0 $0x0  }
0xa1: {  	[sflag:s0] =	ssyncadd.s32 @!p0 s1  }
0xa2: {  	[bflag:$0x3] =	sbarrier.arrive $0xFFFF  }
0xa3: {  	_ =	shalt  }

// kernel: kernel.14.cloned.1.call-start
scs
__scs_entry_jumppad:
0x0: {  	(pc) =	sbr.rel $0x88, $3  }
0x1: {  	(tag) =	ssettag $0x0;
	lr =	simm.s32 $0x1  }
0x2: {  	[smem:$0x3F9B] =	sst lr;
	_ =	strace $0xD0000000  }
0x3: {  	_ = 	snop  }
0x4: {  	_ = 	snop  }
0x5: {  	_ = 	snop  }
0x6: {  	_ = 	snop  }
0x7: {  	_ = 	snop  }
__scs_overlays_trampoline_lowered:
0x8: {  	[smem:$0x3FAA] =	sst s0  }
0x9: {  	[smem:$0x3FAB] =	sst s1  }
0xa: {  	[smem:$0x3FAC] =	sst s2  }
0xb: {  	[smem:$0x3FAD] =	sst s3  }
0xc: {  	[smem:$0x3FAE] =	sst s4  }
0xd: {  	[smem:$0x3FAF] =	sst s5  }
0xe: {  	[smem:$0x3FB0] =	sst s6  }
0xf: {  	[smem:$0x3FB1] =	sst s7  }
0x10: {  	[smem:$0x3FB2] =	sst s8  }
0x11: {  	[smem:$0x3FB3] =	sst s9;
	s0 =	simm.s32 @!p0 $0x0  }
0x12: {  	s1 =	sld [smem:$0x3F99];
	s0 =	simm.s32 @p0 $0x1  }
0x13: {  	[smem:$0x3FB4] =	sst s0;
	s0 =	simm.s32 @!p1 $0x0  }
0x14: {  	s2 =	sld [smem:$0x3F98];
	s0 =	simm.s32 @p1 $0x1  }
0x15: {  	[smem:$0x3FB5] =	sst s0;
	s0 =	simm.s32 @!p2 $0x0  }
0x16: {  	s3 =	sld [smem:$0x3FDB];
	s0 =	simm.s32 @p2 $0x1  }
0x17: {  	s4 =	simm.s32 $0x1BF5;
	[smem:$0x3FB7] =	sst s0  }
0x18: {  	s0 =	sld [smem:$0x3F9A];
	_ =	swait.ge [sflag:s4], $0x0  }
0x19: {  	s7 =	sld [smem:$0x3F9B]  }
0x1a: {  	s8 =	sadd.s32 $0xFFFFE003, lr  }
0x1b: {  	s9 =	sadd.s32 $0xFFFFFEF7, lr;
	s5 =	simm.s32 $0xFFFFFFFF;
	p2 =	slt.u32 s8, $0xFFFFF086  }
0x1c: {  	p1 =	slt.u32 s9, $0xF7A;
	s5 =	simm.s32 @!p2 $0x0  }
0x1d: {  	s5 =	simm.s32 @p1 $0x1;
	p0 =	seq.s32 s7, s2  }
0x1e: {  	s7 =	smul.u32 @!p0 $0xF7A, s2;
	p2 =	seq.s32 @!p0 s5, $0x0  }
0x1f: {  	s9 =	smul.u32 $0xF7A, s1;
	s8 =	simm.s32 @!p0 $0x1BF5;
	p2 =	por !p2, p0  }
0x20: {  	[sflag:s8] =	ssyncset.s32 @!p0 $0xFFFFF086;
	s6 =	sadd.s32 @!p0 s3, s7;
	s7 =	simm.s32 @!p0 $0x108  }
0x21: {  	s3 =	sadd.s32 s3, s9;
	s6 =	sadd.s32 @!p0 $0x88, s6;
	s7 =	simm.s32 @p2 $0x1082  }
0x22: {  	[simem:s7], [sflag:s8] =	dma.local @!p0 [hbm:s6], $0xF7A  }
0x23: {  	s9 =	sor.u32 $0xD0000000, s2;
	s6 =	simm.s32 $0x108;
	_ =	swait.ge @!p0 [sflag:s8], $0x0  }
0x24: {  	s3 =	sadd.s32 $0x88, s3;
	s6 =	simm.s32 @!p1 $0x1082;
	[sflag:s4] =	ssyncset.s32 $0xFFFFF086  }
0x25: {  	[simem:s6], [sflag:s4] =	dma.local [hbm:s3], $0xF7A  }
0x26: {  	[smem:$0x3F9B] =	sst s1;
	(tag) =	ssettag s2;
	_ =	strace s9  }
0x27: {  	s1 =	sld [smem:$0x3FAB]  }
0x28: {  	s2 =	sld [smem:$0x3FAC]  }
0x29: {  	s4 =	sld [smem:$0x3FAE]  }
0x2a: {  	p0 =	seq.s32 s5, $0x0;
	s5 =	sld [smem:$0x3FAF]  }
0x2b: {  	s6 =	sld [smem:$0x3FB0]  }
0x2c: {  	s7 =	sld [smem:$0x3FB1]  }
0x2d: {  	s3 =	simm.s32 $0x108;
	s8 =	sld [smem:$0x3FB2]  }
0x2e: {  	s3 =	simm.s32 @!p0 $0x1082;
	s9 =	sld [smem:$0x3FB3]  }
0x2f: {  	lr =	sadd.s32 s0, s3;
	s0 =	sld [smem:$0x3FAA]  }
0x30: {  	s3 =	sld [smem:$0x3FAD]  }
0x31: {  	[smem:$0x3FB6] =	sst s10  }
0x32: {  	s10 =	sld [smem:$0x3FB4];
	_ =	sdelay $0x3  }
0x33: {  	p0 =	seq.s32 s10, $0x1;
	s10 =	sld [smem:$0x3FB6];
	_ =	sdelay $0x3  }
0x34: {  	[smem:$0x3FB6] =	sst s10  }
0x35: {  	s10 =	sld [smem:$0x3FB5];
	_ =	sdelay $0x3  }
0x36: {  	p1 =	seq.s32 s10, $0x1;
	s10 =	sld [smem:$0x3FB6];
	_ =	sdelay $0x3  }
0x37: {  	[smem:$0x3FB6] =	sst s10  }
0x38: {  	s10 =	sld [smem:$0x3FB7]  }
0x39: {  	_ = 	snop;
	(pc) =	sbr.ind lr, $3  }
0x3a: {  	_ = 	snop  }
0x3b: {  	_ = 	snop  }
0x3c: {  	p2 =	seq.s32 s10, $0x1;
	s10 =	sld [smem:$0x3FB6]  }
0x3d: {  	_ =	shalt  }
0x3e: {  	_ =	shalt  }
0x3f: {  	_ =	shalt  }
0x40: {  	_ =	shalt  }
0x41: {  	_ =	shalt  }
0x42: {  	_ =	shalt  }
0x43: {  	_ =	shalt  }
0x44: {  	_ =	shalt  }
0x45: {  	_ =	shalt  }
0x46: {  	_ =	shalt  }
0x47: {  	_ =	shalt  }
0x48: {  	_ =	shalt  }
0x49: {  	_ =	shalt  }
0x4a: {  	_ =	shalt  }
0x4b: {  	_ =	shalt  }
0x4c: {  	_ =	shalt  }
0x4d: {  	_ =	shalt  }
0x4e: {  	_ =	shalt  }
0x4f: {  	_ =	shalt  }
0x50: {  	_ =	shalt  }
0x51: {  	_ =	shalt  }
0x52: {  	_ =	shalt  }
0x53: {  	_ =	shalt  }
0x54: {  	_ =	shalt  }
0x55: {  	_ =	shalt  }
0x56: {  	_ =	shalt  }
0x57: {  	_ =	shalt  }
0x58: {  	_ =	shalt  }
0x59: {  	_ =	shalt  }
0x5a: {  	_ =	shalt  }
0x5b: {  	_ =	shalt  }
0x5c: {  	_ =	shalt  }
0x5d: {  	_ =	shalt  }
0x5e: {  	_ =	shalt  }
0x5f: {  	_ =	shalt  }
0x60: {  	_ =	shalt  }
0x61: {  	_ =	shalt  }
0x62: {  	_ =	shalt  }
0x63: {  	_ =	shalt  }
0x64: {  	_ =	shalt  }
0x65: {  	_ =	shalt  }
0x66: {  	_ =	shalt  }
0x67: {  	_ =	shalt  }
0x68: {  	_ =	shalt  }
0x69: {  	_ =	shalt  }
0x6a: {  	_ =	shalt  }
0x6b: {  	_ =	shalt  }
0x6c: {  	_ =	shalt  }
0x6d: {  	_ =	shalt  }
0x6e: {  	_ =	shalt  }
0x6f: {  	_ =	shalt  }
0x70: {  	_ =	shalt  }
0x71: {  	_ =	shalt  }
0x72: {  	_ =	shalt  }
0x73: {  	_ =	shalt  }
0x74: {  	_ =	shalt  }
0x75: {  	_ =	shalt  }
0x76: {  	_ =	shalt  }
0x77: {  	_ =	shalt  }
0x78: {  	_ =	shalt  }
0x79: {  	_ =	shalt  }
0x7a: {  	_ =	shalt  }
0x7b: {  	_ =	shalt  }
0x7c: {  	_ =	shalt  }
0x7d: {  	_ =	shalt  }
0x7e: {  	_ =	shalt  }
0x7f: {  	_ =	shalt  }
0x80: {  	_ =	shalt  }
0x81: {  	_ =	shalt  }
0x82: {  	_ =	shalt  }
0x83: {  	_ =	shalt  }
0x84: {  	_ =	shalt  }
0x85: {  	_ =	shalt  }
0x86: {  	_ =	shalt  }
0x87: {  	_ =	shalt  }
.Lfunc_end0:
.L_simem_size_0:
called_computation.2_lowered:
.L_overlay_start_0:
0x88: {  	s2 =	sld [smem:$0x3FD9]  }
0x89: {  	s3 =	sld [smem:$0x3FFE];
	_ =	sdelay $0x1  }
0x8a: {  	s1 =	srdreg.scid  }
0x8b: {  	s0 =	sand.u32 $0x1, s1  }
0x8c: {  	s17 =	sshll.u32 s0, $0xA;
	s2 =	sadd.s32 s3, s2  }
0x8d: {  	s2 =	sadd.s32 s2, s17  }
0x8e: {  	[smem:$0x3FC2] =	sst s2  }
0x8f: {  	_ = 	snop  }
0x90: {  	s2 =	sld [smem:$0x3FD0];
	(tm) =	ssettm $0x1  }
0x91: {  	s18 =	sld [smem:$0x3FFB];
	_ =	sdelay $0x3  }
0x92: {  	_ =	strace s18  }
0x93: {  	s3 =	sld [smem:$0x3FFC];
	_ =	sdelay $0x3  }
0x94: {  	_ =	strace s3  }
0x95: {  	s3 =	sld [smem:$0x3FFD];
	_ =	sdelay $0x3  }
0x96: {  	_ =	strace s3  }
0x97: {  	_ =	strace $0x8FFFFFFF  }
0x98: {  	s19 =	sld [smem:$0x3FDB];
	_ =	sdelay $0x1  }
0x99: {  	s4 =	simm.s32 $_scs_section_size  }
0x9a: {  	s5 =	simm.s32 $_size__tile_overlayer_lowered;
	s6 =	simm.s32 $_tile_overlayer_lowered  }
0x9b: {  	s22 =	simm.s32 $0x1BFF;
	s21 =	sshll.u32 s6, $0x1;
	s3 =	sadd.s32 s4, s19  }
0x9c: {  	s7 =	simm.s32 $0x0;
	s20 =	sshll.u32 s5, $0x1;
	s5 =	sadd.s32 s21, s3  }
0x9d: {  	[timem:s7], [sflag:s22] =	dma.local [hbm:s5], s20  }
0x9e: {  	_ =	swait.ge [sflag:s22], s20  }
0x9f: {  	s4 =	ssub.s32 $0x0, s20;
	[sflag:s22] =	ssyncset.done $0x0  }
0xa0: {  	[sflag:s22] =	ssyncadd.s32 s4;
	_ =	sdelay $0x1  }
0xa1: {  	s23 =	simm.s32 $0x1B8B  }
0xa2: {  	_ =	swait.ge [sflag:s23], $0x1  }
0xa3: {  	[sflag:s23] =	ssyncset.done $0x0  }
0xa4: {  	s25 =	simm.s32 $0x1B8E;
	s24 =	sld [smem:$0x3FFE];
	[sflag:s23] =	ssyncadd.s32 $0xFFFFFFFF  }
0xa5: {  	s26 =	simm.s32 $execute0_lowered;
	[smem:$0x3FD2] =	sst s25  }
0xa6: {  	s5 =	sshll.u32 s26, $0x1;
	_ =	strace $0x8000004C;
	[dreg:$0x1] =	wrdreg $0xFFFFFFFF  }
0xa7: {  	s28 =	simm.s32 $_size_execute0_lowered;
	s3 =	sadd.s32 s3, s5;
	[dreg:$0x0] =	wrdreg $0x0  }
0xa8: {  	s5 =	sshll.u32 s28, $0x1;
	[dreg:$0x2] =	wrdreg s3  }
0xa9: {  	[dreg:$0x3] =	wrdreg s5  }
0xaa: {  	[dreg:$0x4] =	wrdreg $0xC0  }
0xab: {  	_ =	task [dreg:s7], $0x5FFFF  }
0xac: {  	[dreg:$0x1] =	wrdreg $0xFFFFFFFF  }
0xad: {  	[dreg:$0x0] =	wrdreg $0x60  }
0xae: {  	[dreg:$0x2] =	wrdreg s24  }
0xaf: {  	[dreg:$0x3] =	wrdreg s2  }
0xb0: {  	[dreg:$0x4] =	wrdreg $0xA8000  }
0xb1: {  	[dreg:$0x5] =	wrdreg $0x9  }
0xb2: {  	_ =	task.clear_ibuf [dreg:s7], $0x6FFFF;
	_ =	strace $0x9000004C  }
0xb3: {  	s29 =	simm.s32 $0x9;
	_ =	strace $0x8000004E  }
0xb4: {  	_ =	swait.ge [sflag:s29], $0x1  }
0xb5: {  	[sflag:s29] =	ssyncadd.s32 $0xFFFFFFFF  }
0xb6: {  	_ =	strace $0x9000004E  }
0xb7: {  	_ =	sfence  }
0xb8: {  	s30 =	sld [smem:$0x0];
	_ =	sdelay $0x2  }
0xb9: {  	s31 =	sshll.u32 s1, $0xD;
	s1 =	sshrl.u32 s1, $0x2  }
0xba: {  	s3 =	sand.u32 $0x4000, s31;
	s1 =	sadd.s32 s1, s30  }
0xbb: {  	s0 =	sor.u32 s3, s0;
	s1 =	sshll.u32 s1, $0x11  }
0xbc: {  	s0 =	sor.u32 s1, s0  }
0xbd: {  	s0 =	sadd.s32 $0x8F2B, s0  }
0xbe: {  	[sflag:s0] =	ssyncadd.remote.s32 $0x1  }
0xbf: {  	_ =	sfence.sel $0xFFFF  }
0xc0: {  	[dreg:$0x0] =	wrdreg $0xFFFFFFFF;
	(pc) =	sbr.abs _section_cstart, $3  }
0xc1: {  	[dreg:$0x1] =	wrdreg $0xFFFFFFFF  }
0xc2: {  	_ =	task.clear_ibuf [dreg:s7], $0x2FFFF;
	_ =	strace $0x9FFFFFFF  }
0xc3: {  	(tm) =	ssettm $0x7FFFFFFF  }
tec
execute0_lowered:
.L_overlay_start_1:
0x0: {  	(tag) =	ssettag $0x1  }
0x1: {  	s5 =	rddreg [dreg:$0x0]  }
0x2: {  	s8 =	rddreg [dreg:$0x1]  }
0x3: {  	s1 =	rddreg [dreg:$0x2]  }
0x4: {  	s2 =	srdreg.scid;
	s0 =	rddreg [dreg:$0x3]  }
0x5: {  	s3 =	simm.s32 $0x0;
	s16 =	simm.s32 $0x80;
	s17 =	simm.s32 $0x2800  }
0x6: {  	s18 =	simm.s32 $0x6800;
	s19 =	simm.s32 $0x1;
	s20 =	simm.s32 $0x2  }
0x7: {  	s21 =	simm.s32 $0x3;
	s22 =	simm.s32 $0x4;
	s23 =	simm.s32 $0x2700  }
0x8: {  	s6 =	sand.u32 $0x1, s2;
	s2 =	stileid.u32;
	[smem:$0x7FF] =	sst s3  }
0x9: {  	s4 =	sadd.s32 $0x33C00, s5;
	s10 =	sadd.s32 $0x2400, s5;
	s7 =	smul.u32 $0x13C000, s6  }
0xa: {  	s11 =	sadd.s32 $0x5B400, s5;
	s9 =	smul.u32 $0x13C00, s2;
	_ =	strace $0x8000004D  }
0xb: {  	s24 =	ssub.s32 $0x2, s6;
	s12 =	sshll.u32 s2, $0x1;
	s14 =	smul.u32 $0x4F000, s2  }
0xc: {  	p0 =	seq.s32 s6, $0x1;
	s29 =	smul.u32 $0x2780, s2;
	s31 =	sshll.u32 s2, $0x6  }
0xd: {  	s13 =	sshrl.u32 s24, $0x1;
	s12 =	sor.u32 s6, s12;
	s7 =	sadd.s32 s9, s7  }
0xe: {  	s13 =	ssub.s32 s24, s13;
	s25 =	smul.u32 $0x2800, s12;
	s26 =	sshrl.u32 s14, $0x2  }
0xf: {  	s28 =	smul.u32 $0x500, s12;
	s12 =	sor.u32 $0x1C05, s31;
	s24 =	simm.s32 $0x2780  }
0x10: {  	s7 =	sshrl.u32 s7, $0x3;
	s14 =	sadd.s32 s26, s1;
	s30 =	sshrl.u32 s25, $0x3  }
0x11: {  	s15 =	sadd.s32 s7, s5;
	s6 =	sadd.s32 s8, s28;
	s9 =	sadd.s32 $0x280, s30  }
0x12: {  	s25 =	simm.s32 $0x0;
	s5 =	sadd.s32 s10, s30;
	s7 =	sadd.s32 s10, s9  }
0x13: {  	s8 =	sadd.s32 s8, s9;
	s9 =	sadd.s32 $0x82C00, s15;
	s15 =	smov.u32 s4  }
0x14: {  	s10 =	smax.u32 s13, $0x1;
	s13 =	sshrl.u32 s14, $0x3;
	s15 =	smov.u32 @p0 s11  }
0x15: {  	s14 =	simm.s32 $0x5;
	s11 =	sadd.s32 s15, s29;
	s15 =	simm.s32 $0x1400  }
.LBB2_1:
0x16: {  	[spmem:s13], [sflag:s12] =	dma.local [hbm:s11], $0x2780  }
0x17: {  	_ =	swait.ge [sflag:s14], $0x2780  }
0x18: {  	[sflag:s14] =	ssyncset.done $0x0  }
0x19: {  	[sflag:s14] =	ssyncadd.s32 $0xFFFFD880  }
0x1a: {  	[bflag:$0x0] =	sbarrier.arrive $0xFFFF  }
0x1b: {  	[tilespmem:s3], [sflag:$0x5] =	stream.linear.gather [hbm4b:s5+s3], $0x1400, $0x38;
	[tilespmem:$0x1E400] =	vst v63  }
0x1c: {  	_ =	swait.ge [sflag:s14], $0x1400  }
0x1d: {  	[sflag:s14] =	ssyncset.done $0x0  }
0x1e: {  	[sflag:s14] =	ssyncadd.s32 $0xFFFFEC00  }
0x1f: {  	[tilespmem:s15], [sflag:$0x5] =	stream.linear.gather [hbm4b:s6+s3], $0x1400, $0x38;
	[tilespmem:$0x1E400] =	vst v63  }
0x20: {  	_ =	swait.ge [sflag:s14], $0x1400  }
0x21: {  	[sflag:s14] =	ssyncset.done $0x0  }
0x22: {  	[sflag:s14] =	ssyncadd.s32 $0xFFFFEC00  }
0x23: {  	[tilespmem:s17], [sflag:$0x1] =	stream.indirect.gather [hbm4b:s4+s16], $0x80, s3, s16, $0xb8;
	[tilespmem:$0x1E400] =	vst v63  }
0x24: {  	_ = 	snop  }
0x25: {  	[tilespmem:s18], [sflag:$0x2] =	stream.indirect.gather [hbm4b:s4+s16], $0x80, s16, s16, $0xb8;
	[tilespmem:$0x1E400] =	vst v63  }
0x26: {  	_ =	swait.ge [sflag:s19], $0x4000  }
0x27: {  	[sflag:s19] =	ssyncset.done $0x0  }
0x28: {  	s26 =	simm.s32 $0x1400;
	[sflag:s19] =	ssyncadd.s32 $0xFFFFC000  }
0x29: {  	[spmem:s1] =	stream.indirect.scatter.add.f32 [tilespmem:s17], [sflag:$0x3], $0x80, s26, s16, $0xb8;
	[tilespmem:$0x1E400] =	vst v63  }
0x2a: {  	_ =	swait.ge [sflag:s20], $0x4000  }
0x2b: {  	[sflag:s20] =	ssyncset.done $0x0  }
0x2c: {  	s30 =	simm.s32 $0x1480;
	[sflag:s20] =	ssyncadd.s32 $0xFFFFC000  }
0x2d: {  	[spmem:s1] =	stream.indirect.scatter.add.f32 [tilespmem:s18], [sflag:$0x4], $0x80, s30, s16, $0xb8;
	[tilespmem:$0x1E400] =	vst v63  }
0x2e: {  	_ =	swait.ge [sflag:s21], $0x4000  }
0x2f: {  	[sflag:s21] =	ssyncset.done $0x0  }
0x30: {  	s31 =	simm.s32 $0x100;
	[sflag:s21] =	ssyncadd.s32 $0xFFFFC000  }
0x31: {  	[tilespmem:s17], [sflag:$0x1] =	stream.indirect.gather [hbm4b:s4+s16], $0x80, s31, s16, $0xb8;
	[tilespmem:$0x1E400] =	vst v63  }
0x32: {  	_ =	swait.ge [sflag:s22], $0x4000  }
0x33: {  	[sflag:s22] =	ssyncset.done $0x0  }
0x34: {  	s28 =	simm.s32 $0x180;
	s26 =	simm.s32 $0x400;
	[sflag:s22] =	ssyncadd.s32 $0xFFFFC000  }
.LBB2_2:
0x35: {  	[tilespmem:s18], [sflag:$0x2] =	stream.indirect.gather [hbm4b:s4+s16], $0x80, s28, s16, $0xb8;
	[tilespmem:$0x1E400] =	vst v63  }
0x36: {  	s28 =	smov.u32 s26  }
0x37: {  	p0 =	sne.s32 s26, $0x4800;
	s26 =	sadd.s32 $0x400, s26;
	_ =	swait.ge [sflag:s19], $0x4000  }
0x38: {  	s28 =	sshra.s32 s28, $0x2;
	[sflag:s19] =	ssyncset.done $0x0  }
0x39: {  	s29 =	sadd.s32 $0x1400, s28;
	[sflag:s19] =	ssyncadd.s32 $0xFFFFC000  }
0x3a: {  	[spmem:s1] =	stream.indirect.scatter.add.f32 [tilespmem:s17], [sflag:$0x3], $0x80, s29, s16, $0xb8;
	[tilespmem:$0x1E400] =	vst v63  }
0x3b: {  	_ =	swait.ge [sflag:s20], $0x4000  }
0x3c: {  	[sflag:s20] =	ssyncset.done $0x0  }
0x3d: {  	s29 =	sadd.s32 $0x1480, s28;
	[sflag:s20] =	ssyncadd.s32 $0xFFFFC000  }
0x3e: {  	[spmem:s1] =	stream.indirect.scatter.add.f32 [tilespmem:s18], [sflag:$0x4], $0x80, s29, s16, $0xb8;
	[tilespmem:$0x1E400] =	vst v63  }
0x3f: {  	_ =	swait.ge [sflag:s21], $0x4000  }
0x40: {  	[sflag:s21] =	ssyncset.done $0x0  }
.Ltmp0:
0x41: {  	s29 =	sadd.s32 $0x100, s28;
	[sflag:s21] =	ssyncadd.s32 $0xFFFFC000;
	(pc) =	sbr.rel @p0 .LBB2_2-.Ltmp0, $4  }
0x42: {  	[tilespmem:s17], [sflag:$0x1] =	stream.indirect.gather [hbm4b:s4+s16], $0x80, s29, s16, $0xb8;
	[tilespmem:$0x1E400] =	vst v63  }
0x43: {  	_ =	swait.ge [sflag:s22], $0x4000  }
0x44: {  	[sflag:s22] =	ssyncset.done $0x0  }
0x45: {  	s28 =	sadd.s32 $0x180, s28;
	[sflag:s22] =	ssyncadd.s32 $0xFFFFC000  }
0x46: {  	[tilespmem:s18], [sflag:$0x2] =	stream.indirect.gather [hbm4b:s4+s16], $0x80, s28, s16, $0xb8;
	[tilespmem:$0x1E400] =	vst v63  }
0x47: {  	_ =	swait.ge [sflag:s19], $0x4000  }
0x48: {  	[sflag:s19] =	ssyncset.done $0x0  }
0x49: {  	[sflag:s19] =	ssyncadd.s32 $0xFFFFC000  }
0x4a: {  	[spmem:s1] =	stream.indirect.scatter.add.f32 [tilespmem:s17], [sflag:$0x3], $0x80, s23, s16, $0xb8;
	[tilespmem:$0x1E400] =	vst v63  }
0x4b: {  	_ =	swait.ge [sflag:s20], $0x4000  }
0x4c: {  	[sflag:s20] =	ssyncset.done $0x0  }
0x4d: {  	[sflag:s20] =	ssyncadd.s32 $0xFFFFC000  }
0x4e: {  	[spmem:s1] =	stream.indirect.scatter.add.f32 [tilespmem:s18], [sflag:$0x4], $0x80, s24, s16, $0xb8;
	[tilespmem:$0x1E400] =	vst v63  }
0x4f: {  	_ =	swait.ge [sflag:s21], $0x4000  }
0x50: {  	[sflag:s21] =	ssyncset.done $0x0  }
0x51: {  	[sflag:s21] =	ssyncadd.s32 $0xFFFFC000  }
0x52: {  	_ =	swait.ge [sflag:s22], $0x4000  }
0x53: {  	[sflag:s22] =	ssyncset.done $0x0  }
0x54: {  	s26 =	simm.s32 $0x0;
	[sflag:s22] =	ssyncadd.s32 $0xFFFFC000  }
0x55: {  	[tilespmem:s26], [sflag:$0x5] =	stream.linear.gather [hbm4b:s7+s26], $0x1400, $0x38;
	[tilespmem:$0x1E400] =	vst v63  }
0x56: {  	_ =	swait.ge [sflag:s14], $0x1400  }
0x57: {  	[sflag:s14] =	ssyncset.done $0x0  }
0x58: {  	[sflag:s14] =	ssyncadd.s32 $0xFFFFEC00  }
0x59: {  	[tilespmem:s15], [sflag:$0x5] =	stream.linear.gather [hbm4b:s8+s26], $0x1400, $0x38;
	[tilespmem:$0x1E400] =	vst v63  }
0x5a: {  	_ =	swait.ge [sflag:s14], $0x1400  }
0x5b: {  	[sflag:s14] =	ssyncset.done $0x0  }
0x5c: {  	[sflag:s14] =	ssyncadd.s32 $0xFFFFEC00  }
0x5d: {  	[tilespmem:s17], [sflag:$0x1] =	stream.indirect.gather [hbm4b:s4+s16], $0x80, s26, s16, $0xb8;
	[tilespmem:$0x1E400] =	vst v63  }
0x5e: {  	_ = 	snop  }
0x5f: {  	[tilespmem:s18], [sflag:$0x2] =	stream.indirect.gather [hbm4b:s4+s16], $0x80, s16, s16, $0xb8;
	[tilespmem:$0x1E400] =	vst v63  }
0x60: {  	_ =	swait.ge [sflag:s19], $0x4000  }
0x61: {  	[sflag:s19] =	ssyncset.done $0x0  }
0x62: {  	s29 =	simm.s32 $0x1400;
	[sflag:s19] =	ssyncadd.s32 $0xFFFFC000  }
0x63: {  	[spmem:s1] =	stream.indirect.scatter.add.f32 [tilespmem:s17], [sflag:$0x3], $0x80, s29, s16, $0xb8;
	[tilespmem:$0x1E400] =	vst v63  }
0x64: {  	_ =	swait.ge [sflag:s20], $0x4000  }
0x65: {  	[sflag:s20] =	ssyncset.done $0x0  }
0x66: {  	s30 =	simm.s32 $0x1480;
	[sflag:s20] =	ssyncadd.s32 $0xFFFFC000  }
0x67: {  	[spmem:s1] =	stream.indirect.scatter.add.f32 [tilespmem:s18], [sflag:$0x4], $0x80, s30, s16, $0xb8;
	[tilespmem:$0x1E400] =	vst v63  }
0x68: {  	_ =	swait.ge [sflag:s21], $0x4000  }
0x69: {  	[sflag:s21] =	ssyncset.done $0x0  }
0x6a: {  	s31 =	simm.s32 $0x100;
	[sflag:s21] =	ssyncadd.s32 $0xFFFFC000  }
0x6b: {  	[tilespmem:s17], [sflag:$0x1] =	stream.indirect.gather [hbm4b:s4+s16], $0x80, s31, s16, $0xb8;
	[tilespmem:$0x1E400] =	vst v63  }
0x6c: {  	_ =	swait.ge [sflag:s22], $0x4000  }
0x6d: {  	[sflag:s22] =	ssyncset.done $0x0  }
0x6e: {  	s28 =	simm.s32 $0x180;
	s26 =	simm.s32 $0x400;
	[sflag:s22] =	ssyncadd.s32 $0xFFFFC000  }
.LBB2_4:
0x6f: {  	[tilespmem:s18], [sflag:$0x2] =	stream.indirect.gather [hbm4b:s4+s16], $0x80, s28, s16, $0xb8;
	[tilespmem:$0x1E400] =	vst v63  }
0x70: {  	s28 =	smov.u32 s26  }
0x71: {  	p0 =	sne.s32 s26, $0x4800;
	s26 =	sadd.s32 $0x400, s26;
	_ =	swait.ge [sflag:s19], $0x4000  }
0x72: {  	s28 =	sshra.s32 s28, $0x2;
	[sflag:s19] =	ssyncset.done $0x0  }
0x73: {  	s29 =	sadd.s32 $0x1400, s28;
	[sflag:s19] =	ssyncadd.s32 $0xFFFFC000  }
0x74: {  	[spmem:s1] =	stream.indirect.scatter.add.f32 [tilespmem:s17], [sflag:$0x3], $0x80, s29, s16, $0xb8;
	[tilespmem:$0x1E400] =	vst v63  }
0x75: {  	_ =	swait.ge [sflag:s20], $0x4000  }
0x76: {  	[sflag:s20] =	ssyncset.done $0x0  }
0x77: {  	s29 =	sadd.s32 $0x1480, s28;
	[sflag:s20] =	ssyncadd.s32 $0xFFFFC000  }
0x78: {  	[spmem:s1] =	stream.indirect.scatter.add.f32 [tilespmem:s18], [sflag:$0x4], $0x80, s29, s16, $0xb8;
	[tilespmem:$0x1E400] =	vst v63  }
0x79: {  	_ =	swait.ge [sflag:s21], $0x4000  }
0x7a: {  	[sflag:s21] =	ssyncset.done $0x0  }
.Ltmp1:
0x7b: {  	s29 =	sadd.s32 $0x100, s28;
	[sflag:s21] =	ssyncadd.s32 $0xFFFFC000;
	(pc) =	sbr.rel @p0 .LBB2_4-.Ltmp1, $4  }
0x7c: {  	[tilespmem:s17], [sflag:$0x1] =	stream.indirect.gather [hbm4b:s4+s16], $0x80, s29, s16, $0xb8;
	[tilespmem:$0x1E400] =	vst v63  }
0x7d: {  	_ =	swait.ge [sflag:s22], $0x4000  }
0x7e: {  	[sflag:s22] =	ssyncset.done $0x0  }
0x7f: {  	s28 =	sadd.s32 $0x180, s28;
	[sflag:s22] =	ssyncadd.s32 $0xFFFFC000  }
0x80: {  	[tilespmem:s18], [sflag:$0x2] =	stream.indirect.gather [hbm4b:s4+s16], $0x80, s28, s16, $0xb8;
	[tilespmem:$0x1E400] =	vst v63  }
0x81: {  	_ =	swait.ge [sflag:s19], $0x4000  }
0x82: {  	[sflag:s19] =	ssyncset.done $0x0  }
0x83: {  	[sflag:s19] =	ssyncadd.s32 $0xFFFFC000  }
0x84: {  	[spmem:s1] =	stream.indirect.scatter.add.f32 [tilespmem:s17], [sflag:$0x3], $0x80, s23, s16, $0xb8;
	[tilespmem:$0x1E400] =	vst v63  }
0x85: {  	_ =	swait.ge [sflag:s20], $0x4000  }
0x86: {  	[sflag:s20] =	ssyncset.done $0x0  }
0x87: {  	[sflag:s20] =	ssyncadd.s32 $0xFFFFC000  }
0x88: {  	[spmem:s1] =	stream.indirect.scatter.add.f32 [tilespmem:s18], [sflag:$0x4], $0x80, s24, s16, $0xb8;
	[tilespmem:$0x1E400] =	vst v63  }
0x89: {  	_ =	swait.ge [sflag:s21], $0x4000  }
0x8a: {  	[sflag:s21] =	ssyncset.done $0x0  }
0x8b: {  	[sflag:s21] =	ssyncadd.s32 $0xFFFFC000  }
0x8c: {  	_ =	swait.ge [sflag:s22], $0x4000  }
0x8d: {  	s25 =	sadd.s32 $0x1, s25;
	[sflag:s22] =	ssyncset.done $0x0  }
0x8e: {  	p0 =	sne.s32 s25, s10;
	[sflag:s22] =	ssyncadd.s32 $0xFFFFC000  }
.Ltmp2:
0x8f: {  	[bflag:$0x0] =	sbarrier.arrive $0xFFFF;
	(pc) =	sbr.rel @p0 .LBB2_1-.Ltmp2, $4  }
0x90: {  	[hbm:s9], [sflag:s12] =	dma.local [spmem:s13], $0x2780  }
0x91: {  	_ =	swait.ge [sflag:s14], $0x2780  }
0x92: {  	[sflag:s14] =	ssyncset.done $0x0  }
0x93: {  	[sflag:s14] =	ssyncadd.s32 $0xFFFFD880  }
0x94: {  	_ =	sfence.sel $0x180000  }
0x95: {  	[bflag:$0x0] =	sbarrier.arrive $0xFFFF  }
0x96: {  	p0 =	sne.s32 s2, $0x0;
	_ =	strace $0x9000004D  }
0x97: {  	s0 =	sadd.s32 @!p0 $0x100000, s0;
	[bflag:$0x2] =	sbarrier.arrive $0xFFFF  }
0x98: {  	[sflag:s0] =	ssyncadd.tile.s32 @!p0 $0x1;
	_ =	shalt  }
.Lfunc_end2:
_tile_overlayer_lowered:
.L_overlay_start_2:
0x99: {  	(tag) =	ssettag $0x2  }
0x9a: {  	s0 =	rddreg [dreg:$0x0];
	s2 =	stileid.u32  }
0x9b: {  	s1 =	rddreg [dreg:$0x1];
	p0 =	sne.s32 s2, $0x0  }
0x9c: {  	s3 =	rddreg [dreg:$0x2];
	[bflag:$0x3] =	sbarrier.arrive $0xFFFF;
	s2 =	simm.s32 @!p0 $0x1C05  }
0x9d: {  	[timem:s3], [sflag:s2] =	dma.local @!p0 [hbm:s0], s1  }
0x9e: {  	s0 =	simm.s32 @!p0 $0x5  }
0x9f: {  	_ =	swait.ge @!p0 [sflag:s0], s1  }
0xa0: {  	s1 =	ssub.s32 @!p0 $0x0, s1;
	[sflag:s0] =	ssyncset.done @!p0 $0x0  }
0xa1: {  	[sflag:s0] =	ssyncadd.s32 @!p0 s1  }
0xa2: {  	[bflag:$0x3] =	sbarrier.arrive $0xFFFF  }
0xa3: {  	_ =	shalt  }

// kernel: kernel.8.cloned.1.call-start
scs
__scs_entry_jumppad:
0x0: {  	(pc) =	sbr.rel $0x88, $3  }
0x1: {  	(tag) =	ssettag $0x0;
	lr =	simm.s32 $0x1  }
0x2: {  	[smem:$0x3F9B] =	sst lr;
	_ =	strace $0xD0000000  }
0x3: {  	_ = 	snop  }
0x4: {  	_ = 	snop  }
0x5: {  	_ = 	snop  }
0x6: {  	_ = 	snop  }
0x7: {  	_ = 	snop  }
__scs_overlays_trampoline_lowered:
0x8: {  	[smem:$0x3FAA] =	sst s0  }
0x9: {  	[smem:$0x3FAB] =	sst s1  }
0xa: {  	[smem:$0x3FAC] =	sst s2  }
0xb: {  	[smem:$0x3FAD] =	sst s3  }
0xc: {  	[smem:$0x3FAE] =	sst s4  }
0xd: {  	[smem:$0x3FAF] =	sst s5  }
0xe: {  	[smem:$0x3FB0] =	sst s6  }
0xf: {  	[smem:$0x3FB1] =	sst s7  }
0x10: {  	[smem:$0x3FB2] =	sst s8  }
0x11: {  	[smem:$0x3FB3] =	sst s9;
	s0 =	simm.s32 @!p0 $0x0  }
0x12: {  	s1 =	sld [smem:$0x3F99];
	s0 =	simm.s32 @p0 $0x1  }
0x13: {  	[smem:$0x3FB4] =	sst s0;
	s0 =	simm.s32 @!p1 $0x0  }
0x14: {  	s2 =	sld [smem:$0x3F98];
	s0 =	simm.s32 @p1 $0x1  }
0x15: {  	[smem:$0x3FB5] =	sst s0;
	s0 =	simm.s32 @!p2 $0x0  }
0x16: {  	s3 =	sld [smem:$0x3FDB];
	s0 =	simm.s32 @p2 $0x1  }
0x17: {  	s4 =	simm.s32 $0x1BF5;
	[smem:$0x3FB7] =	sst s0  }
0x18: {  	s0 =	sld [smem:$0x3F9A];
	_ =	swait.ge [sflag:s4], $0x0  }
0x19: {  	s7 =	sld [smem:$0x3F9B]  }
0x1a: {  	s8 =	sadd.s32 $0xFFFFE003, lr  }
0x1b: {  	s9 =	sadd.s32 $0xFFFFFEF7, lr;
	s5 =	simm.s32 $0xFFFFFFFF;
	p2 =	slt.u32 s8, $0xFFFFF086  }
0x1c: {  	p1 =	slt.u32 s9, $0xF7A;
	s5 =	simm.s32 @!p2 $0x0  }
0x1d: {  	s5 =	simm.s32 @p1 $0x1;
	p0 =	seq.s32 s7, s2  }
0x1e: {  	s7 =	smul.u32 @!p0 $0xF7A, s2;
	p2 =	seq.s32 @!p0 s5, $0x0  }
0x1f: {  	s9 =	smul.u32 $0xF7A, s1;
	s8 =	simm.s32 @!p0 $0x1BF5;
	p2 =	por !p2, p0  }
0x20: {  	[sflag:s8] =	ssyncset.s32 @!p0 $0xFFFFF086;
	s6 =	sadd.s32 @!p0 s3, s7;
	s7 =	simm.s32 @!p0 $0x108  }
0x21: {  	s3 =	sadd.s32 s3, s9;
	s6 =	sadd.s32 @!p0 $0x88, s6;
	s7 =	simm.s32 @p2 $0x1082  }
0x22: {  	[simem:s7], [sflag:s8] =	dma.local @!p0 [hbm:s6], $0xF7A  }
0x23: {  	s9 =	sor.u32 $0xD0000000, s2;
	s6 =	simm.s32 $0x108;
	_ =	swait.ge @!p0 [sflag:s8], $0x0  }
0x24: {  	s3 =	sadd.s32 $0x88, s3;
	s6 =	simm.s32 @!p1 $0x1082;
	[sflag:s4] =	ssyncset.s32 $0xFFFFF086  }
0x25: {  	[simem:s6], [sflag:s4] =	dma.local [hbm:s3], $0xF7A  }
0x26: {  	[smem:$0x3F9B] =	sst s1;
	(tag) =	ssettag s2;
	_ =	strace s9  }
0x27: {  	s1 =	sld [smem:$0x3FAB]  }
0x28: {  	s2 =	sld [smem:$0x3FAC]  }
0x29: {  	s4 =	sld [smem:$0x3FAE]  }
0x2a: {  	p0 =	seq.s32 s5, $0x0;
	s5 =	sld [smem:$0x3FAF]  }
0x2b: {  	s6 =	sld [smem:$0x3FB0]  }
0x2c: {  	s7 =	sld [smem:$0x3FB1]  }
0x2d: {  	s3 =	simm.s32 $0x108;
	s8 =	sld [smem:$0x3FB2]  }
0x2e: {  	s3 =	simm.s32 @!p0 $0x1082;
	s9 =	sld [smem:$0x3FB3]  }
0x2f: {  	lr =	sadd.s32 s0, s3;
	s0 =	sld [smem:$0x3FAA]  }
0x30: {  	s3 =	sld [smem:$0x3FAD]  }
0x31: {  	[smem:$0x3FB6] =	sst s10  }
0x32: {  	s10 =	sld [smem:$0x3FB4];
	_ =	sdelay $0x3  }
0x33: {  	p0 =	seq.s32 s10, $0x1;
	s10 =	sld [smem:$0x3FB6];
	_ =	sdelay $0x3  }
0x34: {  	[smem:$0x3FB6] =	sst s10  }
0x35: {  	s10 =	sld [smem:$0x3FB5];
	_ =	sdelay $0x3  }
0x36: {  	p1 =	seq.s32 s10, $0x1;
	s10 =	sld [smem:$0x3FB6];
	_ =	sdelay $0x3  }
0x37: {  	[smem:$0x3FB6] =	sst s10  }
0x38: {  	s10 =	sld [smem:$0x3FB7]  }
0x39: {  	_ = 	snop;
	(pc) =	sbr.ind lr, $3  }
0x3a: {  	_ = 	snop  }
0x3b: {  	_ = 	snop  }
0x3c: {  	p2 =	seq.s32 s10, $0x1;
	s10 =	sld [smem:$0x3FB6]  }
0x3d: {  	_ =	shalt  }
0x3e: {  	_ =	shalt  }
0x3f: {  	_ =	shalt  }
0x40: {  	_ =	shalt  }
0x41: {  	_ =	shalt  }
0x42: {  	_ =	shalt  }
0x43: {  	_ =	shalt  }
0x44: {  	_ =	shalt  }
0x45: {  	_ =	shalt  }
0x46: {  	_ =	shalt  }
0x47: {  	_ =	shalt  }
0x48: {  	_ =	shalt  }
0x49: {  	_ =	shalt  }
0x4a: {  	_ =	shalt  }
0x4b: {  	_ =	shalt  }
0x4c: {  	_ =	shalt  }
0x4d: {  	_ =	shalt  }
0x4e: {  	_ =	shalt  }
0x4f: {  	_ =	shalt  }
0x50: {  	_ =	shalt  }
0x51: {  	_ =	shalt  }
0x52: {  	_ =	shalt  }
0x53: {  	_ =	shalt  }
0x54: {  	_ =	shalt  }
0x55: {  	_ =	shalt  }
0x56: {  	_ =	shalt  }
0x57: {  	_ =	shalt  }
0x58: {  	_ =	shalt  }
0x59: {  	_ =	shalt  }
0x5a: {  	_ =	shalt  }
0x5b: {  	_ =	shalt  }
0x5c: {  	_ =	shalt  }
0x5d: {  	_ =	shalt  }
0x5e: {  	_ =	shalt  }
0x5f: {  	_ =	shalt  }
0x60: {  	_ =	shalt  }
0x61: {  	_ =	shalt  }
0x62: {  	_ =	shalt  }
0x63: {  	_ =	shalt  }
0x64: {  	_ =	shalt  }
0x65: {  	_ =	shalt  }
0x66: {  	_ =	shalt  }
0x67: {  	_ =	shalt  }
0x68: {  	_ =	shalt  }
0x69: {  	_ =	shalt  }
0x6a: {  	_ =	shalt  }
0x6b: {  	_ =	shalt  }
0x6c: {  	_ =	shalt  }
0x6d: {  	_ =	shalt  }
0x6e: {  	_ =	shalt  }
0x6f: {  	_ =	shalt  }
0x70: {  	_ =	shalt  }
0x71: {  	_ =	shalt  }
0x72: {  	_ =	shalt  }
0x73: {  	_ =	shalt  }
0x74: {  	_ =	shalt  }
0x75: {  	_ =	shalt  }
0x76: {  	_ =	shalt  }
0x77: {  	_ =	shalt  }
0x78: {  	_ =	shalt  }
0x79: {  	_ =	shalt  }
0x7a: {  	_ =	shalt  }
0x7b: {  	_ =	shalt  }
0x7c: {  	_ =	shalt  }
0x7d: {  	_ =	shalt  }
0x7e: {  	_ =	shalt  }
0x7f: {  	_ =	shalt  }
0x80: {  	_ =	shalt  }
0x81: {  	_ =	shalt  }
0x82: {  	_ =	shalt  }
0x83: {  	_ =	shalt  }
0x84: {  	_ =	shalt  }
0x85: {  	_ =	shalt  }
0x86: {  	_ =	shalt  }
0x87: {  	_ =	shalt  }
.Lfunc_end0:
.L_simem_size_0:
called_computation_lowered:
.L_overlay_start_0:
0x88: {  	s2 =	sld [smem:$0x3FD9]  }
0x89: {  	s3 =	sld [smem:$0x3FFE];
	_ =	sdelay $0x1  }
0x8a: {  	s1 =	srdreg.scid  }
0x8b: {  	s0 =	sand.u32 $0x1, s1  }
0x8c: {  	s17 =	sshll.u32 s0, $0xA;
	s2 =	sadd.s32 s3, s2  }
0x8d: {  	s2 =	sadd.s32 s2, s17  }
0x8e: {  	[smem:$0x3FC2] =	sst s2  }
0x8f: {  	_ = 	snop  }
0x90: {  	s2 =	sld [smem:$0x3FD0];
	(tm) =	ssettm $0x1  }
0x91: {  	s18 =	sld [smem:$0x3FFB];
	_ =	sdelay $0x3  }
0x92: {  	_ =	strace s18  }
0x93: {  	s3 =	sld [smem:$0x3FFC];
	_ =	sdelay $0x3  }
0x94: {  	_ =	strace s3  }
0x95: {  	s3 =	sld [smem:$0x3FFD];
	_ =	sdelay $0x3  }
0x96: {  	_ =	strace s3  }
0x97: {  	_ =	strace $0x8FFFFFFF  }
0x98: {  	s19 =	sld [smem:$0x3FDB];
	_ =	sdelay $0x1  }
0x99: {  	s4 =	simm.s32 $_scs_section_size  }
0x9a: {  	s5 =	simm.s32 $_size__tile_overlayer_lowered;
	s6 =	simm.s32 $_tile_overlayer_lowered  }
0x9b: {  	s22 =	simm.s32 $0x1BFF;
	s21 =	sshll.u32 s6, $0x1;
	s3 =	sadd.s32 s4, s19  }
0x9c: {  	s7 =	simm.s32 $0x0;
	s20 =	sshll.u32 s5, $0x1;
	s5 =	sadd.s32 s21, s3  }
0x9d: {  	[timem:s7], [sflag:s22] =	dma.local [hbm:s5], s20  }
0x9e: {  	_ =	swait.ge [sflag:s22], s20  }
0x9f: {  	s4 =	ssub.s32 $0x0, s20;
	[sflag:s22] =	ssyncset.done $0x0  }
0xa0: {  	[sflag:s22] =	ssyncadd.s32 s4;
	_ =	sdelay $0x1  }
0xa1: {  	s23 =	simm.s32 $0x1B8B  }
0xa2: {  	_ =	swait.ge [sflag:s23], $0x1  }
0xa3: {  	[sflag:s23] =	ssyncset.done $0x0  }
0xa4: {  	s25 =	simm.s32 $0x1B8E;
	s24 =	sld [smem:$0x3FFE];
	[sflag:s23] =	ssyncadd.s32 $0xFFFFFFFF  }
0xa5: {  	s26 =	simm.s32 $execute0_lowered;
	[smem:$0x3FD2] =	sst s25  }
0xa6: {  	s5 =	sshll.u32 s26, $0x1;
	_ =	strace $0x80000046;
	[dreg:$0x1] =	wrdreg $0xFFFFFFFF  }
0xa7: {  	s28 =	simm.s32 $_size_execute0_lowered;
	s3 =	sadd.s32 s3, s5;
	[dreg:$0x0] =	wrdreg $0x0  }
0xa8: {  	s5 =	sshll.u32 s28, $0x1;
	[dreg:$0x2] =	wrdreg s3  }
0xa9: {  	[dreg:$0x3] =	wrdreg s5  }
0xaa: {  	[dreg:$0x4] =	wrdreg $0xC0  }
0xab: {  	_ =	task [dreg:s7], $0x5FFFF  }
0xac: {  	[dreg:$0x1] =	wrdreg $0xFFFFFFFF  }
0xad: {  	[dreg:$0x0] =	wrdreg $0x60  }
0xae: {  	[dreg:$0x2] =	wrdreg s2  }
0xaf: {  	[dreg:$0x3] =	wrdreg s24  }
0xb0: {  	[dreg:$0x4] =	wrdreg $0x2B000  }
0xb1: {  	[dreg:$0x5] =	wrdreg $0x9  }
0xb2: {  	_ =	task.clear_ibuf [dreg:s7], $0x6FFFF;
	_ =	strace $0x90000046  }
0xb3: {  	s29 =	simm.s32 $0x9;
	_ =	strace $0x80000048  }
0xb4: {  	_ =	swait.ge [sflag:s29], $0x1  }
0xb5: {  	[sflag:s29] =	ssyncadd.s32 $0xFFFFFFFF  }
0xb6: {  	_ =	strace $0x90000048  }
0xb7: {  	_ =	sfence  }
0xb8: {  	s30 =	sld [smem:$0x0];
	_ =	sdelay $0x2  }
0xb9: {  	s31 =	sshll.u32 s1, $0xD;
	s1 =	sshrl.u32 s1, $0x2  }
0xba: {  	s3 =	sand.u32 $0x4000, s31;
	s1 =	sadd.s32 s1, s30  }
0xbb: {  	s0 =	sor.u32 s3, s0;
	s1 =	sshll.u32 s1, $0x11  }
0xbc: {  	s0 =	sor.u32 s1, s0  }
0xbd: {  	s0 =	sadd.s32 $0x8F2B, s0  }
0xbe: {  	[sflag:s0] =	ssyncadd.remote.s32 $0x1  }
0xbf: {  	_ =	sfence.sel $0xFFFF  }
0xc0: {  	[dreg:$0x0] =	wrdreg $0xFFFFFFFF;
	(pc) =	sbr.abs _section_cstart, $3  }
0xc1: {  	[dreg:$0x1] =	wrdreg $0xFFFFFFFF  }
0xc2: {  	_ =	task.clear_ibuf [dreg:s7], $0x2FFFF;
	_ =	strace $0x9FFFFFFF  }
0xc3: {  	(tm) =	ssettm $0x7FFFFFFF  }
tec
execute0_lowered:
.L_overlay_start_1:
0x0: {  	(tag) =	ssettag $0x1  }
0x1: {  	s4 =	rddreg [dreg:$0x0]  }
0x2: {  	s5 =	rddreg [dreg:$0x1]  }
0x3: {  	s2 =	rddreg [dreg:$0x2];
	s3 =	srdreg.scid  }
0x4: {  	s1 =	stileid.u32;
	s0 =	rddreg [dreg:$0x3];
	s11 =	simm.s32 $0x2800  }
0x5: {  	s12 =	simm.s32 $0x1;
	s15 =	simm.s32 $0x0;
	s6 =	sand.u32 $0x1, s3  }
0x6: {  	s7 =	smul.u32 $0x280, s1;
	s3 =	simm.s32 $0x0;
	s9 =	sshll.u32 s1, $0x1  }
0x7: {  	s13 =	sshll.u32 s1, $0x6;
	s8 =	smul.u32 $0x2800, s6;
	[smem:$0x7FF] =	sst s3  }
0x8: {  	s9 =	sor.u32 s6, s9;
	s6 =	ssub.s32 $0x2, s6;
	s13 =	sor.u32 $0x1C02, s13  }
0x9: {  	s9 =	smul.u32 $0x500, s9;
	s10 =	sshrl.u32 s6, $0x1;
	s8 =	sadd.s32 s7, s8  }
0xa: {  	_ =	strace $0x80000047;
	s10 =	ssub.s32 s6, s10;
	s8 =	sshrl.u32 s8, $0x3  }
0xb: {  	s4 =	sadd.s32 s4, s9;
	s9 =	simm.s32 $0x2880;
	s8 =	sadd.s32 s8, s5  }
0xc: {  	s5 =	sadd.s32 s7, s2;
	s7 =	smax.u32 s10, $0x1;
	s10 =	simm.s32 $0x80  }
0xd: {  	v0 =	vimm.f32 $1.000000000e+00;
	v1 =	vimm.f32 $0.0e+00;
	s6 =	sadd.s32 $0x1A00, s8;
	s8 =	simm.s32 $0x2;
	s14 =	sshrl.u32 s5, $0x3  }
.LBB2_1:
0xe: {  	[tilespmem:$0x2800] =	vst v0  }
0xf: {  	[tilespmem:$0x2810] =	vst v0  }
0x10: {  	[tilespmem:$0x2820] =	vst v0  }
0x11: {  	[tilespmem:$0x2830] =	vst v0  }
0x12: {  	[tilespmem:$0x2840] =	vst v0  }
0x13: {  	[tilespmem:$0x2850] =	vst v0  }
0x14: {  	[tilespmem:$0x2860] =	vst v0  }
0x15: {  	[tilespmem:$0x2870] =	vst v0  }
0x16: {  	[tilespmem:$0x2880] =	vst v1  }
0x17: {  	[tilespmem:$0x2890] =	vst v1  }
0x18: {  	[tilespmem:$0x28A0] =	vst v1  }
0x19: {  	[tilespmem:$0x28B0] =	vst v1  }
0x1a: {  	[tilespmem:$0x28C0] =	vst v1  }
0x1b: {  	[tilespmem:$0x28D0] =	vst v1  }
0x1c: {  	[tilespmem:$0x28E0] =	vst v1  }
0x1d: {  	[tilespmem:$0x28F0] =	vst v1  }
0x1e: {  	[tilespmem:$0x2900] =	vst v1  }
0x1f: {  	[tilespmem:$0x2910] =	vst v1  }
0x20: {  	[tilespmem:$0x2920] =	vst v1  }
0x21: {  	[tilespmem:$0x2930] =	vst v1  }
0x22: {  	[tilespmem:$0x2940] =	vst v1  }
0x23: {  	[tilespmem:$0x2950] =	vst v1  }
0x24: {  	[tilespmem:$0x2960] =	vst v1  }
0x25: {  	[tilespmem:$0x2970] =	vst v1  }
0x26: {  	[tilespmem:$0x2980] =	vst v1  }
0x27: {  	[tilespmem:$0x2990] =	vst v1  }
0x28: {  	[tilespmem:$0x29A0] =	vst v1  }
0x29: {  	[tilespmem:$0x29B0] =	vst v1  }
0x2a: {  	[tilespmem:$0x29C0] =	vst v1  }
0x2b: {  	[tilespmem:$0x29D0] =	vst v1  }
0x2c: {  	[tilespmem:$0x29E0] =	vst v1  }
0x2d: {  	[tilespmem:$0x29F0] =	vst v1  }
0x2e: {  	[tilespmem:$0x2A00] =	vst v1  }
0x2f: {  	[tilespmem:$0x2A10] =	vst v1  }
0x30: {  	[tilespmem:$0x2A20] =	vst v1  }
0x31: {  	[tilespmem:$0x2A30] =	vst v1  }
0x32: {  	[tilespmem:$0x2A40] =	vst v1  }
0x33: {  	[tilespmem:$0x2A50] =	vst v1  }
0x34: {  	[tilespmem:$0x2A60] =	vst v1  }
0x35: {  	[tilespmem:$0x2A70] =	vst v1  }
0x36: {  	[tilespmem:$0x2A80] =	vst v1  }
0x37: {  	[tilespmem:$0x2A90] =	vst v1  }
0x38: {  	[tilespmem:$0x2AA0] =	vst v1  }
0x39: {  	[tilespmem:$0x2AB0] =	vst v1  }
0x3a: {  	[tilespmem:$0x2AC0] =	vst v1  }
0x3b: {  	[tilespmem:$0x2AD0] =	vst v1  }
0x3c: {  	[tilespmem:$0x2AE0] =	vst v1  }
0x3d: {  	[tilespmem:$0x2AF0] =	vst v1  }
0x3e: {  	[tilespmem:s3], [sflag:$0x2] =	stream.linear.gather [hbm4b:s4+s3], $0x2800, $0x38;
	[tilespmem:$0x2D80] =	vst v63  }
0x3f: {  	_ =	swait.ge [sflag:s8], $0x2800  }
0x40: {  	[sflag:s8] =	ssyncset.done $0x0  }
0x41: {  	[sflag:s8] =	ssyncadd.s32 $0xFFFFD800  }
0x42: {  	[spmem:s5] =	stream.linear.scatter [tilespmem:s9], [sflag:$0x2], $0x280, $0x38;
	[tilespmem:$0x2D80] =	vst v63  }
0x43: {  	_ =	swait.ge [sflag:s8], $0x280  }
0x44: {  	[sflag:s8] =	ssyncset.done $0x0  }
0x45: {  	p0 =	por $0x1, $0x1;
	[sflag:s8] =	ssyncadd.s32 $0xFFFFFD80  }
0x46: {  	s17 =	simm.s32 @!p0 $0x1;
	[bflag:$0x0] =	sbarrier.arrive $0xFFFF  }
0x47: {  	_ =	swait.ge @!p0 [sflag:s17], $0x80  }
0x48: {  	s16 =	simm.s32 $0x1;
	[sflag:s17] =	ssyncset.done @!p0 $0x0  }
0x49: {  	s18 =	simm.s32 $0x0;
	[sflag:s17] =	ssyncadd.s32 @!p0 $0xFFFFFF80;
	s17 =	simm.s32 $0x80  }
.LBB2_2:
0x4a: {  	[spmem:s2] =	stream.indirect.scatter.add.f32 [tilespmem:s11], [sflag:$0x1], $0x1, s18, s10, $0xb8;
	[tilespmem:$0x2D80] =	vst v63  }
0x4b: {  	p0 =	slt.u32 s16, $0x8;
	s16 =	sadd.s32 $0x1, s16  }
0x4c: {  	p1 =	sne.s32 s16, $0x50  }
.Ltmp0:
0x4d: {  	(pc) =	sbr.rel @p1 .LBB2_2-.Ltmp0, $4  }
0x4e: {  	s18 =	smov.u32 s17;
	s19 =	simm.s32 @!p0 $0x1  }
0x4f: {  	_ =	swait.ge @!p0 [sflag:s19], $0x80  }
0x50: {  	[sflag:s19] =	ssyncset.done @!p0 $0x0  }
0x51: {  	s17 =	sadd.s32 $0x80, s17;
	[sflag:s19] =	ssyncadd.s32 @!p0 $0xFFFFFF80  }
0x52: {  	[spmem:s2] =	stream.indirect.scatter.add.f32 [tilespmem:s11], [sflag:$0x1], $0x1, s18, s10, $0xb8;
	[tilespmem:$0x2D80] =	vst v63  }
0x53: {  	_ =	swait.ge [sflag:s12], $0x80  }
0x54: {  	[sflag:s12] =	ssyncset.done $0x0  }
0x55: {  	[sflag:s12] =	ssyncadd.s32 $0xFFFFFF80  }
0x56: {  	_ =	swait.ge [sflag:s12], $0x80  }
0x57: {  	[sflag:s12] =	ssyncset.done $0x0  }
0x58: {  	[sflag:s12] =	ssyncadd.s32 $0xFFFFFF80  }
0x59: {  	_ =	swait.ge [sflag:s12], $0x80  }
0x5a: {  	[sflag:s12] =	ssyncset.done $0x0  }
0x5b: {  	[sflag:s12] =	ssyncadd.s32 $0xFFFFFF80  }
0x5c: {  	_ =	swait.ge [sflag:s12], $0x80  }
0x5d: {  	[sflag:s12] =	ssyncset.done $0x0  }
0x5e: {  	[sflag:s12] =	ssyncadd.s32 $0xFFFFFF80  }
0x5f: {  	_ =	swait.ge [sflag:s12], $0x80  }
0x60: {  	[sflag:s12] =	ssyncset.done $0x0  }
0x61: {  	[sflag:s12] =	ssyncadd.s32 $0xFFFFFF80  }
0x62: {  	_ =	swait.ge [sflag:s12], $0x80  }
0x63: {  	[sflag:s12] =	ssyncset.done $0x0  }
0x64: {  	[sflag:s12] =	ssyncadd.s32 $0xFFFFFF80  }
0x65: {  	_ =	swait.ge [sflag:s12], $0x80  }
0x66: {  	[sflag:s12] =	ssyncset.done $0x0  }
0x67: {  	[sflag:s12] =	ssyncadd.s32 $0xFFFFFF80  }
0x68: {  	_ =	swait.ge [sflag:s12], $0x80  }
0x69: {  	s15 =	sadd.s32 $0x1, s15;
	[sflag:s12] =	ssyncset.done $0x0  }
0x6a: {  	p0 =	sne.s32 s15, s7;
	[sflag:s12] =	ssyncadd.s32 $0xFFFFFF80  }
.Ltmp1:
0x6b: {  	[bflag:$0x0] =	sbarrier.arrive $0xFFFF;
	(pc) =	sbr.rel @p0 .LBB2_1-.Ltmp1, $4  }
0x6c: {  	[hbm:s6], [sflag:s13] =	dma.local [spmem:s14], $0x50  }
0x6d: {  	_ =	swait.ge [sflag:s8], $0x50  }
0x6e: {  	[sflag:s8] =	ssyncset.done $0x0  }
0x6f: {  	[sflag:s8] =	ssyncadd.s32 $0xFFFFFFB0  }
0x70: {  	_ =	sfence.sel $0x180000  }
0x71: {  	[bflag:$0x0] =	sbarrier.arrive $0xFFFF  }
0x72: {  	p0 =	sne.s32 s1, $0x0;
	_ =	strace $0x90000047  }
0x73: {  	s0 =	sadd.s32 @!p0 $0x100000, s0;
	[bflag:$0x2] =	sbarrier.arrive $0xFFFF  }
0x74: {  	[sflag:s0] =	ssyncadd.tile.s32 @!p0 $0x1;
	_ =	shalt  }
.Lfunc_end2:
_tile_overlayer_lowered:
.L_overlay_start_2:
0x75: {  	(tag) =	ssettag $0x2  }
0x76: {  	s0 =	rddreg [dreg:$0x0];
	s2 =	stileid.u32  }
0x77: {  	s1 =	rddreg [dreg:$0x1];
	p0 =	sne.s32 s2, $0x0  }
0x78: {  	s3 =	rddreg [dreg:$0x2];
	[bflag:$0x3] =	sbarrier.arrive $0xFFFF;
	s2 =	simm.s32 @!p0 $0x1C02  }
0x79: {  	[timem:s3], [sflag:s2] =	dma.local @!p0 [hbm:s0], s1  }
0x7a: {  	s0 =	simm.s32 @!p0 $0x2  }
0x7b: {  	_ =	swait.ge @!p0 [sflag:s0], s1  }
0x7c: {  	s1 =	ssub.s32 @!p0 $0x0, s1;
	[sflag:s0] =	ssyncset.done @!p0 $0x0  }
0x7d: {  	[sflag:s0] =	ssyncadd.s32 @!p0 s1  }
0x7e: {  	[bflag:$0x3] =	sbarrier.arrive $0xFFFF  }
0x7f: {  	_ =	shalt  }

</sc_bundles>
